<compile_context>
chip_gen: v7x
topology: tpu7x:2x2x1
jax: 0.10.2.dev20260603
libtpu: 0.0.44.dev20260713+nightly
codegen_flags: <defaults>
</compile_context>

<pallas_src>
import functools

import jax
import jax.numpy as jnp
from jax import lax
from jax.experimental import pallas as pl
from jax.experimental.pallas import tpu as pltpu
from jax.experimental.pallas import tpu_sc as plsc

D = 64
NC = 2
NS = 16
NW = NC * NS
FLD = 26
BB = 128
NBUF = 2
NB1 = 2
V = 1000000
NSLAB = V // 128
VTAIL = NSLAB * 128


def _diag(lane, s):
    return lax.bitwise_and(lane + s, 15)


@jax.jit
def _sc_pairs(tab_t, tab_tail):
    mesh = plsc.VectorSubcoreMesh(core_axis_name="c", subcore_axis_name="s")
    nslab2 = V // 256
    slab_max = (nslab2 + NW - 1) // NW

    @functools.partial(
        pl.kernel,
        out_type=jax.ShapeDtypeStruct((V // 2, 128), jnp.float32),
        mesh=mesh,
        scratch_types=[
            pltpu.VMEM((NB1, D, 256), jnp.float32),
            pltpu.VMEM((NB1, 128, 128), jnp.float32),
            pltpu.VMEM((D, D), jnp.float32),
            pltpu.VMEM((32, 128), jnp.float32),
            [pltpu.SemaphoreType.DMA] * NB1,
            [pltpu.SemaphoreType.DMA] * NB1,
        ],
        compiler_params=pltpu.CompilerParams(
            use_tc_tiling_on_sc=True, needs_layout_passes=False
        ),
    )
    def k(tabt_hbm, tail_hbm, pairs_hbm, slab_v, pb_v, tsl_v, tpr_v,
          gsems, wsems):
        wid = lax.axis_index("s") * NC + lax.axis_index("c")
        lane = lax.iota(jnp.int32, 16)

        def slab_of(t):
            return wid + NW * t

        def start_in(t, p):
            c = slab_of(t)

            @pl.when(c < nslab2)
            def _():
                pltpu.async_copy(
                    tabt_hbm.at[:, pl.ds(c * 256, 256)],
                    slab_v.at[p],
                    gsems[p],
                )

        def wait_in(t, p):
            c = slab_of(t)

            @pl.when(c < nslab2)
            def _():
                pltpu.make_async_copy(
                    tabt_hbm.at[:, pl.ds(0, 256)], slab_v.at[p], gsems[p]
                ).wait()

        def transpose_pairs(p):
            src = slab_v.at[p]
            dst = pb_v.at[p]

            def step(ij, carry):
                i0 = (ij // 4) * 16
                d0 = (ij % 4) * 16
                colv = i0 + lane
                r2 = lax.shift_right_logical(colv, 1)
                c2d = lax.shift_left(lax.bitwise_and(colv, 1), 6) + d0
                for s in range(16):
                    perm = _diag(lane, s)
                    v = plsc.load_gather(src, [d0 + perm, colv])
                    plsc.store_scatter(dst, [r2, c2d + perm], v)
                return carry

            lax.fori_loop(0, 64, step, 0, unroll=False)

        def start_out(t, p):
            c = slab_of(t)

            @pl.when(c < nslab2)
            def _():
                pltpu.async_copy(
                    pb_v.at[p], pairs_hbm.at[pl.ds(c * 128, 128)], wsems[p]
                )

        def wait_out(t, p):
            c = slab_of(t)

            @pl.when(c < nslab2)
            def _():
                pltpu.make_async_copy(
                    pb_v.at[p], pairs_hbm.at[pl.ds(0, 128)], wsems[p]
                ).wait()

        for p in range(NB1):
            start_in(p, p)

        def body(g, carry):
            for p in range(NB1):
                t = g * NB1 + p
                wait_in(t, p)

                @pl.when(g > 0)
                def _():
                    wait_out(t - NB1, p)

                @pl.when(slab_of(t) < nslab2)
                def _():
                    transpose_pairs(p)

                start_out(t, p)
                start_in(t + NB1, p)
            return carry

        nloop = (slab_max + NB1 - 1) // NB1
        lax.fori_loop(0, nloop, body, 0, unroll=False)
        for p in range(NB1):
            wait_out(nloop * NB1 - NB1 + p, p)

        @pl.when(wid == 0)
        def _():
            pltpu.sync_copy(tail_hbm, tsl_v)

            def tstep(ij, carry):
                q0 = (ij // 2) * 16
                j0 = (ij % 2) * 16
                rowv = lax.bitwise_and(q0 + lane, 63)
                hp = lax.shift_right_logical(q0 + lane, 6)
                for s in range(16):
                    jj = j0 + _diag(lane, s)
                    colv = jj * 2 + hp
                    v = plsc.load_gather(tsl_v, [rowv, colv])
                    plsc.store_scatter(tpr_v, [jj, q0 + lane], v)
                return carry

            lax.fori_loop(0, 16, tstep, 0, unroll=False)
            pltpu.sync_copy(tpr_v, pairs_hbm.at[pl.ds(VTAIL // 2, 32)])

    return k(tab_t, tab_tail)


@jax.jit
def _sc_gather(idx_fmaj, pairs):
    batch = idx_fmaj.shape[0] // FLD
    nbc = batch // BB
    nblk = FLD * nbc
    blk_per_w = nblk // NW
    n_idx = blk_per_w * BB
    mesh = plsc.VectorSubcoreMesh(core_axis_name="c", subcore_axis_name="s")

    @functools.partial(
        pl.kernel,
        out_type=jax.ShapeDtypeStruct((FLD, 8, nbc, 8, BB), jnp.float32),
        mesh=mesh,
        scratch_types=[
            pltpu.VMEM((n_idx,), jnp.int32),
            pltpu.VMEM((n_idx,), jnp.int32),
            pltpu.VMEM((NBUF, BB, 128), jnp.float32),
            pltpu.VMEM((NBUF, D, BB), jnp.float32),
            [pltpu.SemaphoreType.DMA] * NBUF,
            [pltpu.SemaphoreType.DMA] * NBUF,
        ],
        compiler_params=pltpu.CompilerParams(
            use_tc_tiling_on_sc=True, needs_layout_passes=False
        ),
    )
    def k(idx_hbm, pairs_hbm, out_hbm, idx_v, jdx_v, rows_v, tr_v,
          gsems, wsems):
        wid = lax.axis_index("s") * NC + lax.axis_index("c")
        blk0 = wid * blk_per_w
        pltpu.sync_copy(idx_hbm.at[pl.ds(blk0 * BB, n_idx)], idx_v)
        lane = lax.iota(jnp.int32, 16)

        def mkpairs(i, carry):
            v = idx_v[pl.ds(i * 16, 16)]
            jdx_v[pl.ds(i * 16, 16)] = lax.shift_right_logical(v, 1)
            return carry

        lax.fori_loop(0, n_idx // 16, mkpairs, 0, unroll=False)

        def start_gather(kk, p):
            pltpu.async_copy(
                pairs_hbm.at[jdx_v.at[pl.ds(kk * BB, BB)]],
                rows_v.at[p],
                gsems[p],
            )

        def wait_gather(p):
            pltpu.make_async_copy(
                pairs_hbm.at[jdx_v.at[pl.ds(0, BB)]], rows_v.at[p], gsems[p]
            ).wait()

        def transpose(kk, p):
            src = rows_v.at[p]
            dst = tr_v.at[p]

            def step(ij, carry):
                i = ij // 4
                d0 = (ij % 4) * 16
                rowv = lane + i * 16
                iv = idx_v[pl.ds(kk * BB + i * 16, 16)]
                hv64 = lax.shift_left(lax.bitwise_and(iv, 1), 6)
                for s in range(16):
                    perm = _diag(lane, s) + d0
                    v = plsc.load_gather(src, [rowv, perm + hv64])
                    plsc.store_scatter(dst, [perm, rowv], v)
                return carry

            lax.fori_loop(0, (BB // 16) * 4, step, 0, unroll=False)

        def start_write(kk, p):
            blk = blk0 + kk
            f = blk // nbc
            bc = blk % nbc
            for d8 in range(8):
                pltpu.async_copy(
                    tr_v.at[p].at[pl.ds(d8 * 8, 8)],
                    out_hbm.at[f, d8, bc],
                    wsems[p],
                )

        def wait_write(p):
            for d8 in range(8):
                pltpu.make_async_copy(
                    tr_v.at[p].at[pl.ds(d8 * 8, 8)],
                    out_hbm.at[0, 0, 0],
                    wsems[p],
                ).wait()

        for p in range(NBUF):
            start_gather(p, p)

        def body(g, carry):
            for p in range(NBUF):
                kk = g * NBUF + p
                wait_gather(p)

                @pl.when(g > 0)
                def _():
                    wait_write(p)

                transpose(kk, p)
                start_write(kk, p)

                @pl.when(kk + NBUF < blk_per_w)
                def _():
                    start_gather(kk + NBUF, p)

            return carry

        lax.fori_loop(0, blk_per_w // NBUF, body, 0, unroll=False)
        for p in range(NBUF):
            wait_write(p)

    return k(idx_fmaj, pairs)


def kernel(category_ids, embedding_table):
    batch, fields = category_ids.shape
    idx_fmaj = category_ids.T.reshape(batch * fields).astype(jnp.int32)
    tab_t = embedding_table.T
    tab_tail = embedding_table[VTAIL:].T
    pairs = _sc_pairs(tab_t, tab_tail)
    out5 = _sc_gather(idx_fmaj, pairs)
    return out5.transpose((2, 4, 0, 1, 3)).reshape(batch, fields, D)

# --- scband reference (transcript-rebuilt; emitter-appended) ---
"""Pipeline reference for scband-category-encoder-19524921328135 (READ-ONLY COPY).

The authoritative reference and input builder live on the scoring server;
editing this copy changes nothing except your own understanding.
"""

import jax, jax.numpy as jnp
import numpy as np

NUM_CATEGORIES = 1000000
EMBEDDING_DIM = 64
BATCH = 16384
FIELDS = 26

def setup_inputs(seed: int = 0) -> dict:
    key = jax.random.key(seed)
    k_idx, k_tab = jax.random.split(key)
    category_ids = jax.random.randint(k_idx, (BATCH, FIELDS), 0, NUM_CATEGORIES, dtype=jnp.int64 if jax.config.jax_enable_x64 else jnp.int32)
    embedding_table = jax.random.normal(k_tab, (NUM_CATEGORIES, EMBEDDING_DIM), dtype=jnp.float32)
    return {"category_ids": category_ids, "embedding_table": embedding_table}

def reference(category_ids, embedding_table):
    # nn.Embedding forward: gather rows of the table by index
    return jnp.take(embedding_table, category_ids, axis=0)

if __name__ == "__main__":
    import jax
    _d = setup_inputs()
    print(jax.jit(kernel)(*tuple(_d.values())))

</pallas_src>

<mosaic_0001>
#map = affine_map<(d0, d1) -> (0, 0)>
module attributes {stable_mosaic.version = 14 : i64} {
  func.func @k(%arg0: i32, %arg1: i32, %arg2: memref<64x1000000xf32, #tpu.memory_space<hbm>>, %arg3: memref<64x64xf32, #tpu.memory_space<hbm>>, %arg4: memref<500000x128xf32, #tpu.memory_space<hbm>>, %arg5: memref<2x64x256xf32, #tpu.memory_space<vmem>>, %arg6: memref<2x128x128xf32, #tpu.memory_space<vmem>>, %arg7: memref<64x64xf32, #tpu.memory_space<vmem>>, %arg8: memref<32x128xf32, #tpu.memory_space<vmem>>, %arg9: memref<!tpu.dma_semaphore, #tpu.memory_space<semaphore_mem>>, %arg10: memref<!tpu.dma_semaphore, #tpu.memory_space<semaphore_mem>>, %arg11: memref<!tpu.dma_semaphore, #tpu.memory_space<semaphore_mem>>, %arg12: memref<!tpu.dma_semaphore, #tpu.memory_space<semaphore_mem>>) attributes {dimension_semantics = [#tpu.dimension_semantics<core_parallel>, #tpu.dimension_semantics<subcore_parallel>], iteration_bounds = array<i64: 2, 16>, scalar_prefetch = 0 : i64, scratch_operands = 8 : i64, tpu.core_type = #tpu.core_type<sc_vector_subcore>, window_params = [{transform_indices = #map}, {transform_indices = #map}, {transform_indices = #map}]} {
    %mul3A = arith.constant 2 : i32
    %mul3A_0 = arith.muli %arg1, %mul3A : i32
    %add3A = arith.addi %mul3A_0, %arg0 : i32
    %iota3A = tpu.iota {dimensions = array<i32: 0>} : vector<16xi32>
    %add3A_1 = arith.constant 0 : i32
    %add3A_2 = arith.addi %add3A, %add3A_1 : i32
    %lt3A = arith.constant 3906 : i32
    %lt3A_3 = arith.cmpi slt, %add3A_2, %lt3A : i32
    %convert_element_type3A = arith.extui %lt3A_3 : i1 to i32
    %cond3A = arith.constant 0 : i32
    %cond3A_4 = arith.cmpi ne, %convert_element_type3A, %cond3A : i32
    scf.if %cond3A_4 {
      %mul3A_35 = arith.constant 256 : i32
      %mul3A_36 = arith.muli %add3A_2, %mul3A_35 : i32
      %dma_start3A = arith.constant 0 : i32
      %dma_start3A_37 = arith.constant 0 : i32
      %dma_start3A_38 = arith.constant 0 : i32
      %dma_start3A_39 = tpu.memref_slice %arg5[%dma_start3A, %dma_start3A_37, %dma_start3A_38] : memref<2x64x256xf32, #tpu.memory_space<vmem>> -> memref<1x64x256xf32, #tpu.memory_space<vmem>>
      %dma_start3A_40 = tpu.memref_squeeze %dma_start3A_39 : memref<1x64x256xf32, #tpu.memory_space<vmem>> -> memref<64x256xf32, #tpu.memory_space<vmem>>
      %dma_start3A_41 = arith.constant 0 : i32
      %dma_start3A_42 = tpu.memref_slice %arg2[%dma_start3A_41, %mul3A_36] : memref<64x1000000xf32, #tpu.memory_space<hbm>> -> memref<64x256xf32, #tpu.memory_space<hbm>>
      %dma_start3A_43 = arith.constant 0 : i32
      %dma_start3A_44 = arith.constant 0 : i32
      %dma_start3A_45 = tpu.memref_slice %arg5[%dma_start3A, %dma_start3A_43, %dma_start3A_44] : memref<2x64x256xf32, #tpu.memory_space<vmem>> -> memref<1x64x256xf32, #tpu.memory_space<vmem>>
      %dma_start3A_46 = tpu.memref_squeeze %dma_start3A_45 : memref<1x64x256xf32, #tpu.memory_space<vmem>> -> memref<64x256xf32, #tpu.memory_space<vmem>>
      %dma_start3A_47 = arith.constant 0 : i32
      %dma_start3A_48 = tpu.memref_slice %arg2[%dma_start3A_47, %mul3A_36] : memref<64x1000000xf32, #tpu.memory_space<hbm>> -> memref<64x256xf32, #tpu.memory_space<hbm>>
      tpu.enqueue_dma source(%dma_start3A_48 : memref<64x256xf32, #tpu.memory_space<hbm>>) target(%dma_start3A_46 : memref<64x256xf32, #tpu.memory_space<vmem>>) target_semaphore(%arg9 : memref<!tpu.dma_semaphore, #tpu.memory_space<semaphore_mem>>)
    } else {
    }
    %add3A_5 = arith.constant 32 : i32
    %add3A_6 = arith.addi %add3A, %add3A_5 : i32
    %lt3A_7 = arith.constant 3906 : i32
    %lt3A_8 = arith.cmpi slt, %add3A_6, %lt3A_7 : i32
    %convert_element_type3A_9 = arith.extui %lt3A_8 : i1 to i32
    %cond3A_10 = arith.constant 0 : i32
    %cond3A_11 = arith.cmpi ne, %convert_element_type3A_9, %cond3A_10 : i32
    scf.if %cond3A_11 {
      %mul3A_35 = arith.constant 256 : i32
      %mul3A_36 = arith.muli %add3A_6, %mul3A_35 : i32
      %dma_start3A = arith.constant 1 : i32
      %dma_start3A_37 = arith.constant 0 : i32
      %dma_start3A_38 = arith.constant 0 : i32
      %dma_start3A_39 = tpu.memref_slice %arg5[%dma_start3A, %dma_start3A_37, %dma_start3A_38] : memref<2x64x256xf32, #tpu.memory_space<vmem>> -> memref<1x64x256xf32, #tpu.memory_space<vmem>>
      %dma_start3A_40 = tpu.memref_squeeze %dma_start3A_39 : memref<1x64x256xf32, #tpu.memory_space<vmem>> -> memref<64x256xf32, #tpu.memory_space<vmem>>
      %dma_start3A_41 = arith.constant 0 : i32
      %dma_start3A_42 = tpu.memref_slice %arg2[%dma_start3A_41, %mul3A_36] : memref<64x1000000xf32, #tpu.memory_space<hbm>> -> memref<64x256xf32, #tpu.memory_space<hbm>>
      %dma_start3A_43 = arith.constant 0 : i32
      %dma_start3A_44 = arith.constant 0 : i32
      %dma_start3A_45 = tpu.memref_slice %arg5[%dma_start3A, %dma_start3A_43, %dma_start3A_44] : memref<2x64x256xf32, #tpu.memory_space<vmem>> -> memref<1x64x256xf32, #tpu.memory_space<vmem>>
      %dma_start3A_46 = tpu.memref_squeeze %dma_start3A_45 : memref<1x64x256xf32, #tpu.memory_space<vmem>> -> memref<64x256xf32, #tpu.memory_space<vmem>>
      %dma_start3A_47 = arith.constant 0 : i32
      %dma_start3A_48 = tpu.memref_slice %arg2[%dma_start3A_47, %mul3A_36] : memref<64x1000000xf32, #tpu.memory_space<hbm>> -> memref<64x256xf32, #tpu.memory_space<hbm>>
      tpu.enqueue_dma source(%dma_start3A_48 : memref<64x256xf32, #tpu.memory_space<hbm>>) target(%dma_start3A_46 : memref<64x256xf32, #tpu.memory_space<vmem>>) target_semaphore(%arg10 : memref<!tpu.dma_semaphore, #tpu.memory_space<semaphore_mem>>)
    } else {
    }
    %scan3A = arith.constant 0 : i32
    %scan3A_12 = arith.constant 0 : i32
    %scan3A_13 = arith.constant 62 : i32
    %scan3A_14 = arith.addi %scan3A_12, %scan3A_13 : i32
    %scan3A_15 = arith.constant 1 : i32
    scf.for %scan3A_35 = %scan3A_12 to %scan3A_14 step %scan3A_15  : i32 {
      %mul3A_36 = arith.constant 2 : i32
      %mul3A_37 = arith.muli %scan3A_35, %mul3A_36 : i32
      %add3A_38 = arith.constant 0 : i32
      %add3A_39 = arith.addi %mul3A_37, %add3A_38 : i32
      %mul3A_40 = arith.constant 32 : i32
      %mul3A_41 = arith.muli %mul3A_40, %add3A_39 : i32
      %add3A_42 = arith.addi %add3A, %mul3A_41 : i32
      %lt3A_43 = arith.constant 3906 : i32
      %lt3A_44 = arith.cmpi slt, %add3A_42, %lt3A_43 : i32
      %convert_element_type3A_45 = arith.extui %lt3A_44 : i1 to i32
      %cond3A_46 = arith.constant 0 : i32
      %cond3A_47 = arith.cmpi ne, %convert_element_type3A_45, %cond3A_46 : i32
      scf.if %cond3A_47 {
        %dma_wait3A = arith.constant 0 : i32
        %dma_wait3A_121 = arith.constant 0 : i32
        %dma_wait3A_122 = arith.constant 0 : i32
        %dma_wait3A_123 = tpu.memref_slice %arg5[%dma_wait3A, %dma_wait3A_121, %dma_wait3A_122] : memref<2x64x256xf32, #tpu.memory_space<vmem>> -> memref<1x64x256xf32, #tpu.memory_space<vmem>>
        %dma_wait3A_124 = tpu.memref_squeeze %dma_wait3A_123 : memref<1x64x256xf32, #tpu.memory_space<vmem>> -> memref<64x256xf32, #tpu.memory_space<vmem>>
        %dma_wait3A_125 = arith.constant 0 : i32
        %dma_wait3A_126 = arith.constant 0 : i32
        %dma_wait3A_127 = tpu.memref_slice %arg2[%dma_wait3A_125, %dma_wait3A_126] : memref<64x1000000xf32, #tpu.memory_space<hbm>> -> memref<64x256xf32, #tpu.memory_space<hbm>>
        %dma_wait3A_128 = arith.constant 0 : i32
        %dma_wait3A_129 = arith.constant 0 : i32
        %dma_wait3A_130 = tpu.memref_slice %arg5[%dma_wait3A, %dma_wait3A_128, %dma_wait3A_129] : memref<2x64x256xf32, #tpu.memory_space<vmem>> -> memref<1x64x256xf32, #tpu.memory_space<vmem>>
        %dma_wait3A_131 = tpu.memref_squeeze %dma_wait3A_130 : memref<1x64x256xf32, #tpu.memory_space<vmem>> -> memref<64x256xf32, #tpu.memory_space<vmem>>
        %dma_wait3A_132 = arith.constant 0 : i32
        %dma_wait3A_133 = arith.constant 0 : i32
        %dma_wait3A_134 = tpu.memref_slice %arg2[%dma_wait3A_132, %dma_wait3A_133] : memref<64x1000000xf32, #tpu.memory_space<hbm>> -> memref<64x256xf32, #tpu.memory_space<hbm>>
        tpu.wait_dma2 semaphore(%arg9 : memref<!tpu.dma_semaphore, #tpu.memory_space<semaphore_mem>>) src(%dma_wait3A_134 : memref<64x256xf32, #tpu.memory_space<hbm>>) dst(%dma_wait3A_131 : memref<64x256xf32, #tpu.memory_space<vmem>>)
      } else {
      }
      %gt3A = arith.constant 0 : i32
      %gt3A_48 = arith.cmpi sgt, %scan3A_35, %gt3A : i32
      %convert_element_type3A_49 = arith.extui %gt3A_48 : i1 to i32
      %cond3A_50 = arith.constant 0 : i32
      %cond3A_51 = arith.cmpi ne, %convert_element_type3A_49, %cond3A_50 : i32
      scf.if %cond3A_51 {
        %sub3A = arith.constant 2 : i32
        %sub3A_121 = arith.subi %add3A_39, %sub3A : i32
        %mul3A_122 = arith.constant 32 : i32
        %mul3A_123 = arith.muli %mul3A_122, %sub3A_121 : i32
        %add3A_124 = arith.addi %add3A, %mul3A_123 : i32
        %lt3A_125 = arith.constant 3906 : i32
        %lt3A_126 = arith.cmpi slt, %add3A_124, %lt3A_125 : i32
        %convert_element_type3A_127 = arith.extui %lt3A_126 : i1 to i32
        %cond3A_128 = arith.constant 0 : i32
        %cond3A_129 = arith.cmpi ne, %convert_element_type3A_127, %cond3A_128 : i32
        scf.if %cond3A_129 {
          %dma_wait3A = arith.constant 0 : i32
          %dma_wait3A_130 = arith.constant 0 : i32
          %dma_wait3A_131 = arith.constant 0 : i32
          %dma_wait3A_132 = tpu.memref_slice %arg6[%dma_wait3A, %dma_wait3A_130, %dma_wait3A_131] : memref<2x128x128xf32, #tpu.memory_space<vmem>> -> memref<1x128x128xf32, #tpu.memory_space<vmem>>
          %dma_wait3A_133 = tpu.memref_squeeze %dma_wait3A_132 : memref<1x128x128xf32, #tpu.memory_space<vmem>> -> memref<128x128xf32, #tpu.memory_space<vmem>>
          %dma_wait3A_134 = arith.constant 0 : i32
          %dma_wait3A_135 = arith.constant 0 : i32
          %dma_wait3A_136 = tpu.memref_slice %arg4[%dma_wait3A_134, %dma_wait3A_135] : memref<500000x128xf32, #tpu.memory_space<hbm>> -> memref<128x128xf32, #tpu.memory_space<hbm>>
          %dma_wait3A_137 = arith.constant 0 : i32
          %dma_wait3A_138 = arith.constant 0 : i32
          %dma_wait3A_139 = tpu.memref_slice %arg4[%dma_wait3A_137, %dma_wait3A_138] : memref<500000x128xf32, #tpu.memory_space<hbm>> -> memref<128x128xf32, #tpu.memory_space<hbm>>
          %dma_wait3A_140 = arith.constant 0 : i32
          %dma_wait3A_141 = arith.constant 0 : i32
          %dma_wait3A_142 = tpu.memref_slice %arg6[%dma_wait3A, %dma_wait3A_140, %dma_wait3A_141] : memref<2x128x128xf32, #tpu.memory_space<vmem>> -> memref<1x128x128xf32, #tpu.memory_space<vmem>>
          %dma_wait3A_143 = tpu.memref_squeeze %dma_wait3A_142 : memref<1x128x128xf32, #tpu.memory_space<vmem>> -> memref<128x128xf32, #tpu.memory_space<vmem>>
          tpu.wait_dma2 semaphore(%arg11 : memref<!tpu.dma_semaphore, #tpu.memory_space<semaphore_mem>>) src(%dma_wait3A_143 : memref<128x128xf32, #tpu.memory_space<vmem>>) dst(%dma_wait3A_139 : memref<128x128xf32, #tpu.memory_space<hbm>>)
        } else {
        }
      } else {
      }
      %mul3A_52 = arith.constant 32 : i32
      %mul3A_53 = arith.muli %mul3A_52, %add3A_39 : i32
      %add3A_54 = arith.addi %add3A, %mul3A_53 : i32
      %lt3A_55 = arith.constant 3906 : i32
      %lt3A_56 = arith.cmpi slt, %add3A_54, %lt3A_55 : i32
      %convert_element_type3A_57 = arith.extui %lt3A_56 : i1 to i32
      %cond3A_58 = arith.constant 0 : i32
      %cond3A_59 = arith.cmpi ne, %convert_element_type3A_57, %cond3A_58 : i32
      scf.if %cond3A_59 {
        %scan3A_121 = arith.constant 0 : i32
        %scan3A_122 = arith.constant 0 : i32
        %scan3A_123 = arith.constant 0 : i32
        %scan3A_124 = arith.constant 0 : i32
        %scan3A_125 = arith.constant 64 : i32
        %scan3A_126 = arith.addi %scan3A_124, %scan3A_125 : i32
        %scan3A_127 = arith.constant 1 : i32
        scf.for %scan3A_129 = %scan3A_124 to %scan3A_126 step %scan3A_127  : i32 {
          %jit3A = arith.constant 4 : i32
          %div3A = arith.divsi %scan3A_129, %jit3A : i32
          %sign3A = arith.constant 0 : i32
          %sign3A_130 = arith.cmpi sgt, %scan3A_129, %sign3A : i32
          %sign3A_131 = arith.extui %sign3A_130 : i1 to i32
          %sign3A_132 = arith.constant 0 : i32
          %sign3A_133 = arith.cmpi slt, %scan3A_129, %sign3A_132 : i32
          %sign3A_134 = arith.extui %sign3A_133 : i1 to i32
          %sign3A_135 = arith.subi %sign3A_131, %sign3A_134 : i32
          %sign3A_136 = arith.constant 0 : i32
          %sign3A_137 = arith.cmpi sgt, %jit3A, %sign3A_136 : i32
          %sign3A_138 = arith.extui %sign3A_137 : i1 to i32
          %sign3A_139 = arith.constant 0 : i32
          %sign3A_140 = arith.cmpi slt, %jit3A, %sign3A_139 : i32
          %sign3A_141 = arith.extui %sign3A_140 : i1 to i32
          %sign3A_142 = arith.subi %sign3A_138, %sign3A_141 : i32
          %ne3A = arith.cmpi ne, %sign3A_135, %sign3A_142 : i32
          %rem3A = arith.remsi %scan3A_129, %jit3A : i32
          %ne3A_143 = arith.constant 0 : i32
          %ne3A_144 = arith.cmpi ne, %rem3A, %ne3A_143 : i32
          %and3A = arith.andi %ne3A, %ne3A_144 : i1
          %sub3A = arith.constant 1 : i32
          %sub3A_145 = arith.subi %div3A, %sub3A : i32
          %select_n3A = arith.select %and3A, %sub3A_145, %div3A : i32
          %mul3A_146 = arith.constant 16 : i32
          %mul3A_147 = arith.muli %select_n3A, %mul3A_146 : i32
          %jit3A_148 = arith.constant 4 : i32
          %eq3A_149 = arith.constant 0 : i32
          %eq3A_150 = arith.cmpi eq, %jit3A_148, %eq3A_149 : i32
          %jit3A_151 = arith.constant 1 : i32
          %select_n3A_152 = arith.select %eq3A_150, %jit3A_151, %jit3A_148 : i32
          %rem3A_153 = arith.remsi %scan3A_129, %select_n3A_152 : i32
          %ne3A_154 = arith.constant 0 : i32
          %ne3A_155 = arith.cmpi ne, %rem3A_153, %ne3A_154 : i32
          %lt3A_156 = arith.constant 0 : i32
          %lt3A_157 = arith.cmpi slt, %rem3A_153, %lt3A_156 : i32
          %lt3A_158 = arith.constant 0 : i32
          %lt3A_159 = arith.cmpi slt, %select_n3A_152, %lt3A_158 : i32
          %ne3A_160 = arith.xori %lt3A_157, %lt3A_159 : i1
          %and3A_161 = arith.andi %ne3A_160, %ne3A_155 : i1
          %add3A_162 = arith.addi %rem3A_153, %select_n3A_152 : i32
          %select_n3A_163 = arith.select %and3A_161, %add3A_162, %rem3A_153 : i32
          %mul3A_164 = arith.constant 16 : i32
          %mul3A_165 = arith.muli %select_n3A_163, %mul3A_164 : i32
          %add3A_166 = vector.broadcast %mul3A_147 : i32 to vector<16xi32>
          %add3A_167 = arith.addi %add3A_166, %iota3A : vector<16xi32>
          %shift_right_logical3A = arith.constant 1 : i32
          %shift_right_logical3A_168 = vector.broadcast %shift_right_logical3A : i32 to vector<16xi32>
          %shift_right_logical3A_169 = arith.shrui %add3A_167, %shift_right_logical3A_168 : vector<16xi32>
          %and3A_170 = arith.constant 1 : i32
          %and3A_171 = vector.broadcast %and3A_170 : i32 to vector<16xi32>
          %and3A_172 = arith.andi %add3A_167, %and3A_171 : vector<16xi32>
          %shift_left3A = arith.constant 6 : i32
          %shift_left3A_173 = vector.broadcast %shift_left3A : i32 to vector<16xi32>
          %shift_left3A_174 = arith.shli %and3A_172, %shift_left3A_173 : vector<16xi32>
          %add3A_175 = vector.broadcast %mul3A_165 : i32 to vector<16xi32>
          %add3A_176 = arith.addi %shift_left3A_174, %add3A_175 : vector<16xi32>
          %add3A_177 = arith.constant 0 : i32
          %add3A_178 = vector.broadcast %add3A_177 : i32 to vector<16xi32>
          %add3A_179 = arith.addi %iota3A, %add3A_178 : vector<16xi32>
          %and3A_180 = arith.constant 15 : i32
          %and3A_181 = vector.broadcast %and3A_180 : i32 to vector<16xi32>
          %and3A_182 = arith.andi %add3A_179, %and3A_181 : vector<16xi32>
          %add3A_183 = vector.broadcast %mul3A_165 : i32 to vector<16xi32>
          %add3A_184 = arith.addi %add3A_183, %and3A_182 : vector<16xi32>
          %gather3A = arith.constant 0 : i32
          %gather3A_185 = arith.constant 0 : i32
          %gather3A_186 = tpu.memref_slice %arg5[%scan3A_122, %gather3A, %gather3A_185] : memref<2x64x256xf32, #tpu.memory_space<vmem>> -> memref<1x64x256xf32, #tpu.memory_space<vmem>>
          %gather3A_187 = tpu.memref_squeeze %gather3A_186 : memref<1x64x256xf32, #tpu.memory_space<vmem>> -> memref<64x256xf32, #tpu.memory_space<vmem>>
          %gather3A_188 = tpu.vector_load_idx %gather3A_187[%add3A_184, %add3A_167] : memref<64x256xf32, #tpu.memory_space<vmem>>[vector<16xi32>, vector<16xi32>], vector<16xf32>,
          %add3A_189 = arith.addi %add3A_176, %and3A_182 : vector<16xi32>
          %scatter3A = arith.constant 0 : i32
          %scatter3A_190 = arith.constant 0 : i32
          %scatter3A_191 = tpu.memref_slice %arg6[%scan3A_123, %scatter3A, %scatter3A_190] : memref<2x128x128xf32, #tpu.memory_space<vmem>> -> memref<1x128x128xf32, #tpu.memory_space<vmem>>
          %scatter3A_192 = tpu.memref_squeeze %scatter3A_191 : memref<1x128x128xf32, #tpu.memory_space<vmem>> -> memref<128x128xf32, #tpu.memory_space<vmem>>
          tpu.vector_store_idx %scatter3A_192[%shift_right_logical3A_169, %add3A_189], %gather3A_188 : memref<128x128xf32, #tpu.memory_space<vmem>>[vector<16xi32>, vector<16xi32>], vector<16xf32>,
          %add3A_193 = arith.constant 1 : i32
          %add3A_194 = vector.broadcast %add3A_193 : i32 to vector<16xi32>
          %add3A_195 = arith.addi %iota3A, %add3A_194 : vector<16xi32>
          %and3A_196 = arith.constant 15 : i32
          %and3A_197 = vector.broadcast %and3A_196 : i32 to vector<16xi32>
          %and3A_198 = arith.andi %add3A_195, %and3A_197 : vector<16xi32>
          %add3A_199 = vector.broadcast %mul3A_165 : i32 to vector<16xi32>
          %add3A_200 = arith.addi %add3A_199, %and3A_198 : vector<16xi32>
          %gather3A_201 = arith.constant 0 : i32
          %gather3A_202 = arith.constant 0 : i32
          %gather3A_203 = tpu.memref_slice %arg5[%scan3A_122, %gather3A_201, %gather3A_202] : memref<2x64x256xf32, #tpu.memory_space<vmem>> -> memref<1x64x256xf32, #tpu.memory_space<vmem>>
          %gather3A_204 = tpu.memref_squeeze %gather3A_203 : memref<1x64x256xf32, #tpu.memory_space<vmem>> -> memref<64x256xf32, #tpu.memory_space<vmem>>
          %gather3A_205 = tpu.vector_load_idx %gather3A_204[%add3A_200, %add3A_167] : memref<64x256xf32, #tpu.memory_space<vmem>>[vector<16xi32>, vector<16xi32>], vector<16xf32>,
          %add3A_206 = arith.addi %add3A_176, %and3A_198 : vector<16xi32>
          %scatter3A_207 = arith.constant 0 : i32
          %scatter3A_208 = arith.constant 0 : i32
          %scatter3A_209 = tpu.memref_slice %arg6[%scan3A_123, %scatter3A_207, %scatter3A_208] : memref<2x128x128xf32, #tpu.memory_space<vmem>> -> memref<1x128x128xf32, #tpu.memory_space<vmem>>
          %scatter3A_210 = tpu.memref_squeeze %scatter3A_209 : memref<1x128x128xf32, #tpu.memory_space<vmem>> -> memref<128x128xf32, #tpu.memory_space<vmem>>
          tpu.vector_store_idx %scatter3A_210[%shift_right_logical3A_169, %add3A_206], %gather3A_205 : memref<128x128xf32, #tpu.memory_space<vmem>>[vector<16xi32>, vector<16xi32>], vector<16xf32>,
          %add3A_211 = arith.constant 2 : i32
          %add3A_212 = vector.broadcast %add3A_211 : i32 to vector<16xi32>
          %add3A_213 = arith.addi %iota3A, %add3A_212 : vector<16xi32>
          %and3A_214 = arith.constant 15 : i32
          %and3A_215 = vector.broadcast %and3A_214 : i32 to vector<16xi32>
          %and3A_216 = arith.andi %add3A_213, %and3A_215 : vector<16xi32>
          %add3A_217 = vector.broadcast %mul3A_165 : i32 to vector<16xi32>
          %add3A_218 = arith.addi %add3A_217, %and3A_216 : vector<16xi32>
          %gather3A_219 = arith.constant 0 : i32
          %gather3A_220 = arith.constant 0 : i32
          %gather3A_221 = tpu.memref_slice %arg5[%scan3A_122, %gather3A_219, %gather3A_220] : memref<2x64x256xf32, #tpu.memory_space<vmem>> -> memref<1x64x256xf32, #tpu.memory_space<vmem>>
          %gather3A_222 = tpu.memref_squeeze %gather3A_221 : memref<1x64x256xf32, #tpu.memory_space<vmem>> -> memref<64x256xf32, #tpu.memory_space<vmem>>
          %gather3A_223 = tpu.vector_load_idx %gather3A_222[%add3A_218, %add3A_167] : memref<64x256xf32, #tpu.memory_space<vmem>>[vector<16xi32>, vector<16xi32>], vector<16xf32>,
          %add3A_224 = arith.addi %add3A_176, %and3A_216 : vector<16xi32>
          %scatter3A_225 = arith.constant 0 : i32
          %scatter3A_226 = arith.constant 0 : i32
          %scatter3A_227 = tpu.memref_slice %arg6[%scan3A_123, %scatter3A_225, %scatter3A_226] : memref<2x128x128xf32, #tpu.memory_space<vmem>> -> memref<1x128x128xf32, #tpu.memory_space<vmem>>
          %scatter3A_228 = tpu.memref_squeeze %scatter3A_227 : memref<1x128x128xf32, #tpu.memory_space<vmem>> -> memref<128x128xf32, #tpu.memory_space<vmem>>
          tpu.vector_store_idx %scatter3A_228[%shift_right_logical3A_169, %add3A_224], %gather3A_223 : memref<128x128xf32, #tpu.memory_space<vmem>>[vector<16xi32>, vector<16xi32>], vector<16xf32>,
          %add3A_229 = arith.constant 3 : i32
          %add3A_230 = vector.broadcast %add3A_229 : i32 to vector<16xi32>
          %add3A_231 = arith.addi %iota3A, %add3A_230 : vector<16xi32>
          %and3A_232 = arith.constant 15 : i32
          %and3A_233 = vector.broadcast %and3A_232 : i32 to vector<16xi32>
          %and3A_234 = arith.andi %add3A_231, %and3A_233 : vector<16xi32>
          %add3A_235 = vector.broadcast %mul3A_165 : i32 to vector<16xi32>
          %add3A_236 = arith.addi %add3A_235, %and3A_234 : vector<16xi32>
          %gather3A_237 = arith.constant 0 : i32
          %gather3A_238 = arith.constant 0 : i32
          %gather3A_239 = tpu.memref_slice %arg5[%scan3A_122, %gather3A_237, %gather3A_238] : memref<2x64x256xf32, #tpu.memory_space<vmem>> -> memref<1x64x256xf32, #tpu.memory_space<vmem>>
          %gather3A_240 = tpu.memref_squeeze %gather3A_239 : memref<1x64x256xf32, #tpu.memory_space<vmem>> -> memref<64x256xf32, #tpu.memory_space<vmem>>
          %gather3A_241 = tpu.vector_load_idx %gather3A_240[%add3A_236, %add3A_167] : memref<64x256xf32, #tpu.memory_space<vmem>>[vector<16xi32>, vector<16xi32>], vector<16xf32>,
          %add3A_242 = arith.addi %add3A_176, %and3A_234 : vector<16xi32>
          %scatter3A_243 = arith.constant 0 : i32
          %scatter3A_244 = arith.constant 0 : i32
          %scatter3A_245 = tpu.memref_slice %arg6[%scan3A_123, %scatter3A_243, %scatter3A_244] : memref<2x128x128xf32, #tpu.memory_space<vmem>> -> memref<1x128x128xf32, #tpu.memory_space<vmem>>
          %scatter3A_246 = tpu.memref_squeeze %scatter3A_245 : memref<1x128x128xf32, #tpu.memory_space<vmem>> -> memref<128x128xf32, #tpu.memory_space<vmem>>
          tpu.vector_store_idx %scatter3A_246[%shift_right_logical3A_169, %add3A_242], %gather3A_241 : memref<128x128xf32, #tpu.memory_space<vmem>>[vector<16xi32>, vector<16xi32>], vector<16xf32>,
          %add3A_247 = arith.constant 4 : i32
          %add3A_248 = vector.broadcast %add3A_247 : i32 to vector<16xi32>
          %add3A_249 = arith.addi %iota3A, %add3A_248 : vector<16xi32>
          %and3A_250 = arith.constant 15 : i32
          %and3A_251 = vector.broadcast %and3A_250 : i32 to vector<16xi32>
          %and3A_252 = arith.andi %add3A_249, %and3A_251 : vector<16xi32>
          %add3A_253 = vector.broadcast %mul3A_165 : i32 to vector<16xi32>
          %add3A_254 = arith.addi %add3A_253, %and3A_252 : vector<16xi32>
          %gather3A_255 = arith.constant 0 : i32
          %gather3A_256 = arith.constant 0 : i32
          %gather3A_257 = tpu.memref_slice %arg5[%scan3A_122, %gather3A_255, %gather3A_256] : memref<2x64x256xf32, #tpu.memory_space<vmem>> -> memref<1x64x256xf32, #tpu.memory_space<vmem>>
          %gather3A_258 = tpu.memref_squeeze %gather3A_257 : memref<1x64x256xf32, #tpu.memory_space<vmem>> -> memref<64x256xf32, #tpu.memory_space<vmem>>
          %gather3A_259 = tpu.vector_load_idx %gather3A_258[%add3A_254, %add3A_167] : memref<64x256xf32, #tpu.memory_space<vmem>>[vector<16xi32>, vector<16xi32>], vector<16xf32>,
          %add3A_260 = arith.addi %add3A_176, %and3A_252 : vector<16xi32>
          %scatter3A_261 = arith.constant 0 : i32
          %scatter3A_262 = arith.constant 0 : i32
          %scatter3A_263 = tpu.memref_slice %arg6[%scan3A_123, %scatter3A_261, %scatter3A_262] : memref<2x128x128xf32, #tpu.memory_space<vmem>> -> memref<1x128x128xf32, #tpu.memory_space<vmem>>
          %scatter3A_264 = tpu.memref_squeeze %scatter3A_263 : memref<1x128x128xf32, #tpu.memory_space<vmem>> -> memref<128x128xf32, #tpu.memory_space<vmem>>
          tpu.vector_store_idx %scatter3A_264[%shift_right_logical3A_169, %add3A_260], %gather3A_259 : memref<128x128xf32, #tpu.memory_space<vmem>>[vector<16xi32>, vector<16xi32>], vector<16xf32>,
          %add3A_265 = arith.constant 5 : i32
          %add3A_266 = vector.broadcast %add3A_265 : i32 to vector<16xi32>
          %add3A_267 = arith.addi %iota3A, %add3A_266 : vector<16xi32>
          %and3A_268 = arith.constant 15 : i32
          %and3A_269 = vector.broadcast %and3A_268 : i32 to vector<16xi32>
          %and3A_270 = arith.andi %add3A_267, %and3A_269 : vector<16xi32>
          %add3A_271 = vector.broadcast %mul3A_165 : i32 to vector<16xi32>
          %add3A_272 = arith.addi %add3A_271, %and3A_270 : vector<16xi32>
          %gather3A_273 = arith.constant 0 : i32
          %gather3A_274 = arith.constant 0 : i32
          %gather3A_275 = tpu.memref_slice %arg5[%scan3A_122, %gather3A_273, %gather3A_274] : memref<2x64x256xf32, #tpu.memory_space<vmem>> -> memref<1x64x256xf32, #tpu.memory_space<vmem>>
          %gather3A_276 = tpu.memref_squeeze %gather3A_275 : memref<1x64x256xf32, #tpu.memory_space<vmem>> -> memref<64x256xf32, #tpu.memory_space<vmem>>
          %gather3A_277 = tpu.vector_load_idx %gather3A_276[%add3A_272, %add3A_167] : memref<64x256xf32, #tpu.memory_space<vmem>>[vector<16xi32>, vector<16xi32>], vector<16xf32>,
          %add3A_278 = arith.addi %add3A_176, %and3A_270 : vector<16xi32>
          %scatter3A_279 = arith.constant 0 : i32
          %scatter3A_280 = arith.constant 0 : i32
          %scatter3A_281 = tpu.memref_slice %arg6[%scan3A_123, %scatter3A_279, %scatter3A_280] : memref<2x128x128xf32, #tpu.memory_space<vmem>> -> memref<1x128x128xf32, #tpu.memory_space<vmem>>
          %scatter3A_282 = tpu.memref_squeeze %scatter3A_281 : memref<1x128x128xf32, #tpu.memory_space<vmem>> -> memref<128x128xf32, #tpu.memory_space<vmem>>
          tpu.vector_store_idx %scatter3A_282[%shift_right_logical3A_169, %add3A_278], %gather3A_277 : memref<128x128xf32, #tpu.memory_space<vmem>>[vector<16xi32>, vector<16xi32>], vector<16xf32>,
          %add3A_283 = arith.constant 6 : i32
          %add3A_284 = vector.broadcast %add3A_283 : i32 to vector<16xi32>
          %add3A_285 = arith.addi %iota3A, %add3A_284 : vector<16xi32>
          %and3A_286 = arith.constant 15 : i32
          %and3A_287 = vector.broadcast %and3A_286 : i32 to vector<16xi32>
          %and3A_288 = arith.andi %add3A_285, %and3A_287 : vector<16xi32>
          %add3A_289 = vector.broadcast %mul3A_165 : i32 to vector<16xi32>
          %add3A_290 = arith.addi %add3A_289, %and3A_288 : vector<16xi32>
          %gather3A_291 = arith.constant 0 : i32
          %gather3A_292 = arith.constant 0 : i32
          %gather3A_293 = tpu.memref_slice %arg5[%scan3A_122, %gather3A_291, %gather3A_292] : memref<2x64x256xf32, #tpu.memory_space<vmem>> -> memref<1x64x256xf32, #tpu.memory_space<vmem>>
          %gather3A_294 = tpu.memref_squeeze %gather3A_293 : memref<1x64x256xf32, #tpu.memory_space<vmem>> -> memref<64x256xf32, #tpu.memory_space<vmem>>
          %gather3A_295 = tpu.vector_load_idx %gather3A_294[%add3A_290, %add3A_167] : memref<64x256xf32, #tpu.memory_space<vmem>>[vector<16xi32>, vector<16xi32>], vector<16xf32>,
          %add3A_296 = arith.addi %add3A_176, %and3A_288 : vector<16xi32>
          %scatter3A_297 = arith.constant 0 : i32
          %scatter3A_298 = arith.constant 0 : i32
          %scatter3A_299 = tpu.memref_slice %arg6[%scan3A_123, %scatter3A_297, %scatter3A_298] : memref<2x128x128xf32, #tpu.memory_space<vmem>> -> memref<1x128x128xf32, #tpu.memory_space<vmem>>
          %scatter3A_300 = tpu.memref_squeeze %scatter3A_299 : memref<1x128x128xf32, #tpu.memory_space<vmem>> -> memref<128x128xf32, #tpu.memory_space<vmem>>
          tpu.vector_store_idx %scatter3A_300[%shift_right_logical3A_169, %add3A_296], %gather3A_295 : memref<128x128xf32, #tpu.memory_space<vmem>>[vector<16xi32>, vector<16xi32>], vector<16xf32>,
          %add3A_301 = arith.constant 7 : i32
          %add3A_302 = vector.broadcast %add3A_301 : i32 to vector<16xi32>
          %add3A_303 = arith.addi %iota3A, %add3A_302 : vector<16xi32>
          %and3A_304 = arith.constant 15 : i32
          %and3A_305 = vector.broadcast %and3A_304 : i32 to vector<16xi32>
          %and3A_306 = arith.andi %add3A_303, %and3A_305 : vector<16xi32>
          %add3A_307 = vector.broadcast %mul3A_165 : i32 to vector<16xi32>
          %add3A_308 = arith.addi %add3A_307, %and3A_306 : vector<16xi32>
          %gather3A_309 = arith.constant 0 : i32
          %gather3A_310 = arith.constant 0 : i32
          %gather3A_311 = tpu.memref_slice %arg5[%scan3A_122, %gather3A_309, %gather3A_310] : memref<2x64x256xf32, #tpu.memory_space<vmem>> -> memref<1x64x256xf32, #tpu.memory_space<vmem>>
          %gather3A_312 = tpu.memref_squeeze %gather3A_311 : memref<1x64x256xf32, #tpu.memory_space<vmem>> -> memref<64x256xf32, #tpu.memory_space<vmem>>
          %gather3A_313 = tpu.vector_load_idx %gather3A_312[%add3A_308, %add3A_167] : memref<64x256xf32, #tpu.memory_space<vmem>>[vector<16xi32>, vector<16xi32>], vector<16xf32>,
          %add3A_314 = arith.addi %add3A_176, %and3A_306 : vector<16xi32>
          %scatter3A_315 = arith.constant 0 : i32
          %scatter3A_316 = arith.constant 0 : i32
          %scatter3A_317 = tpu.memref_slice %arg6[%scan3A_123, %scatter3A_315, %scatter3A_316] : memref<2x128x128xf32, #tpu.memory_space<vmem>> -> memref<1x128x128xf32, #tpu.memory_space<vmem>>
          %scatter3A_318 = tpu.memref_squeeze %scatter3A_317 : memref<1x128x128xf32, #tpu.memory_space<vmem>> -> memref<128x128xf32, #tpu.memory_space<vmem>>
          tpu.vector_store_idx %scatter3A_318[%shift_right_logical3A_169, %add3A_314], %gather3A_313 : memref<128x128xf32, #tpu.memory_space<vmem>>[vector<16xi32>, vector<16xi32>], vector<16xf32>,
          %add3A_319 = arith.constant 8 : i32
          %add3A_320 = vector.broadcast %add3A_319 : i32 to vector<16xi32>
          %add3A_321 = arith.addi %iota3A, %add3A_320 : vector<16xi32>
          %and3A_322 = arith.constant 15 : i32
          %and3A_323 = vector.broadcast %and3A_322 : i32 to vector<16xi32>
          %and3A_324 = arith.andi %add3A_321, %and3A_323 : vector<16xi32>
          %add3A_325 = vector.broadcast %mul3A_165 : i32 to vector<16xi32>
          %add3A_326 = arith.addi %add3A_325, %and3A_324 : vector<16xi32>
          %gather3A_327 = arith.constant 0 : i32
          %gather3A_328 = arith.constant 0 : i32
          %gather3A_329 = tpu.memref_slice %arg5[%scan3A_122, %gather3A_327, %gather3A_328] : memref<2x64x256xf32, #tpu.memory_space<vmem>> -> memref<1x64x256xf32, #tpu.memory_space<vmem>>
          %gather3A_330 = tpu.memref_squeeze %gather3A_329 : memref<1x64x256xf32, #tpu.memory_space<vmem>> -> memref<64x256xf32, #tpu.memory_space<vmem>>
          %gather3A_331 = tpu.vector_load_idx %gather3A_330[%add3A_326, %add3A_167] : memref<64x256xf32, #tpu.memory_space<vmem>>[vector<16xi32>, vector<16xi32>], vector<16xf32>,
          %add3A_332 = arith.addi %add3A_176, %and3A_324 : vector<16xi32>
          %scatter3A_333 = arith.constant 0 : i32
          %scatter3A_334 = arith.constant 0 : i32
          %scatter3A_335 = tpu.memref_slice %arg6[%scan3A_123, %scatter3A_333, %scatter3A_334] : memref<2x128x128xf32, #tpu.memory_space<vmem>> -> memref<1x128x128xf32, #tpu.memory_space<vmem>>
          %scatter3A_336 = tpu.memref_squeeze %scatter3A_335 : memref<1x128x128xf32, #tpu.memory_space<vmem>> -> memref<128x128xf32, #tpu.memory_space<vmem>>
          tpu.vector_store_idx %scatter3A_336[%shift_right_logical3A_169, %add3A_332], %gather3A_331 : memref<128x128xf32, #tpu.memory_space<vmem>>[vector<16xi32>, vector<16xi32>], vector<16xf32>,
          %add3A_337 = arith.constant 9 : i32
          %add3A_338 = vector.broadcast %add3A_337 : i32 to vector<16xi32>
          %add3A_339 = arith.addi %iota3A, %add3A_338 : vector<16xi32>
          %and3A_340 = arith.constant 15 : i32
          %and3A_341 = vector.broadcast %and3A_340 : i32 to vector<16xi32>
          %and3A_342 = arith.andi %add3A_339, %and3A_341 : vector<16xi32>
          %add3A_343 = vector.broadcast %mul3A_165 : i32 to vector<16xi32>
          %add3A_344 = arith.addi %add3A_343, %and3A_342 : vector<16xi32>
          %gather3A_345 = arith.constant 0 : i32
          %gather3A_346 = arith.constant 0 : i32
          %gather3A_347 = tpu.memref_slice %arg5[%scan3A_122, %gather3A_345, %gather3A_346] : memref<2x64x256xf32, #tpu.memory_space<vmem>> -> memref<1x64x256xf32, #tpu.memory_space<vmem>>
          %gather3A_348 = tpu.memref_squeeze %gather3A_347 : memref<1x64x256xf32, #tpu.memory_space<vmem>> -> memref<64x256xf32, #tpu.memory_space<vmem>>
          %gather3A_349 = tpu.vector_load_idx %gather3A_348[%add3A_344, %add3A_167] : memref<64x256xf32, #tpu.memory_space<vmem>>[vector<16xi32>, vector<16xi32>], vector<16xf32>,
          %add3A_350 = arith.addi %add3A_176, %and3A_342 : vector<16xi32>
          %scatter3A_351 = arith.constant 0 : i32
          %scatter3A_352 = arith.constant 0 : i32
          %scatter3A_353 = tpu.memref_slice %arg6[%scan3A_123, %scatter3A_351, %scatter3A_352] : memref<2x128x128xf32, #tpu.memory_space<vmem>> -> memref<1x128x128xf32, #tpu.memory_space<vmem>>
          %scatter3A_354 = tpu.memref_squeeze %scatter3A_353 : memref<1x128x128xf32, #tpu.memory_space<vmem>> -> memref<128x128xf32, #tpu.memory_space<vmem>>
          tpu.vector_store_idx %scatter3A_354[%shift_right_logical3A_169, %add3A_350], %gather3A_349 : memref<128x128xf32, #tpu.memory_space<vmem>>[vector<16xi32>, vector<16xi32>], vector<16xf32>,
          %add3A_355 = arith.constant 10 : i32
          %add3A_356 = vector.broadcast %add3A_355 : i32 to vector<16xi32>
          %add3A_357 = arith.addi %iota3A, %add3A_356 : vector<16xi32>
          %and3A_358 = arith.constant 15 : i32
          %and3A_359 = vector.broadcast %and3A_358 : i32 to vector<16xi32>
          %and3A_360 = arith.andi %add3A_357, %and3A_359 : vector<16xi32>
          %add3A_361 = vector.broadcast %mul3A_165 : i32 to vector<16xi32>
          %add3A_362 = arith.addi %add3A_361, %and3A_360 : vector<16xi32>
          %gather3A_363 = arith.constant 0 : i32
          %gather3A_364 = arith.constant 0 : i32
          %gather3A_365 = tpu.memref_slice %arg5[%scan3A_122, %gather3A_363, %gather3A_364] : memref<2x64x256xf32, #tpu.memory_space<vmem>> -> memref<1x64x256xf32, #tpu.memory_space<vmem>>
          %gather3A_366 = tpu.memref_squeeze %gather3A_365 : memref<1x64x256xf32, #tpu.memory_space<vmem>> -> memref<64x256xf32, #tpu.memory_space<vmem>>
          %gather3A_367 = tpu.vector_load_idx %gather3A_366[%add3A_362, %add3A_167] : memref<64x256xf32, #tpu.memory_space<vmem>>[vector<16xi32>, vector<16xi32>], vector<16xf32>,
          %add3A_368 = arith.addi %add3A_176, %and3A_360 : vector<16xi32>
          %scatter3A_369 = arith.constant 0 : i32
          %scatter3A_370 = arith.constant 0 : i32
          %scatter3A_371 = tpu.memref_slice %arg6[%scan3A_123, %scatter3A_369, %scatter3A_370] : memref<2x128x128xf32, #tpu.memory_space<vmem>> -> memref<1x128x128xf32, #tpu.memory_space<vmem>>
          %scatter3A_372 = tpu.memref_squeeze %scatter3A_371 : memref<1x128x128xf32, #tpu.memory_space<vmem>> -> memref<128x128xf32, #tpu.memory_space<vmem>>
          tpu.vector_store_idx %scatter3A_372[%shift_right_logical3A_169, %add3A_368], %gather3A_367 : memref<128x128xf32, #tpu.memory_space<vmem>>[vector<16xi32>, vector<16xi32>], vector<16xf32>,
          %add3A_373 = arith.constant 11 : i32
          %add3A_374 = vector.broadcast %add3A_373 : i32 to vector<16xi32>
          %add3A_375 = arith.addi %iota3A, %add3A_374 : vector<16xi32>
          %and3A_376 = arith.constant 15 : i32
          %and3A_377 = vector.broadcast %and3A_376 : i32 to vector<16xi32>
          %and3A_378 = arith.andi %add3A_375, %and3A_377 : vector<16xi32>
          %add3A_379 = vector.broadcast %mul3A_165 : i32 to vector<16xi32>
          %add3A_380 = arith.addi %add3A_379, %and3A_378 : vector<16xi32>
          %gather3A_381 = arith.constant 0 : i32
          %gather3A_382 = arith.constant 0 : i32
          %gather3A_383 = tpu.memref_slice %arg5[%scan3A_122, %gather3A_381, %gather3A_382] : memref<2x64x256xf32, #tpu.memory_space<vmem>> -> memref<1x64x256xf32, #tpu.memory_space<vmem>>
          %gather3A_384 = tpu.memref_squeeze %gather3A_383 : memref<1x64x256xf32, #tpu.memory_space<vmem>> -> memref<64x256xf32, #tpu.memory_space<vmem>>
          %gather3A_385 = tpu.vector_load_idx %gather3A_384[%add3A_380, %add3A_167] : memref<64x256xf32, #tpu.memory_space<vmem>>[vector<16xi32>, vector<16xi32>], vector<16xf32>,
          %add3A_386 = arith.addi %add3A_176, %and3A_378 : vector<16xi32>
          %scatter3A_387 = arith.constant 0 : i32
          %scatter3A_388 = arith.constant 0 : i32
          %scatter3A_389 = tpu.memref_slice %arg6[%scan3A_123, %scatter3A_387, %scatter3A_388] : memref<2x128x128xf32, #tpu.memory_space<vmem>> -> memref<1x128x128xf32, #tpu.memory_space<vmem>>
          %scatter3A_390 = tpu.memref_squeeze %scatter3A_389 : memref<1x128x128xf32, #tpu.memory_space<vmem>> -> memref<128x128xf32, #tpu.memory_space<vmem>>
          tpu.vector_store_idx %scatter3A_390[%shift_right_logical3A_169, %add3A_386], %gather3A_385 : memref<128x128xf32, #tpu.memory_space<vmem>>[vector<16xi32>, vector<16xi32>], vector<16xf32>,
          %add3A_391 = arith.constant 12 : i32
          %add3A_392 = vector.broadcast %add3A_391 : i32 to vector<16xi32>
          %add3A_393 = arith.addi %iota3A, %add3A_392 : vector<16xi32>
          %and3A_394 = arith.constant 15 : i32
          %and3A_395 = vector.broadcast %and3A_394 : i32 to vector<16xi32>
          %and3A_396 = arith.andi %add3A_393, %and3A_395 : vector<16xi32>
          %add3A_397 = vector.broadcast %mul3A_165 : i32 to vector<16xi32>
          %add3A_398 = arith.addi %add3A_397, %and3A_396 : vector<16xi32>
          %gather3A_399 = arith.constant 0 : i32
          %gather3A_400 = arith.constant 0 : i32
          %gather3A_401 = tpu.memref_slice %arg5[%scan3A_122, %gather3A_399, %gather3A_400] : memref<2x64x256xf32, #tpu.memory_space<vmem>> -> memref<1x64x256xf32, #tpu.memory_space<vmem>>
          %gather3A_402 = tpu.memref_squeeze %gather3A_401 : memref<1x64x256xf32, #tpu.memory_space<vmem>> -> memref<64x256xf32, #tpu.memory_space<vmem>>
          %gather3A_403 = tpu.vector_load_idx %gather3A_402[%add3A_398, %add3A_167] : memref<64x256xf32, #tpu.memory_space<vmem>>[vector<16xi32>, vector<16xi32>], vector<16xf32>,
          %add3A_404 = arith.addi %add3A_176, %and3A_396 : vector<16xi32>
          %scatter3A_405 = arith.constant 0 : i32
          %scatter3A_406 = arith.constant 0 : i32
          %scatter3A_407 = tpu.memref_slice %arg6[%scan3A_123, %scatter3A_405, %scatter3A_406] : memref<2x128x128xf32, #tpu.memory_space<vmem>> -> memref<1x128x128xf32, #tpu.memory_space<vmem>>
          %scatter3A_408 = tpu.memref_squeeze %scatter3A_407 : memref<1x128x128xf32, #tpu.memory_space<vmem>> -> memref<128x128xf32, #tpu.memory_space<vmem>>
          tpu.vector_store_idx %scatter3A_408[%shift_right_logical3A_169, %add3A_404], %gather3A_403 : memref<128x128xf32, #tpu.memory_space<vmem>>[vector<16xi32>, vector<16xi32>], vector<16xf32>,
          %add3A_409 = arith.constant 13 : i32
          %add3A_410 = vector.broadcast %add3A_409 : i32 to vector<16xi32>
          %add3A_411 = arith.addi %iota3A, %add3A_410 : vector<16xi32>
          %and3A_412 = arith.constant 15 : i32
          %and3A_413 = vector.broadcast %and3A_412 : i32 to vector<16xi32>
          %and3A_414 = arith.andi %add3A_411, %and3A_413 : vector<16xi32>
          %add3A_415 = vector.broadcast %mul3A_165 : i32 to vector<16xi32>
          %add3A_416 = arith.addi %add3A_415, %and3A_414 : vector<16xi32>
          %gather3A_417 = arith.constant 0 : i32
          %gather3A_418 = arith.constant 0 : i32
          %gather3A_419 = tpu.memref_slice %arg5[%scan3A_122, %gather3A_417, %gather3A_418] : memref<2x64x256xf32, #tpu.memory_space<vmem>> -> memref<1x64x256xf32, #tpu.memory_space<vmem>>
          %gather3A_420 = tpu.memref_squeeze %gather3A_419 : memref<1x64x256xf32, #tpu.memory_space<vmem>> -> memref<64x256xf32, #tpu.memory_space<vmem>>
          %gather3A_421 = tpu.vector_load_idx %gather3A_420[%add3A_416, %add3A_167] : memref<64x256xf32, #tpu.memory_space<vmem>>[vector<16xi32>, vector<16xi32>], vector<16xf32>,
          %add3A_422 = arith.addi %add3A_176, %and3A_414 : vector<16xi32>
          %scatter3A_423 = arith.constant 0 : i32
          %scatter3A_424 = arith.constant 0 : i32
          %scatter3A_425 = tpu.memref_slice %arg6[%scan3A_123, %scatter3A_423, %scatter3A_424] : memref<2x128x128xf32, #tpu.memory_space<vmem>> -> memref<1x128x128xf32, #tpu.memory_space<vmem>>
          %scatter3A_426 = tpu.memref_squeeze %scatter3A_425 : memref<1x128x128xf32, #tpu.memory_space<vmem>> -> memref<128x128xf32, #tpu.memory_space<vmem>>
          tpu.vector_store_idx %scatter3A_426[%shift_right_logical3A_169, %add3A_422], %gather3A_421 : memref<128x128xf32, #tpu.memory_space<vmem>>[vector<16xi32>, vector<16xi32>], vector<16xf32>,
          %add3A_427 = arith.constant 14 : i32
          %add3A_428 = vector.broadcast %add3A_427 : i32 to vector<16xi32>
          %add3A_429 = arith.addi %iota3A, %add3A_428 : vector<16xi32>
          %and3A_430 = arith.constant 15 : i32
          %and3A_431 = vector.broadcast %and3A_430 : i32 to vector<16xi32>
          %and3A_432 = arith.andi %add3A_429, %and3A_431 : vector<16xi32>
          %add3A_433 = vector.broadcast %mul3A_165 : i32 to vector<16xi32>
          %add3A_434 = arith.addi %add3A_433, %and3A_432 : vector<16xi32>
          %gather3A_435 = arith.constant 0 : i32
          %gather3A_436 = arith.constant 0 : i32
          %gather3A_437 = tpu.memref_slice %arg5[%scan3A_122, %gather3A_435, %gather3A_436] : memref<2x64x256xf32, #tpu.memory_space<vmem>> -> memref<1x64x256xf32, #tpu.memory_space<vmem>>
          %gather3A_438 = tpu.memref_squeeze %gather3A_437 : memref<1x64x256xf32, #tpu.memory_space<vmem>> -> memref<64x256xf32, #tpu.memory_space<vmem>>
          %gather3A_439 = tpu.vector_load_idx %gather3A_438[%add3A_434, %add3A_167] : memref<64x256xf32, #tpu.memory_space<vmem>>[vector<16xi32>, vector<16xi32>], vector<16xf32>,
          %add3A_440 = arith.addi %add3A_176, %and3A_432 : vector<16xi32>
          %scatter3A_441 = arith.constant 0 : i32
          %scatter3A_442 = arith.constant 0 : i32
          %scatter3A_443 = tpu.memref_slice %arg6[%scan3A_123, %scatter3A_441, %scatter3A_442] : memref<2x128x128xf32, #tpu.memory_space<vmem>> -> memref<1x128x128xf32, #tpu.memory_space<vmem>>
          %scatter3A_444 = tpu.memref_squeeze %scatter3A_443 : memref<1x128x128xf32, #tpu.memory_space<vmem>> -> memref<128x128xf32, #tpu.memory_space<vmem>>
          tpu.vector_store_idx %scatter3A_444[%shift_right_logical3A_169, %add3A_440], %gather3A_439 : memref<128x128xf32, #tpu.memory_space<vmem>>[vector<16xi32>, vector<16xi32>], vector<16xf32>,
          %add3A_445 = arith.constant 15 : i32
          %add3A_446 = vector.broadcast %add3A_445 : i32 to vector<16xi32>
          %add3A_447 = arith.addi %iota3A, %add3A_446 : vector<16xi32>
          %and3A_448 = arith.constant 15 : i32
          %and3A_449 = vector.broadcast %and3A_448 : i32 to vector<16xi32>
          %and3A_450 = arith.andi %add3A_447, %and3A_449 : vector<16xi32>
          %add3A_451 = vector.broadcast %mul3A_165 : i32 to vector<16xi32>
          %add3A_452 = arith.addi %add3A_451, %and3A_450 : vector<16xi32>
          %gather3A_453 = arith.constant 0 : i32
          %gather3A_454 = arith.constant 0 : i32
          %gather3A_455 = tpu.memref_slice %arg5[%scan3A_122, %gather3A_453, %gather3A_454] : memref<2x64x256xf32, #tpu.memory_space<vmem>> -> memref<1x64x256xf32, #tpu.memory_space<vmem>>
          %gather3A_456 = tpu.memref_squeeze %gather3A_455 : memref<1x64x256xf32, #tpu.memory_space<vmem>> -> memref<64x256xf32, #tpu.memory_space<vmem>>
          %gather3A_457 = tpu.vector_load_idx %gather3A_456[%add3A_452, %add3A_167] : memref<64x256xf32, #tpu.memory_space<vmem>>[vector<16xi32>, vector<16xi32>], vector<16xf32>,
          %add3A_458 = arith.addi %add3A_176, %and3A_450 : vector<16xi32>
          %scatter3A_459 = arith.constant 0 : i32
          %scatter3A_460 = arith.constant 0 : i32
          %scatter3A_461 = tpu.memref_slice %arg6[%scan3A_123, %scatter3A_459, %scatter3A_460] : memref<2x128x128xf32, #tpu.memory_space<vmem>> -> memref<1x128x128xf32, #tpu.memory_space<vmem>>
          %scatter3A_462 = tpu.memref_squeeze %scatter3A_461 : memref<1x128x128xf32, #tpu.memory_space<vmem>> -> memref<128x128xf32, #tpu.memory_space<vmem>>
          tpu.vector_store_idx %scatter3A_462[%shift_right_logical3A_169, %add3A_458], %gather3A_457 : memref<128x128xf32, #tpu.memory_space<vmem>>[vector<16xi32>, vector<16xi32>], vector<16xf32>,
        }
        %scan3A_128 = arith.constant 64 : i32
      } else {
      }
      %mul3A_60 = arith.constant 32 : i32
      %mul3A_61 = arith.muli %mul3A_60, %add3A_39 : i32
      %add3A_62 = arith.addi %add3A, %mul3A_61 : i32
      %lt3A_63 = arith.constant 3906 : i32
      %lt3A_64 = arith.cmpi slt, %add3A_62, %lt3A_63 : i32
      %convert_element_type3A_65 = arith.extui %lt3A_64 : i1 to i32
      %cond3A_66 = arith.constant 0 : i32
      %cond3A_67 = arith.cmpi ne, %convert_element_type3A_65, %cond3A_66 : i32
      scf.if %cond3A_67 {
        %mul3A_121 = arith.constant 128 : i32
        %mul3A_122 = arith.muli %add3A_62, %mul3A_121 : i32
        %dma_start3A = arith.constant 0 : i32
        %dma_start3A_123 = arith.constant 0 : i32
        %dma_start3A_124 = arith.constant 0 : i32
        %dma_start3A_125 = tpu.memref_slice %arg6[%dma_start3A, %dma_start3A_123, %dma_start3A_124] : memref<2x128x128xf32, #tpu.memory_space<vmem>> -> memref<1x128x128xf32, #tpu.memory_space<vmem>>
        %dma_start3A_126 = tpu.memref_squeeze %dma_start3A_125 : memref<1x128x128xf32, #tpu.memory_space<vmem>> -> memref<128x128xf32, #tpu.memory_space<vmem>>
        %dma_start3A_127 = arith.constant 0 : i32
        %dma_start3A_128 = tpu.memref_slice %arg4[%mul3A_122, %dma_start3A_127] : memref<500000x128xf32, #tpu.memory_space<hbm>> -> memref<128x128xf32, #tpu.memory_space<hbm>>
        %dma_start3A_129 = arith.constant 0 : i32
        %dma_start3A_130 = tpu.memref_slice %arg4[%mul3A_122, %dma_start3A_129] : memref<500000x128xf32, #tpu.memory_space<hbm>> -> memref<128x128xf32, #tpu.memory_space<hbm>>
        %dma_start3A_131 = arith.constant 0 : i32
        %dma_start3A_132 = arith.constant 0 : i32
        %dma_start3A_133 = tpu.memref_slice %arg6[%dma_start3A, %dma_start3A_131, %dma_start3A_132] : memref<2x128x128xf32, #tpu.memory_space<vmem>> -> memref<1x128x128xf32, #tpu.memory_space<vmem>>
        %dma_start3A_134 = tpu.memref_squeeze %dma_start3A_133 : memref<1x128x128xf32, #tpu.memory_space<vmem>> -> memref<128x128xf32, #tpu.memory_space<vmem>>
        tpu.enqueue_dma source(%dma_start3A_134 : memref<128x128xf32, #tpu.memory_space<vmem>>) target(%dma_start3A_130 : memref<128x128xf32, #tpu.memory_space<hbm>>) target_semaphore(%arg11 : memref<!tpu.dma_semaphore, #tpu.memory_space<semaphore_mem>>)
      } else {
      }
      %add3A_68 = arith.constant 2 : i32
      %add3A_69 = arith.addi %add3A_39, %add3A_68 : i32
      %mul3A_70 = arith.constant 32 : i32
      %mul3A_71 = arith.muli %mul3A_70, %add3A_69 : i32
      %add3A_72 = arith.addi %add3A, %mul3A_71 : i32
      %lt3A_73 = arith.constant 3906 : i32
      %lt3A_74 = arith.cmpi slt, %add3A_72, %lt3A_73 : i32
      %convert_element_type3A_75 = arith.extui %lt3A_74 : i1 to i32
      %cond3A_76 = arith.constant 0 : i32
      %cond3A_77 = arith.cmpi ne, %convert_element_type3A_75, %cond3A_76 : i32
      scf.if %cond3A_77 {
        %mul3A_121 = arith.constant 256 : i32
        %mul3A_122 = arith.muli %add3A_72, %mul3A_121 : i32
        %dma_start3A = arith.constant 0 : i32
        %dma_start3A_123 = arith.constant 0 : i32
        %dma_start3A_124 = arith.constant 0 : i32
        %dma_start3A_125 = tpu.memref_slice %arg5[%dma_start3A, %dma_start3A_123, %dma_start3A_124] : memref<2x64x256xf32, #tpu.memory_space<vmem>> -> memref<1x64x256xf32, #tpu.memory_space<vmem>>
        %dma_start3A_126 = tpu.memref_squeeze %dma_start3A_125 : memref<1x64x256xf32, #tpu.memory_space<vmem>> -> memref<64x256xf32, #tpu.memory_space<vmem>>
        %dma_start3A_127 = arith.constant 0 : i32
        %dma_start3A_128 = tpu.memref_slice %arg2[%dma_start3A_127, %mul3A_122] : memref<64x1000000xf32, #tpu.memory_space<hbm>> -> memref<64x256xf32, #tpu.memory_space<hbm>>
        %dma_start3A_129 = arith.constant 0 : i32
        %dma_start3A_130 = arith.constant 0 : i32
        %dma_start3A_131 = tpu.memref_slice %arg5[%dma_start3A, %dma_start3A_129, %dma_start3A_130] : memref<2x64x256xf32, #tpu.memory_space<vmem>> -> memref<1x64x256xf32, #tpu.memory_space<vmem>>
        %dma_start3A_132 = tpu.memref_squeeze %dma_start3A_131 : memref<1x64x256xf32, #tpu.memory_space<vmem>> -> memref<64x256xf32, #tpu.memory_space<vmem>>
        %dma_start3A_133 = arith.constant 0 : i32
        %dma_start3A_134 = tpu.memref_slice %arg2[%dma_start3A_133, %mul3A_122] : memref<64x1000000xf32, #tpu.memory_space<hbm>> -> memref<64x256xf32, #tpu.memory_space<hbm>>
        tpu.enqueue_dma source(%dma_start3A_134 : memref<64x256xf32, #tpu.memory_space<hbm>>) target(%dma_start3A_132 : memref<64x256xf32, #tpu.memory_space<vmem>>) target_semaphore(%arg9 : memref<!tpu.dma_semaphore, #tpu.memory_space<semaphore_mem>>)
      } else {
      }
      %mul3A_78 = arith.constant 2 : i32
      %mul3A_79 = arith.muli %scan3A_35, %mul3A_78 : i32
      %add3A_80 = arith.constant 1 : i32
      %add3A_81 = arith.addi %mul3A_79, %add3A_80 : i32
      %mul3A_82 = arith.constant 32 : i32
      %mul3A_83 = arith.muli %mul3A_82, %add3A_81 : i32
      %add3A_84 = arith.addi %add3A, %mul3A_83 : i32
      %lt3A_85 = arith.constant 3906 : i32
      %lt3A_86 = arith.cmpi slt, %add3A_84, %lt3A_85 : i32
      %convert_element_type3A_87 = arith.extui %lt3A_86 : i1 to i32
      %cond3A_88 = arith.constant 0 : i32
      %cond3A_89 = arith.cmpi ne, %convert_element_type3A_87, %cond3A_88 : i32
      scf.if %cond3A_89 {
        %dma_wait3A = arith.constant 1 : i32
        %dma_wait3A_121 = arith.constant 0 : i32
        %dma_wait3A_122 = arith.constant 0 : i32
        %dma_wait3A_123 = tpu.memref_slice %arg5[%dma_wait3A, %dma_wait3A_121, %dma_wait3A_122] : memref<2x64x256xf32, #tpu.memory_space<vmem>> -> memref<1x64x256xf32, #tpu.memory_space<vmem>>
        %dma_wait3A_124 = tpu.memref_squeeze %dma_wait3A_123 : memref<1x64x256xf32, #tpu.memory_space<vmem>> -> memref<64x256xf32, #tpu.memory_space<vmem>>
        %dma_wait3A_125 = arith.constant 0 : i32
        %dma_wait3A_126 = arith.constant 0 : i32
        %dma_wait3A_127 = tpu.memref_slice %arg2[%dma_wait3A_125, %dma_wait3A_126] : memref<64x1000000xf32, #tpu.memory_space<hbm>> -> memref<64x256xf32, #tpu.memory_space<hbm>>
        %dma_wait3A_128 = arith.constant 0 : i32
        %dma_wait3A_129 = arith.constant 0 : i32
        %dma_wait3A_130 = tpu.memref_slice %arg5[%dma_wait3A, %dma_wait3A_128, %dma_wait3A_129] : memref<2x64x256xf32, #tpu.memory_space<vmem>> -> memref<1x64x256xf32, #tpu.memory_space<vmem>>
        %dma_wait3A_131 = tpu.memref_squeeze %dma_wait3A_130 : memref<1x64x256xf32, #tpu.memory_space<vmem>> -> memref<64x256xf32, #tpu.memory_space<vmem>>
        %dma_wait3A_132 = arith.constant 0 : i32
        %dma_wait3A_133 = arith.constant 0 : i32
        %dma_wait3A_134 = tpu.memref_slice %arg2[%dma_wait3A_132, %dma_wait3A_133] : memref<64x1000000xf32, #tpu.memory_space<hbm>> -> memref<64x256xf32, #tpu.memory_space<hbm>>
        tpu.wait_dma2 semaphore(%arg10 : memref<!tpu.dma_semaphore, #tpu.memory_space<semaphore_mem>>) src(%dma_wait3A_134 : memref<64x256xf32, #tpu.memory_space<hbm>>) dst(%dma_wait3A_131 : memref<64x256xf32, #tpu.memory_space<vmem>>)
      } else {
      }
      %gt3A_90 = arith.constant 0 : i32
      %gt3A_91 = arith.cmpi sgt, %scan3A_35, %gt3A_90 : i32
      %convert_element_type3A_92 = arith.extui %gt3A_91 : i1 to i32
      %cond3A_93 = arith.constant 0 : i32
      %cond3A_94 = arith.cmpi ne, %convert_element_type3A_92, %cond3A_93 : i32
      scf.if %cond3A_94 {
        %sub3A = arith.constant 2 : i32
        %sub3A_121 = arith.subi %add3A_81, %sub3A : i32
        %mul3A_122 = arith.constant 32 : i32
        %mul3A_123 = arith.muli %mul3A_122, %sub3A_121 : i32
        %add3A_124 = arith.addi %add3A, %mul3A_123 : i32
        %lt3A_125 = arith.constant 3906 : i32
        %lt3A_126 = arith.cmpi slt, %add3A_124, %lt3A_125 : i32
        %convert_element_type3A_127 = arith.extui %lt3A_126 : i1 to i32
        %cond3A_128 = arith.constant 0 : i32
        %cond3A_129 = arith.cmpi ne, %convert_element_type3A_127, %cond3A_128 : i32
        scf.if %cond3A_129 {
          %dma_wait3A = arith.constant 1 : i32
          %dma_wait3A_130 = arith.constant 0 : i32
          %dma_wait3A_131 = arith.constant 0 : i32
          %dma_wait3A_132 = tpu.memref_slice %arg6[%dma_wait3A, %dma_wait3A_130, %dma_wait3A_131] : memref<2x128x128xf32, #tpu.memory_space<vmem>> -> memref<1x128x128xf32, #tpu.memory_space<vmem>>
          %dma_wait3A_133 = tpu.memref_squeeze %dma_wait3A_132 : memref<1x128x128xf32, #tpu.memory_space<vmem>> -> memref<128x128xf32, #tpu.memory_space<vmem>>
          %dma_wait3A_134 = arith.constant 0 : i32
          %dma_wait3A_135 = arith.constant 0 : i32
          %dma_wait3A_136 = tpu.memref_slice %arg4[%dma_wait3A_134, %dma_wait3A_135] : memref<500000x128xf32, #tpu.memory_space<hbm>> -> memref<128x128xf32, #tpu.memory_space<hbm>>
          %dma_wait3A_137 = arith.constant 0 : i32
          %dma_wait3A_138 = arith.constant 0 : i32
          %dma_wait3A_139 = tpu.memref_slice %arg4[%dma_wait3A_137, %dma_wait3A_138] : memref<500000x128xf32, #tpu.memory_space<hbm>> -> memref<128x128xf32, #tpu.memory_space<hbm>>
          %dma_wait3A_140 = arith.constant 0 : i32
          %dma_wait3A_141 = arith.constant 0 : i32
          %dma_wait3A_142 = tpu.memref_slice %arg6[%dma_wait3A, %dma_wait3A_140, %dma_wait3A_141] : memref<2x128x128xf32, #tpu.memory_space<vmem>> -> memref<1x128x128xf32, #tpu.memory_space<vmem>>
          %dma_wait3A_143 = tpu.memref_squeeze %dma_wait3A_142 : memref<1x128x128xf32, #tpu.memory_space<vmem>> -> memref<128x128xf32, #tpu.memory_space<vmem>>
          tpu.wait_dma2 semaphore(%arg12 : memref<!tpu.dma_semaphore, #tpu.memory_space<semaphore_mem>>) src(%dma_wait3A_143 : memref<128x128xf32, #tpu.memory_space<vmem>>) dst(%dma_wait3A_139 : memref<128x128xf32, #tpu.memory_space<hbm>>)
        } else {
        }
      } else {
      }
      %mul3A_95 = arith.constant 32 : i32
      %mul3A_96 = arith.muli %mul3A_95, %add3A_81 : i32
      %add3A_97 = arith.addi %add3A, %mul3A_96 : i32
      %lt3A_98 = arith.constant 3906 : i32
      %lt3A_99 = arith.cmpi slt, %add3A_97, %lt3A_98 : i32
      %convert_element_type3A_100 = arith.extui %lt3A_99 : i1 to i32
      %cond3A_101 = arith.constant 0 : i32
      %cond3A_102 = arith.cmpi ne, %convert_element_type3A_100, %cond3A_101 : i32
      scf.if %cond3A_102 {
        %scan3A_121 = arith.constant 0 : i32
        %scan3A_122 = arith.constant 1 : i32
        %scan3A_123 = arith.constant 1 : i32
        %scan3A_124 = arith.constant 0 : i32
        %scan3A_125 = arith.constant 64 : i32
        %scan3A_126 = arith.addi %scan3A_124, %scan3A_125 : i32
        %scan3A_127 = arith.constant 1 : i32
        scf.for %scan3A_129 = %scan3A_124 to %scan3A_126 step %scan3A_127  : i32 {
          %jit3A = arith.constant 4 : i32
          %div3A = arith.divsi %scan3A_129, %jit3A : i32
          %sign3A = arith.constant 0 : i32
          %sign3A_130 = arith.cmpi sgt, %scan3A_129, %sign3A : i32
          %sign3A_131 = arith.extui %sign3A_130 : i1 to i32
          %sign3A_132 = arith.constant 0 : i32
          %sign3A_133 = arith.cmpi slt, %scan3A_129, %sign3A_132 : i32
          %sign3A_134 = arith.extui %sign3A_133 : i1 to i32
          %sign3A_135 = arith.subi %sign3A_131, %sign3A_134 : i32
          %sign3A_136 = arith.constant 0 : i32
          %sign3A_137 = arith.cmpi sgt, %jit3A, %sign3A_136 : i32
          %sign3A_138 = arith.extui %sign3A_137 : i1 to i32
          %sign3A_139 = arith.constant 0 : i32
          %sign3A_140 = arith.cmpi slt, %jit3A, %sign3A_139 : i32
          %sign3A_141 = arith.extui %sign3A_140 : i1 to i32
          %sign3A_142 = arith.subi %sign3A_138, %sign3A_141 : i32
          %ne3A = arith.cmpi ne, %sign3A_135, %sign3A_142 : i32
          %rem3A = arith.remsi %scan3A_129, %jit3A : i32
          %ne3A_143 = arith.constant 0 : i32
          %ne3A_144 = arith.cmpi ne, %rem3A, %ne3A_143 : i32
          %and3A = arith.andi %ne3A, %ne3A_144 : i1
          %sub3A = arith.constant 1 : i32
          %sub3A_145 = arith.subi %div3A, %sub3A : i32
          %select_n3A = arith.select %and3A, %sub3A_145, %div3A : i32
          %mul3A_146 = arith.constant 16 : i32
          %mul3A_147 = arith.muli %select_n3A, %mul3A_146 : i32
          %jit3A_148 = arith.constant 4 : i32
          %eq3A_149 = arith.constant 0 : i32
          %eq3A_150 = arith.cmpi eq, %jit3A_148, %eq3A_149 : i32
          %jit3A_151 = arith.constant 1 : i32
          %select_n3A_152 = arith.select %eq3A_150, %jit3A_151, %jit3A_148 : i32
          %rem3A_153 = arith.remsi %scan3A_129, %select_n3A_152 : i32
          %ne3A_154 = arith.constant 0 : i32
          %ne3A_155 = arith.cmpi ne, %rem3A_153, %ne3A_154 : i32
          %lt3A_156 = arith.constant 0 : i32
          %lt3A_157 = arith.cmpi slt, %rem3A_153, %lt3A_156 : i32
          %lt3A_158 = arith.constant 0 : i32
          %lt3A_159 = arith.cmpi slt, %select_n3A_152, %lt3A_158 : i32
          %ne3A_160 = arith.xori %lt3A_157, %lt3A_159 : i1
          %and3A_161 = arith.andi %ne3A_160, %ne3A_155 : i1
          %add3A_162 = arith.addi %rem3A_153, %select_n3A_152 : i32
          %select_n3A_163 = arith.select %and3A_161, %add3A_162, %rem3A_153 : i32
          %mul3A_164 = arith.constant 16 : i32
          %mul3A_165 = arith.muli %select_n3A_163, %mul3A_164 : i32
          %add3A_166 = vector.broadcast %mul3A_147 : i32 to vector<16xi32>
          %add3A_167 = arith.addi %add3A_166, %iota3A : vector<16xi32>
          %shift_right_logical3A = arith.constant 1 : i32
          %shift_right_logical3A_168 = vector.broadcast %shift_right_logical3A : i32 to vector<16xi32>
          %shift_right_logical3A_169 = arith.shrui %add3A_167, %shift_right_logical3A_168 : vector<16xi32>
          %and3A_170 = arith.constant 1 : i32
          %and3A_171 = vector.broadcast %and3A_170 : i32 to vector<16xi32>
          %and3A_172 = arith.andi %add3A_167, %and3A_171 : vector<16xi32>
          %shift_left3A = arith.constant 6 : i32
          %shift_left3A_173 = vector.broadcast %shift_left3A : i32 to vector<16xi32>
          %shift_left3A_174 = arith.shli %and3A_172, %shift_left3A_173 : vector<16xi32>
          %add3A_175 = vector.broadcast %mul3A_165 : i32 to vector<16xi32>
          %add3A_176 = arith.addi %shift_left3A_174, %add3A_175 : vector<16xi32>
          %add3A_177 = arith.constant 0 : i32
          %add3A_178 = vector.broadcast %add3A_177 : i32 to vector<16xi32>
          %add3A_179 = arith.addi %iota3A, %add3A_178 : vector<16xi32>
          %and3A_180 = arith.constant 15 : i32
          %and3A_181 = vector.broadcast %and3A_180 : i32 to vector<16xi32>
          %and3A_182 = arith.andi %add3A_179, %and3A_181 : vector<16xi32>
          %add3A_183 = vector.broadcast %mul3A_165 : i32 to vector<16xi32>
          %add3A_184 = arith.addi %add3A_183, %and3A_182 : vector<16xi32>
          %gather3A = arith.constant 0 : i32
          %gather3A_185 = arith.constant 0 : i32
          %gather3A_186 = tpu.memref_slice %arg5[%scan3A_122, %gather3A, %gather3A_185] : memref<2x64x256xf32, #tpu.memory_space<vmem>> -> memref<1x64x256xf32, #tpu.memory_space<vmem>>
          %gather3A_187 = tpu.memref_squeeze %gather3A_186 : memref<1x64x256xf32, #tpu.memory_space<vmem>> -> memref<64x256xf32, #tpu.memory_space<vmem>>
          %gather3A_188 = tpu.vector_load_idx %gather3A_187[%add3A_184, %add3A_167] : memref<64x256xf32, #tpu.memory_space<vmem>>[vector<16xi32>, vector<16xi32>], vector<16xf32>,
          %add3A_189 = arith.addi %add3A_176, %and3A_182 : vector<16xi32>
          %scatter3A = arith.constant 0 : i32
          %scatter3A_190 = arith.constant 0 : i32
          %scatter3A_191 = tpu.memref_slice %arg6[%scan3A_123, %scatter3A, %scatter3A_190] : memref<2x128x128xf32, #tpu.memory_space<vmem>> -> memref<1x128x128xf32, #tpu.memory_space<vmem>>
          %scatter3A_192 = tpu.memref_squeeze %scatter3A_191 : memref<1x128x128xf32, #tpu.memory_space<vmem>> -> memref<128x128xf32, #tpu.memory_space<vmem>>
          tpu.vector_store_idx %scatter3A_192[%shift_right_logical3A_169, %add3A_189], %gather3A_188 : memref<128x128xf32, #tpu.memory_space<vmem>>[vector<16xi32>, vector<16xi32>], vector<16xf32>,
          %add3A_193 = arith.constant 1 : i32
          %add3A_194 = vector.broadcast %add3A_193 : i32 to vector<16xi32>
          %add3A_195 = arith.addi %iota3A, %add3A_194 : vector<16xi32>
          %and3A_196 = arith.constant 15 : i32
          %and3A_197 = vector.broadcast %and3A_196 : i32 to vector<16xi32>
          %and3A_198 = arith.andi %add3A_195, %and3A_197 : vector<16xi32>
          %add3A_199 = vector.broadcast %mul3A_165 : i32 to vector<16xi32>
          %add3A_200 = arith.addi %add3A_199, %and3A_198 : vector<16xi32>
          %gather3A_201 = arith.constant 0 : i32
          %gather3A_202 = arith.constant 0 : i32
          %gather3A_203 = tpu.memref_slice %arg5[%scan3A_122, %gather3A_201, %gather3A_202] : memref<2x64x256xf32, #tpu.memory_space<vmem>> -> memref<1x64x256xf32, #tpu.memory_space<vmem>>
          %gather3A_204 = tpu.memref_squeeze %gather3A_203 : memref<1x64x256xf32, #tpu.memory_space<vmem>> -> memref<64x256xf32, #tpu.memory_space<vmem>>
          %gather3A_205 = tpu.vector_load_idx %gather3A_204[%add3A_200, %add3A_167] : memref<64x256xf32, #tpu.memory_space<vmem>>[vector<16xi32>, vector<16xi32>], vector<16xf32>,
          %add3A_206 = arith.addi %add3A_176, %and3A_198 : vector<16xi32>
          %scatter3A_207 = arith.constant 0 : i32
          %scatter3A_208 = arith.constant 0 : i32
          %scatter3A_209 = tpu.memref_slice %arg6[%scan3A_123, %scatter3A_207, %scatter3A_208] : memref<2x128x128xf32, #tpu.memory_space<vmem>> -> memref<1x128x128xf32, #tpu.memory_space<vmem>>
          %scatter3A_210 = tpu.memref_squeeze %scatter3A_209 : memref<1x128x128xf32, #tpu.memory_space<vmem>> -> memref<128x128xf32, #tpu.memory_space<vmem>>
          tpu.vector_store_idx %scatter3A_210[%shift_right_logical3A_169, %add3A_206], %gather3A_205 : memref<128x128xf32, #tpu.memory_space<vmem>>[vector<16xi32>, vector<16xi32>], vector<16xf32>,
          %add3A_211 = arith.constant 2 : i32
          %add3A_212 = vector.broadcast %add3A_211 : i32 to vector<16xi32>
          %add3A_213 = arith.addi %iota3A, %add3A_212 : vector<16xi32>
          %and3A_214 = arith.constant 15 : i32
          %and3A_215 = vector.broadcast %and3A_214 : i32 to vector<16xi32>
          %and3A_216 = arith.andi %add3A_213, %and3A_215 : vector<16xi32>
          %add3A_217 = vector.broadcast %mul3A_165 : i32 to vector<16xi32>
          %add3A_218 = arith.addi %add3A_217, %and3A_216 : vector<16xi32>
          %gather3A_219 = arith.constant 0 : i32
          %gather3A_220 = arith.constant 0 : i32
          %gather3A_221 = tpu.memref_slice %arg5[%scan3A_122, %gather3A_219, %gather3A_220] : memref<2x64x256xf32, #tpu.memory_space<vmem>> -> memref<1x64x256xf32, #tpu.memory_space<vmem>>
          %gather3A_222 = tpu.memref_squeeze %gather3A_221 : memref<1x64x256xf32, #tpu.memory_space<vmem>> -> memref<64x256xf32, #tpu.memory_space<vmem>>
          %gather3A_223 = tpu.vector_load_idx %gather3A_222[%add3A_218, %add3A_167] : memref<64x256xf32, #tpu.memory_space<vmem>>[vector<16xi32>, vector<16xi32>], vector<16xf32>,
          %add3A_224 = arith.addi %add3A_176, %and3A_216 : vector<16xi32>
          %scatter3A_225 = arith.constant 0 : i32
          %scatter3A_226 = arith.constant 0 : i32
          %scatter3A_227 = tpu.memref_slice %arg6[%scan3A_123, %scatter3A_225, %scatter3A_226] : memref<2x128x128xf32, #tpu.memory_space<vmem>> -> memref<1x128x128xf32, #tpu.memory_space<vmem>>
          %scatter3A_228 = tpu.memref_squeeze %scatter3A_227 : memref<1x128x128xf32, #tpu.memory_space<vmem>> -> memref<128x128xf32, #tpu.memory_space<vmem>>
          tpu.vector_store_idx %scatter3A_228[%shift_right_logical3A_169, %add3A_224], %gather3A_223 : memref<128x128xf32, #tpu.memory_space<vmem>>[vector<16xi32>, vector<16xi32>], vector<16xf32>,
          %add3A_229 = arith.constant 3 : i32
          %add3A_230 = vector.broadcast %add3A_229 : i32 to vector<16xi32>
          %add3A_231 = arith.addi %iota3A, %add3A_230 : vector<16xi32>
          %and3A_232 = arith.constant 15 : i32
          %and3A_233 = vector.broadcast %and3A_232 : i32 to vector<16xi32>
          %and3A_234 = arith.andi %add3A_231, %and3A_233 : vector<16xi32>
          %add3A_235 = vector.broadcast %mul3A_165 : i32 to vector<16xi32>
          %add3A_236 = arith.addi %add3A_235, %and3A_234 : vector<16xi32>
          %gather3A_237 = arith.constant 0 : i32
          %gather3A_238 = arith.constant 0 : i32
          %gather3A_239 = tpu.memref_slice %arg5[%scan3A_122, %gather3A_237, %gather3A_238] : memref<2x64x256xf32, #tpu.memory_space<vmem>> -> memref<1x64x256xf32, #tpu.memory_space<vmem>>
          %gather3A_240 = tpu.memref_squeeze %gather3A_239 : memref<1x64x256xf32, #tpu.memory_space<vmem>> -> memref<64x256xf32, #tpu.memory_space<vmem>>
          %gather3A_241 = tpu.vector_load_idx %gather3A_240[%add3A_236, %add3A_167] : memref<64x256xf32, #tpu.memory_space<vmem>>[vector<16xi32>, vector<16xi32>], vector<16xf32>,
          %add3A_242 = arith.addi %add3A_176, %and3A_234 : vector<16xi32>
          %scatter3A_243 = arith.constant 0 : i32
          %scatter3A_244 = arith.constant 0 : i32
          %scatter3A_245 = tpu.memref_slice %arg6[%scan3A_123, %scatter3A_243, %scatter3A_244] : memref<2x128x128xf32, #tpu.memory_space<vmem>> -> memref<1x128x128xf32, #tpu.memory_space<vmem>>
          %scatter3A_246 = tpu.memref_squeeze %scatter3A_245 : memref<1x128x128xf32, #tpu.memory_space<vmem>> -> memref<128x128xf32, #tpu.memory_space<vmem>>
          tpu.vector_store_idx %scatter3A_246[%shift_right_logical3A_169, %add3A_242], %gather3A_241 : memref<128x128xf32, #tpu.memory_space<vmem>>[vector<16xi32>, vector<16xi32>], vector<16xf32>,
          %add3A_247 = arith.constant 4 : i32
          %add3A_248 = vector.broadcast %add3A_247 : i32 to vector<16xi32>
          %add3A_249 = arith.addi %iota3A, %add3A_248 : vector<16xi32>
          %and3A_250 = arith.constant 15 : i32
          %and3A_251 = vector.broadcast %and3A_250 : i32 to vector<16xi32>
          %and3A_252 = arith.andi %add3A_249, %and3A_251 : vector<16xi32>
          %add3A_253 = vector.broadcast %mul3A_165 : i32 to vector<16xi32>
          %add3A_254 = arith.addi %add3A_253, %and3A_252 : vector<16xi32>
          %gather3A_255 = arith.constant 0 : i32
          %gather3A_256 = arith.constant 0 : i32
          %gather3A_257 = tpu.memref_slice %arg5[%scan3A_122, %gather3A_255, %gather3A_256] : memref<2x64x256xf32, #tpu.memory_space<vmem>> -> memref<1x64x256xf32, #tpu.memory_space<vmem>>
          %gather3A_258 = tpu.memref_squeeze %gather3A_257 : memref<1x64x256xf32, #tpu.memory_space<vmem>> -> memref<64x256xf32, #tpu.memory_space<vmem>>
          %gather3A_259 = tpu.vector_load_idx %gather3A_258[%add3A_254, %add3A_167] : memref<64x256xf32, #tpu.memory_space<vmem>>[vector<16xi32>, vector<16xi32>], vector<16xf32>,
          %add3A_260 = arith.addi %add3A_176, %and3A_252 : vector<16xi32>
          %scatter3A_261 = arith.constant 0 : i32
          %scatter3A_262 = arith.constant 0 : i32
          %scatter3A_263 = tpu.memref_slice %arg6[%scan3A_123, %scatter3A_261, %scatter3A_262] : memref<2x128x128xf32, #tpu.memory_space<vmem>> -> memref<1x128x128xf32, #tpu.memory_space<vmem>>
          %scatter3A_264 = tpu.memref_squeeze %scatter3A_263 : memref<1x128x128xf32, #tpu.memory_space<vmem>> -> memref<128x128xf32, #tpu.memory_space<vmem>>
          tpu.vector_store_idx %scatter3A_264[%shift_right_logical3A_169, %add3A_260], %gather3A_259 : memref<128x128xf32, #tpu.memory_space<vmem>>[vector<16xi32>, vector<16xi32>], vector<16xf32>,
          %add3A_265 = arith.constant 5 : i32
          %add3A_266 = vector.broadcast %add3A_265 : i32 to vector<16xi32>
          %add3A_267 = arith.addi %iota3A, %add3A_266 : vector<16xi32>
          %and3A_268 = arith.constant 15 : i32
          %and3A_269 = vector.broadcast %and3A_268 : i32 to vector<16xi32>
          %and3A_270 = arith.andi %add3A_267, %and3A_269 : vector<16xi32>
          %add3A_271 = vector.broadcast %mul3A_165 : i32 to vector<16xi32>
          %add3A_272 = arith.addi %add3A_271, %and3A_270 : vector<16xi32>
          %gather3A_273 = arith.constant 0 : i32
          %gather3A_274 = arith.constant 0 : i32
          %gather3A_275 = tpu.memref_slice %arg5[%scan3A_122, %gather3A_273, %gather3A_274] : memref<2x64x256xf32, #tpu.memory_space<vmem>> -> memref<1x64x256xf32, #tpu.memory_space<vmem>>
          %gather3A_276 = tpu.memref_squeeze %gather3A_275 : memref<1x64x256xf32, #tpu.memory_space<vmem>> -> memref<64x256xf32, #tpu.memory_space<vmem>>
          %gather3A_277 = tpu.vector_load_idx %gather3A_276[%add3A_272, %add3A_167] : memref<64x256xf32, #tpu.memory_space<vmem>>[vector<16xi32>, vector<16xi32>], vector<16xf32>,
          %add3A_278 = arith.addi %add3A_176, %and3A_270 : vector<16xi32>
          %scatter3A_279 = arith.constant 0 : i32
          %scatter3A_280 = arith.constant 0 : i32
          %scatter3A_281 = tpu.memref_slice %arg6[%scan3A_123, %scatter3A_279, %scatter3A_280] : memref<2x128x128xf32, #tpu.memory_space<vmem>> -> memref<1x128x128xf32, #tpu.memory_space<vmem>>
          %scatter3A_282 = tpu.memref_squeeze %scatter3A_281 : memref<1x128x128xf32, #tpu.memory_space<vmem>> -> memref<128x128xf32, #tpu.memory_space<vmem>>
          tpu.vector_store_idx %scatter3A_282[%shift_right_logical3A_169, %add3A_278], %gather3A_277 : memref<128x128xf32, #tpu.memory_space<vmem>>[vector<16xi32>, vector<16xi32>], vector<16xf32>,
          %add3A_283 = arith.constant 6 : i32
          %add3A_284 = vector.broadcast %add3A_283 : i32 to vector<16xi32>
          %add3A_285 = arith.addi %iota3A, %add3A_284 : vector<16xi32>
          %and3A_286 = arith.constant 15 : i32
          %and3A_287 = vector.broadcast %and3A_286 : i32 to vector<16xi32>
          %and3A_288 = arith.andi %add3A_285, %and3A_287 : vector<16xi32>
          %add3A_289 = vector.broadcast %mul3A_165 : i32 to vector<16xi32>
          %add3A_290 = arith.addi %add3A_289, %and3A_288 : vector<16xi32>
          %gather3A_291 = arith.constant 0 : i32
          %gather3A_292 = arith.constant 0 : i32
          %gather3A_293 = tpu.memref_slice %arg5[%scan3A_122, %gather3A_291, %gather3A_292] : memref<2x64x256xf32, #tpu.memory_space<vmem>> -> memref<1x64x256xf32, #tpu.memory_space<vmem>>
          %gather3A_294 = tpu.memref_squeeze %gather3A_293 : memref<1x64x256xf32, #tpu.memory_space<vmem>> -> memref<64x256xf32, #tpu.memory_space<vmem>>
          %gather3A_295 = tpu.vector_load_idx %gather3A_294[%add3A_290, %add3A_167] : memref<64x256xf32, #tpu.memory_space<vmem>>[vector<16xi32>, vector<16xi32>], vector<16xf32>,
          %add3A_296 = arith.addi %add3A_176, %and3A_288 : vector<16xi32>
          %scatter3A_297 = arith.constant 0 : i32
          %scatter3A_298 = arith.constant 0 : i32
          %scatter3A_299 = tpu.memref_slice %arg6[%scan3A_123, %scatter3A_297, %scatter3A_298] : memref<2x128x128xf32, #tpu.memory_space<vmem>> -> memref<1x128x128xf32, #tpu.memory_space<vmem>>
          %scatter3A_300 = tpu.memref_squeeze %scatter3A_299 : memref<1x128x128xf32, #tpu.memory_space<vmem>> -> memref<128x128xf32, #tpu.memory_space<vmem>>
          tpu.vector_store_idx %scatter3A_300[%shift_right_logical3A_169, %add3A_296], %gather3A_295 : memref<128x128xf32, #tpu.memory_space<vmem>>[vector<16xi32>, vector<16xi32>], vector<16xf32>,
          %add3A_301 = arith.constant 7 : i32
          %add3A_302 = vector.broadcast %add3A_301 : i32 to vector<16xi32>
          %add3A_303 = arith.addi %iota3A, %add3A_302 : vector<16xi32>
          %and3A_304 = arith.constant 15 : i32
          %and3A_305 = vector.broadcast %and3A_304 : i32 to vector<16xi32>
          %and3A_306 = arith.andi %add3A_303, %and3A_305 : vector<16xi32>
          %add3A_307 = vector.broadcast %mul3A_165 : i32 to vector<16xi32>
          %add3A_308 = arith.addi %add3A_307, %and3A_306 : vector<16xi32>
          %gather3A_309 = arith.constant 0 : i32
          %gather3A_310 = arith.constant 0 : i32
          %gather3A_311 = tpu.memref_slice %arg5[%scan3A_122, %gather3A_309, %gather3A_310] : memref<2x64x256xf32, #tpu.memory_space<vmem>> -> memref<1x64x256xf32, #tpu.memory_space<vmem>>
          %gather3A_312 = tpu.memref_squeeze %gather3A_311 : memref<1x64x256xf32, #tpu.memory_space<vmem>> -> memref<64x256xf32, #tpu.memory_space<vmem>>
          %gather3A_313 = tpu.vector_load_idx %gather3A_312[%add3A_308, %add3A_167] : memref<64x256xf32, #tpu.memory_space<vmem>>[vector<16xi32>, vector<16xi32>], vector<16xf32>,
          %add3A_314 = arith.addi %add3A_176, %and3A_306 : vector<16xi32>
          %scatter3A_315 = arith.constant 0 : i32
          %scatter3A_316 = arith.constant 0 : i32
          %scatter3A_317 = tpu.memref_slice %arg6[%scan3A_123, %scatter3A_315, %scatter3A_316] : memref<2x128x128xf32, #tpu.memory_space<vmem>> -> memref<1x128x128xf32, #tpu.memory_space<vmem>>
          %scatter3A_318 = tpu.memref_squeeze %scatter3A_317 : memref<1x128x128xf32, #tpu.memory_space<vmem>> -> memref<128x128xf32, #tpu.memory_space<vmem>>
          tpu.vector_store_idx %scatter3A_318[%shift_right_logical3A_169, %add3A_314], %gather3A_313 : memref<128x128xf32, #tpu.memory_space<vmem>>[vector<16xi32>, vector<16xi32>], vector<16xf32>,
          %add3A_319 = arith.constant 8 : i32
          %add3A_320 = vector.broadcast %add3A_319 : i32 to vector<16xi32>
          %add3A_321 = arith.addi %iota3A, %add3A_320 : vector<16xi32>
          %and3A_322 = arith.constant 15 : i32
          %and3A_323 = vector.broadcast %and3A_322 : i32 to vector<16xi32>
          %and3A_324 = arith.andi %add3A_321, %and3A_323 : vector<16xi32>
          %add3A_325 = vector.broadcast %mul3A_165 : i32 to vector<16xi32>
          %add3A_326 = arith.addi %add3A_325, %and3A_324 : vector<16xi32>
          %gather3A_327 = arith.constant 0 : i32
          %gather3A_328 = arith.constant 0 : i32
          %gather3A_329 = tpu.memref_slice %arg5[%scan3A_122, %gather3A_327, %gather3A_328] : memref<2x64x256xf32, #tpu.memory_space<vmem>> -> memref<1x64x256xf32, #tpu.memory_space<vmem>>
          %gather3A_330 = tpu.memref_squeeze %gather3A_329 : memref<1x64x256xf32, #tpu.memory_space<vmem>> -> memref<64x256xf32, #tpu.memory_space<vmem>>
          %gather3A_331 = tpu.vector_load_idx %gather3A_330[%add3A_326, %add3A_167] : memref<64x256xf32, #tpu.memory_space<vmem>>[vector<16xi32>, vector<16xi32>], vector<16xf32>,
          %add3A_332 = arith.addi %add3A_176, %and3A_324 : vector<16xi32>
          %scatter3A_333 = arith.constant 0 : i32
          %scatter3A_334 = arith.constant 0 : i32
          %scatter3A_335 = tpu.memref_slice %arg6[%scan3A_123, %scatter3A_333, %scatter3A_334] : memref<2x128x128xf32, #tpu.memory_space<vmem>> -> memref<1x128x128xf32, #tpu.memory_space<vmem>>
          %scatter3A_336 = tpu.memref_squeeze %scatter3A_335 : memref<1x128x128xf32, #tpu.memory_space<vmem>> -> memref<128x128xf32, #tpu.memory_space<vmem>>
          tpu.vector_store_idx %scatter3A_336[%shift_right_logical3A_169, %add3A_332], %gather3A_331 : memref<128x128xf32, #tpu.memory_space<vmem>>[vector<16xi32>, vector<16xi32>], vector<16xf32>,
          %add3A_337 = arith.constant 9 : i32
          %add3A_338 = vector.broadcast %add3A_337 : i32 to vector<16xi32>
          %add3A_339 = arith.addi %iota3A, %add3A_338 : vector<16xi32>
          %and3A_340 = arith.constant 15 : i32
          %and3A_341 = vector.broadcast %and3A_340 : i32 to vector<16xi32>
          %and3A_342 = arith.andi %add3A_339, %and3A_341 : vector<16xi32>
          %add3A_343 = vector.broadcast %mul3A_165 : i32 to vector<16xi32>
          %add3A_344 = arith.addi %add3A_343, %and3A_342 : vector<16xi32>
          %gather3A_345 = arith.constant 0 : i32
          %gather3A_346 = arith.constant 0 : i32
          %gather3A_347 = tpu.memref_slice %arg5[%scan3A_122, %gather3A_345, %gather3A_346] : memref<2x64x256xf32, #tpu.memory_space<vmem>> -> memref<1x64x256xf32, #tpu.memory_space<vmem>>
          %gather3A_348 = tpu.memref_squeeze %gather3A_347 : memref<1x64x256xf32, #tpu.memory_space<vmem>> -> memref<64x256xf32, #tpu.memory_space<vmem>>
          %gather3A_349 = tpu.vector_load_idx %gather3A_348[%add3A_344, %add3A_167] : memref<64x256xf32, #tpu.memory_space<vmem>>[vector<16xi32>, vector<16xi32>], vector<16xf32>,
          %add3A_350 = arith.addi %add3A_176, %and3A_342 : vector<16xi32>
          %scatter3A_351 = arith.constant 0 : i32
          %scatter3A_352 = arith.constant 0 : i32
          %scatter3A_353 = tpu.memref_slice %arg6[%scan3A_123, %scatter3A_351, %scatter3A_352] : memref<2x128x128xf32, #tpu.memory_space<vmem>> -> memref<1x128x128xf32, #tpu.memory_space<vmem>>
          %scatter3A_354 = tpu.memref_squeeze %scatter3A_353 : memref<1x128x128xf32, #tpu.memory_space<vmem>> -> memref<128x128xf32, #tpu.memory_space<vmem>>
          tpu.vector_store_idx %scatter3A_354[%shift_right_logical3A_169, %add3A_350], %gather3A_349 : memref<128x128xf32, #tpu.memory_space<vmem>>[vector<16xi32>, vector<16xi32>], vector<16xf32>,
          %add3A_355 = arith.constant 10 : i32
          %add3A_356 = vector.broadcast %add3A_355 : i32 to vector<16xi32>
          %add3A_357 = arith.addi %iota3A, %add3A_356 : vector<16xi32>
          %and3A_358 = arith.constant 15 : i32
          %and3A_359 = vector.broadcast %and3A_358 : i32 to vector<16xi32>
          %and3A_360 = arith.andi %add3A_357, %and3A_359 : vector<16xi32>
          %add3A_361 = vector.broadcast %mul3A_165 : i32 to vector<16xi32>
          %add3A_362 = arith.addi %add3A_361, %and3A_360 : vector<16xi32>
          %gather3A_363 = arith.constant 0 : i32
          %gather3A_364 = arith.constant 0 : i32
          %gather3A_365 = tpu.memref_slice %arg5[%scan3A_122, %gather3A_363, %gather3A_364] : memref<2x64x256xf32, #tpu.memory_space<vmem>> -> memref<1x64x256xf32, #tpu.memory_space<vmem>>
          %gather3A_366 = tpu.memref_squeeze %gather3A_365 : memref<1x64x256xf32, #tpu.memory_space<vmem>> -> memref<64x256xf32, #tpu.memory_space<vmem>>
          %gather3A_367 = tpu.vector_load_idx %gather3A_366[%add3A_362, %add3A_167] : memref<64x256xf32, #tpu.memory_space<vmem>>[vector<16xi32>, vector<16xi32>], vector<16xf32>,
          %add3A_368 = arith.addi %add3A_176, %and3A_360 : vector<16xi32>
          %scatter3A_369 = arith.constant 0 : i32
          %scatter3A_370 = arith.constant 0 : i32
          %scatter3A_371 = tpu.memref_slice %arg6[%scan3A_123, %scatter3A_369, %scatter3A_370] : memref<2x128x128xf32, #tpu.memory_space<vmem>> -> memref<1x128x128xf32, #tpu.memory_space<vmem>>
          %scatter3A_372 = tpu.memref_squeeze %scatter3A_371 : memref<1x128x128xf32, #tpu.memory_space<vmem>> -> memref<128x128xf32, #tpu.memory_space<vmem>>
          tpu.vector_store_idx %scatter3A_372[%shift_right_logical3A_169, %add3A_368], %gather3A_367 : memref<128x128xf32, #tpu.memory_space<vmem>>[vector<16xi32>, vector<16xi32>], vector<16xf32>,
          %add3A_373 = arith.constant 11 : i32
          %add3A_374 = vector.broadcast %add3A_373 : i32 to vector<16xi32>
          %add3A_375 = arith.addi %iota3A, %add3A_374 : vector<16xi32>
          %and3A_376 = arith.constant 15 : i32
          %and3A_377 = vector.broadcast %and3A_376 : i32 to vector<16xi32>
          %and3A_378 = arith.andi %add3A_375, %and3A_377 : vector<16xi32>
          %add3A_379 = vector.broadcast %mul3A_165 : i32 to vector<16xi32>
          %add3A_380 = arith.addi %add3A_379, %and3A_378 : vector<16xi32>
          %gather3A_381 = arith.constant 0 : i32
          %gather3A_382 = arith.constant 0 : i32
          %gather3A_383 = tpu.memref_slice %arg5[%scan3A_122, %gather3A_381, %gather3A_382] : memref<2x64x256xf32, #tpu.memory_space<vmem>> -> memref<1x64x256xf32, #tpu.memory_space<vmem>>
          %gather3A_384 = tpu.memref_squeeze %gather3A_383 : memref<1x64x256xf32, #tpu.memory_space<vmem>> -> memref<64x256xf32, #tpu.memory_space<vmem>>
          %gather3A_385 = tpu.vector_load_idx %gather3A_384[%add3A_380, %add3A_167] : memref<64x256xf32, #tpu.memory_space<vmem>>[vector<16xi32>, vector<16xi32>], vector<16xf32>,
          %add3A_386 = arith.addi %add3A_176, %and3A_378 : vector<16xi32>
          %scatter3A_387 = arith.constant 0 : i32
          %scatter3A_388 = arith.constant 0 : i32
          %scatter3A_389 = tpu.memref_slice %arg6[%scan3A_123, %scatter3A_387, %scatter3A_388] : memref<2x128x128xf32, #tpu.memory_space<vmem>> -> memref<1x128x128xf32, #tpu.memory_space<vmem>>
          %scatter3A_390 = tpu.memref_squeeze %scatter3A_389 : memref<1x128x128xf32, #tpu.memory_space<vmem>> -> memref<128x128xf32, #tpu.memory_space<vmem>>
          tpu.vector_store_idx %scatter3A_390[%shift_right_logical3A_169, %add3A_386], %gather3A_385 : memref<128x128xf32, #tpu.memory_space<vmem>>[vector<16xi32>, vector<16xi32>], vector<16xf32>,
          %add3A_391 = arith.constant 12 : i32
          %add3A_392 = vector.broadcast %add3A_391 : i32 to vector<16xi32>
          %add3A_393 = arith.addi %iota3A, %add3A_392 : vector<16xi32>
          %and3A_394 = arith.constant 15 : i32
          %and3A_395 = vector.broadcast %and3A_394 : i32 to vector<16xi32>
          %and3A_396 = arith.andi %add3A_393, %and3A_395 : vector<16xi32>
          %add3A_397 = vector.broadcast %mul3A_165 : i32 to vector<16xi32>
          %add3A_398 = arith.addi %add3A_397, %and3A_396 : vector<16xi32>
          %gather3A_399 = arith.constant 0 : i32
          %gather3A_400 = arith.constant 0 : i32
          %gather3A_401 = tpu.memref_slice %arg5[%scan3A_122, %gather3A_399, %gather3A_400] : memref<2x64x256xf32, #tpu.memory_space<vmem>> -> memref<1x64x256xf32, #tpu.memory_space<vmem>>
          %gather3A_402 = tpu.memref_squeeze %gather3A_401 : memref<1x64x256xf32, #tpu.memory_space<vmem>> -> memref<64x256xf32, #tpu.memory_space<vmem>>
          %gather3A_403 = tpu.vector_load_idx %gather3A_402[%add3A_398, %add3A_167] : memref<64x256xf32, #tpu.memory_space<vmem>>[vector<16xi32>, vector<16xi32>], vector<16xf32>,
          %add3A_404 = arith.addi %add3A_176, %and3A_396 : vector<16xi32>
          %scatter3A_405 = arith.constant 0 : i32
          %scatter3A_406 = arith.constant 0 : i32
          %scatter3A_407 = tpu.memref_slice %arg6[%scan3A_123, %scatter3A_405, %scatter3A_406] : memref<2x128x128xf32, #tpu.memory_space<vmem>> -> memref<1x128x128xf32, #tpu.memory_space<vmem>>
          %scatter3A_408 = tpu.memref_squeeze %scatter3A_407 : memref<1x128x128xf32, #tpu.memory_space<vmem>> -> memref<128x128xf32, #tpu.memory_space<vmem>>
          tpu.vector_store_idx %scatter3A_408[%shift_right_logical3A_169, %add3A_404], %gather3A_403 : memref<128x128xf32, #tpu.memory_space<vmem>>[vector<16xi32>, vector<16xi32>], vector<16xf32>,
          %add3A_409 = arith.constant 13 : i32
          %add3A_410 = vector.broadcast %add3A_409 : i32 to vector<16xi32>
          %add3A_411 = arith.addi %iota3A, %add3A_410 : vector<16xi32>
          %and3A_412 = arith.constant 15 : i32
          %and3A_413 = vector.broadcast %and3A_412 : i32 to vector<16xi32>
          %and3A_414 = arith.andi %add3A_411, %and3A_413 : vector<16xi32>
          %add3A_415 = vector.broadcast %mul3A_165 : i32 to vector<16xi32>
          %add3A_416 = arith.addi %add3A_415, %and3A_414 : vector<16xi32>
          %gather3A_417 = arith.constant 0 : i32
          %gather3A_418 = arith.constant 0 : i32
          %gather3A_419 = tpu.memref_slice %arg5[%scan3A_122, %gather3A_417, %gather3A_418] : memref<2x64x256xf32, #tpu.memory_space<vmem>> -> memref<1x64x256xf32, #tpu.memory_space<vmem>>
          %gather3A_420 = tpu.memref_squeeze %gather3A_419 : memref<1x64x256xf32, #tpu.memory_space<vmem>> -> memref<64x256xf32, #tpu.memory_space<vmem>>
          %gather3A_421 = tpu.vector_load_idx %gather3A_420[%add3A_416, %add3A_167] : memref<64x256xf32, #tpu.memory_space<vmem>>[vector<16xi32>, vector<16xi32>], vector<16xf32>,
          %add3A_422 = arith.addi %add3A_176, %and3A_414 : vector<16xi32>
          %scatter3A_423 = arith.constant 0 : i32
          %scatter3A_424 = arith.constant 0 : i32
          %scatter3A_425 = tpu.memref_slice %arg6[%scan3A_123, %scatter3A_423, %scatter3A_424] : memref<2x128x128xf32, #tpu.memory_space<vmem>> -> memref<1x128x128xf32, #tpu.memory_space<vmem>>
          %scatter3A_426 = tpu.memref_squeeze %scatter3A_425 : memref<1x128x128xf32, #tpu.memory_space<vmem>> -> memref<128x128xf32, #tpu.memory_space<vmem>>
          tpu.vector_store_idx %scatter3A_426[%shift_right_logical3A_169, %add3A_422], %gather3A_421 : memref<128x128xf32, #tpu.memory_space<vmem>>[vector<16xi32>, vector<16xi32>], vector<16xf32>,
          %add3A_427 = arith.constant 14 : i32
          %add3A_428 = vector.broadcast %add3A_427 : i32 to vector<16xi32>
          %add3A_429 = arith.addi %iota3A, %add3A_428 : vector<16xi32>
          %and3A_430 = arith.constant 15 : i32
          %and3A_431 = vector.broadcast %and3A_430 : i32 to vector<16xi32>
          %and3A_432 = arith.andi %add3A_429, %and3A_431 : vector<16xi32>
          %add3A_433 = vector.broadcast %mul3A_165 : i32 to vector<16xi32>
          %add3A_434 = arith.addi %add3A_433, %and3A_432 : vector<16xi32>
          %gather3A_435 = arith.constant 0 : i32
          %gather3A_436 = arith.constant 0 : i32
          %gather3A_437 = tpu.memref_slice %arg5[%scan3A_122, %gather3A_435, %gather3A_436] : memref<2x64x256xf32, #tpu.memory_space<vmem>> -> memref<1x64x256xf32, #tpu.memory_space<vmem>>
          %gather3A_438 = tpu.memref_squeeze %gather3A_437 : memref<1x64x256xf32, #tpu.memory_space<vmem>> -> memref<64x256xf32, #tpu.memory_space<vmem>>
          %gather3A_439 = tpu.vector_load_idx %gather3A_438[%add3A_434, %add3A_167] : memref<64x256xf32, #tpu.memory_space<vmem>>[vector<16xi32>, vector<16xi32>], vector<16xf32>,
          %add3A_440 = arith.addi %add3A_176, %and3A_432 : vector<16xi32>
          %scatter3A_441 = arith.constant 0 : i32
          %scatter3A_442 = arith.constant 0 : i32
          %scatter3A_443 = tpu.memref_slice %arg6[%scan3A_123, %scatter3A_441, %scatter3A_442] : memref<2x128x128xf32, #tpu.memory_space<vmem>> -> memref<1x128x128xf32, #tpu.memory_space<vmem>>
          %scatter3A_444 = tpu.memref_squeeze %scatter3A_443 : memref<1x128x128xf32, #tpu.memory_space<vmem>> -> memref<128x128xf32, #tpu.memory_space<vmem>>
          tpu.vector_store_idx %scatter3A_444[%shift_right_logical3A_169, %add3A_440], %gather3A_439 : memref<128x128xf32, #tpu.memory_space<vmem>>[vector<16xi32>, vector<16xi32>], vector<16xf32>,
          %add3A_445 = arith.constant 15 : i32
          %add3A_446 = vector.broadcast %add3A_445 : i32 to vector<16xi32>
          %add3A_447 = arith.addi %iota3A, %add3A_446 : vector<16xi32>
          %and3A_448 = arith.constant 15 : i32
          %and3A_449 = vector.broadcast %and3A_448 : i32 to vector<16xi32>
          %and3A_450 = arith.andi %add3A_447, %and3A_449 : vector<16xi32>
          %add3A_451 = vector.broadcast %mul3A_165 : i32 to vector<16xi32>
          %add3A_452 = arith.addi %add3A_451, %and3A_450 : vector<16xi32>
          %gather3A_453 = arith.constant 0 : i32
          %gather3A_454 = arith.constant 0 : i32
          %gather3A_455 = tpu.memref_slice %arg5[%scan3A_122, %gather3A_453, %gather3A_454] : memref<2x64x256xf32, #tpu.memory_space<vmem>> -> memref<1x64x256xf32, #tpu.memory_space<vmem>>
          %gather3A_456 = tpu.memref_squeeze %gather3A_455 : memref<1x64x256xf32, #tpu.memory_space<vmem>> -> memref<64x256xf32, #tpu.memory_space<vmem>>
          %gather3A_457 = tpu.vector_load_idx %gather3A_456[%add3A_452, %add3A_167] : memref<64x256xf32, #tpu.memory_space<vmem>>[vector<16xi32>, vector<16xi32>], vector<16xf32>,
          %add3A_458 = arith.addi %add3A_176, %and3A_450 : vector<16xi32>
          %scatter3A_459 = arith.constant 0 : i32
          %scatter3A_460 = arith.constant 0 : i32
          %scatter3A_461 = tpu.memref_slice %arg6[%scan3A_123, %scatter3A_459, %scatter3A_460] : memref<2x128x128xf32, #tpu.memory_space<vmem>> -> memref<1x128x128xf32, #tpu.memory_space<vmem>>
          %scatter3A_462 = tpu.memref_squeeze %scatter3A_461 : memref<1x128x128xf32, #tpu.memory_space<vmem>> -> memref<128x128xf32, #tpu.memory_space<vmem>>
          tpu.vector_store_idx %scatter3A_462[%shift_right_logical3A_169, %add3A_458], %gather3A_457 : memref<128x128xf32, #tpu.memory_space<vmem>>[vector<16xi32>, vector<16xi32>], vector<16xf32>,
        }
        %scan3A_128 = arith.constant 64 : i32
      } else {
      }
      %mul3A_103 = arith.constant 32 : i32
      %mul3A_104 = arith.muli %mul3A_103, %add3A_81 : i32
      %add3A_105 = arith.addi %add3A, %mul3A_104 : i32
      %lt3A_106 = arith.constant 3906 : i32
      %lt3A_107 = arith.cmpi slt, %add3A_105, %lt3A_106 : i32
      %convert_element_type3A_108 = arith.extui %lt3A_107 : i1 to i32
      %cond3A_109 = arith.constant 0 : i32
      %cond3A_110 = arith.cmpi ne, %convert_element_type3A_108, %cond3A_109 : i32
      scf.if %cond3A_110 {
        %mul3A_121 = arith.constant 128 : i32
        %mul3A_122 = arith.muli %add3A_105, %mul3A_121 : i32
        %dma_start3A = arith.constant 1 : i32
        %dma_start3A_123 = arith.constant 0 : i32
        %dma_start3A_124 = arith.constant 0 : i32
        %dma_start3A_125 = tpu.memref_slice %arg6[%dma_start3A, %dma_start3A_123, %dma_start3A_124] : memref<2x128x128xf32, #tpu.memory_space<vmem>> -> memref<1x128x128xf32, #tpu.memory_space<vmem>>
        %dma_start3A_126 = tpu.memref_squeeze %dma_start3A_125 : memref<1x128x128xf32, #tpu.memory_space<vmem>> -> memref<128x128xf32, #tpu.memory_space<vmem>>
        %dma_start3A_127 = arith.constant 0 : i32
        %dma_start3A_128 = tpu.memref_slice %arg4[%mul3A_122, %dma_start3A_127] : memref<500000x128xf32, #tpu.memory_space<hbm>> -> memref<128x128xf32, #tpu.memory_space<hbm>>
        %dma_start3A_129 = arith.constant 0 : i32
        %dma_start3A_130 = tpu.memref_slice %arg4[%mul3A_122, %dma_start3A_129] : memref<500000x128xf32, #tpu.memory_space<hbm>> -> memref<128x128xf32, #tpu.memory_space<hbm>>
        %dma_start3A_131 = arith.constant 0 : i32
        %dma_start3A_132 = arith.constant 0 : i32
        %dma_start3A_133 = tpu.memref_slice %arg6[%dma_start3A, %dma_start3A_131, %dma_start3A_132] : memref<2x128x128xf32, #tpu.memory_space<vmem>> -> memref<1x128x128xf32, #tpu.memory_space<vmem>>
        %dma_start3A_134 = tpu.memref_squeeze %dma_start3A_133 : memref<1x128x128xf32, #tpu.memory_space<vmem>> -> memref<128x128xf32, #tpu.memory_space<vmem>>
        tpu.enqueue_dma source(%dma_start3A_134 : memref<128x128xf32, #tpu.memory_space<vmem>>) target(%dma_start3A_130 : memref<128x128xf32, #tpu.memory_space<hbm>>) target_semaphore(%arg12 : memref<!tpu.dma_semaphore, #tpu.memory_space<semaphore_mem>>)
      } else {
      }
      %add3A_111 = arith.constant 2 : i32
      %add3A_112 = arith.addi %add3A_81, %add3A_111 : i32
      %mul3A_113 = arith.constant 32 : i32
      %mul3A_114 = arith.muli %mul3A_113, %add3A_112 : i32
      %add3A_115 = arith.addi %add3A, %mul3A_114 : i32
      %lt3A_116 = arith.constant 3906 : i32
      %lt3A_117 = arith.cmpi slt, %add3A_115, %lt3A_116 : i32
      %convert_element_type3A_118 = arith.extui %lt3A_117 : i1 to i32
      %cond3A_119 = arith.constant 0 : i32
      %cond3A_120 = arith.cmpi ne, %convert_element_type3A_118, %cond3A_119 : i32
      scf.if %cond3A_120 {
        %mul3A_121 = arith.constant 256 : i32
        %mul3A_122 = arith.muli %add3A_115, %mul3A_121 : i32
        %dma_start3A = arith.constant 1 : i32
        %dma_start3A_123 = arith.constant 0 : i32
        %dma_start3A_124 = arith.constant 0 : i32
        %dma_start3A_125 = tpu.memref_slice %arg5[%dma_start3A, %dma_start3A_123, %dma_start3A_124] : memref<2x64x256xf32, #tpu.memory_space<vmem>> -> memref<1x64x256xf32, #tpu.memory_space<vmem>>
        %dma_start3A_126 = tpu.memref_squeeze %dma_start3A_125 : memref<1x64x256xf32, #tpu.memory_space<vmem>> -> memref<64x256xf32, #tpu.memory_space<vmem>>
        %dma_start3A_127 = arith.constant 0 : i32
        %dma_start3A_128 = tpu.memref_slice %arg2[%dma_start3A_127, %mul3A_122] : memref<64x1000000xf32, #tpu.memory_space<hbm>> -> memref<64x256xf32, #tpu.memory_space<hbm>>
        %dma_start3A_129 = arith.constant 0 : i32
        %dma_start3A_130 = arith.constant 0 : i32
        %dma_start3A_131 = tpu.memref_slice %arg5[%dma_start3A, %dma_start3A_129, %dma_start3A_130] : memref<2x64x256xf32, #tpu.memory_space<vmem>> -> memref<1x64x256xf32, #tpu.memory_space<vmem>>
        %dma_start3A_132 = tpu.memref_squeeze %dma_start3A_131 : memref<1x64x256xf32, #tpu.memory_space<vmem>> -> memref<64x256xf32, #tpu.memory_space<vmem>>
        %dma_start3A_133 = arith.constant 0 : i32
        %dma_start3A_134 = tpu.memref_slice %arg2[%dma_start3A_133, %mul3A_122] : memref<64x1000000xf32, #tpu.memory_space<hbm>> -> memref<64x256xf32, #tpu.memory_space<hbm>>
        tpu.enqueue_dma source(%dma_start3A_134 : memref<64x256xf32, #tpu.memory_space<hbm>>) target(%dma_start3A_132 : memref<64x256xf32, #tpu.memory_space<vmem>>) target_semaphore(%arg10 : memref<!tpu.dma_semaphore, #tpu.memory_space<semaphore_mem>>)
      } else {
      }
    }
    %scan3A_16 = arith.constant 62 : i32
    %add3A_17 = arith.constant 3904 : i32
    %add3A_18 = arith.addi %add3A, %add3A_17 : i32
    %lt3A_19 = arith.constant 3906 : i32
    %lt3A_20 = arith.cmpi slt, %add3A_18, %lt3A_19 : i32
    %convert_element_type3A_21 = arith.extui %lt3A_20 : i1 to i32
    %cond3A_22 = arith.constant 0 : i32
    %cond3A_23 = arith.cmpi ne, %convert_element_type3A_21, %cond3A_22 : i32
    scf.if %cond3A_23 {
      %dma_wait3A = arith.constant 0 : i32
      %dma_wait3A_35 = arith.constant 0 : i32
      %dma_wait3A_36 = arith.constant 0 : i32
      %dma_wait3A_37 = tpu.memref_slice %arg6[%dma_wait3A, %dma_wait3A_35, %dma_wait3A_36] : memref<2x128x128xf32, #tpu.memory_space<vmem>> -> memref<1x128x128xf32, #tpu.memory_space<vmem>>
      %dma_wait3A_38 = tpu.memref_squeeze %dma_wait3A_37 : memref<1x128x128xf32, #tpu.memory_space<vmem>> -> memref<128x128xf32, #tpu.memory_space<vmem>>
      %dma_wait3A_39 = arith.constant 0 : i32
      %dma_wait3A_40 = arith.constant 0 : i32
      %dma_wait3A_41 = tpu.memref_slice %arg4[%dma_wait3A_39, %dma_wait3A_40] : memref<500000x128xf32, #tpu.memory_space<hbm>> -> memref<128x128xf32, #tpu.memory_space<hbm>>
      %dma_wait3A_42 = arith.constant 0 : i32
      %dma_wait3A_43 = arith.constant 0 : i32
      %dma_wait3A_44 = tpu.memref_slice %arg4[%dma_wait3A_42, %dma_wait3A_43] : memref<500000x128xf32, #tpu.memory_space<hbm>> -> memref<128x128xf32, #tpu.memory_space<hbm>>
      %dma_wait3A_45 = arith.constant 0 : i32
      %dma_wait3A_46 = arith.constant 0 : i32
      %dma_wait3A_47 = tpu.memref_slice %arg6[%dma_wait3A, %dma_wait3A_45, %dma_wait3A_46] : memref<2x128x128xf32, #tpu.memory_space<vmem>> -> memref<1x128x128xf32, #tpu.memory_space<vmem>>
      %dma_wait3A_48 = tpu.memref_squeeze %dma_wait3A_47 : memref<1x128x128xf32, #tpu.memory_space<vmem>> -> memref<128x128xf32, #tpu.memory_space<vmem>>
      tpu.wait_dma2 semaphore(%arg11 : memref<!tpu.dma_semaphore, #tpu.memory_space<semaphore_mem>>) src(%dma_wait3A_48 : memref<128x128xf32, #tpu.memory_space<vmem>>) dst(%dma_wait3A_44 : memref<128x128xf32, #tpu.memory_space<hbm>>)
    } else {
    }
    %add3A_24 = arith.constant 3936 : i32
    %add3A_25 = arith.addi %add3A, %add3A_24 : i32
    %lt3A_26 = arith.constant 3906 : i32
    %lt3A_27 = arith.cmpi slt, %add3A_25, %lt3A_26 : i32
    %convert_element_type3A_28 = arith.extui %lt3A_27 : i1 to i32
    %cond3A_29 = arith.constant 0 : i32
    %cond3A_30 = arith.cmpi ne, %convert_element_type3A_28, %cond3A_29 : i32
    scf.if %cond3A_30 {
      %dma_wait3A = arith.constant 1 : i32
      %dma_wait3A_35 = arith.constant 0 : i32
      %dma_wait3A_36 = arith.constant 0 : i32
      %dma_wait3A_37 = tpu.memref_slice %arg6[%dma_wait3A, %dma_wait3A_35, %dma_wait3A_36] : memref<2x128x128xf32, #tpu.memory_space<vmem>> -> memref<1x128x128xf32, #tpu.memory_space<vmem>>
      %dma_wait3A_38 = tpu.memref_squeeze %dma_wait3A_37 : memref<1x128x128xf32, #tpu.memory_space<vmem>> -> memref<128x128xf32, #tpu.memory_space<vmem>>
      %dma_wait3A_39 = arith.constant 0 : i32
      %dma_wait3A_40 = arith.constant 0 : i32
      %dma_wait3A_41 = tpu.memref_slice %arg4[%dma_wait3A_39, %dma_wait3A_40] : memref<500000x128xf32, #tpu.memory_space<hbm>> -> memref<128x128xf32, #tpu.memory_space<hbm>>
      %dma_wait3A_42 = arith.constant 0 : i32
      %dma_wait3A_43 = arith.constant 0 : i32
      %dma_wait3A_44 = tpu.memref_slice %arg4[%dma_wait3A_42, %dma_wait3A_43] : memref<500000x128xf32, #tpu.memory_space<hbm>> -> memref<128x128xf32, #tpu.memory_space<hbm>>
      %dma_wait3A_45 = arith.constant 0 : i32
      %dma_wait3A_46 = arith.constant 0 : i32
      %dma_wait3A_47 = tpu.memref_slice %arg6[%dma_wait3A, %dma_wait3A_45, %dma_wait3A_46] : memref<2x128x128xf32, #tpu.memory_space<vmem>> -> memref<1x128x128xf32, #tpu.memory_space<vmem>>
      %dma_wait3A_48 = tpu.memref_squeeze %dma_wait3A_47 : memref<1x128x128xf32, #tpu.memory_space<vmem>> -> memref<128x128xf32, #tpu.memory_space<vmem>>
      tpu.wait_dma2 semaphore(%arg12 : memref<!tpu.dma_semaphore, #tpu.memory_space<semaphore_mem>>) src(%dma_wait3A_48 : memref<128x128xf32, #tpu.memory_space<vmem>>) dst(%dma_wait3A_44 : memref<128x128xf32, #tpu.memory_space<hbm>>)
    } else {
    }
    %eq3A = arith.constant 0 : i32
    %eq3A_31 = arith.cmpi eq, %add3A, %eq3A : i32
    %convert_element_type3A_32 = arith.extui %eq3A_31 : i1 to i32
    %cond3A_33 = arith.constant 0 : i32
    %cond3A_34 = arith.cmpi ne, %convert_element_type3A_32, %cond3A_33 : i32
    scf.if %cond3A_34 {
      "tpu.region"() ({
        %run_scoped3A = tpu.sem_alloc : memref<!tpu.dma_semaphore, #tpu.memory_space<semaphore_mem>>
        tpu.enqueue_dma source(%arg3 : memref<64x64xf32, #tpu.memory_space<hbm>>) target(%arg7 : memref<64x64xf32, #tpu.memory_space<vmem>>) target_semaphore(%run_scoped3A : memref<!tpu.dma_semaphore, #tpu.memory_space<semaphore_mem>>)
        tpu.wait_dma2 semaphore(%run_scoped3A : memref<!tpu.dma_semaphore, #tpu.memory_space<semaphore_mem>>) src(%arg3 : memref<64x64xf32, #tpu.memory_space<hbm>>) dst(%arg7 : memref<64x64xf32, #tpu.memory_space<vmem>>)
        tpu.yield
      }) : () -> ()
      %scan3A_35 = arith.constant 0 : i32
      %scan3A_36 = arith.constant 0 : i32
      %scan3A_37 = arith.constant 16 : i32
      %scan3A_38 = arith.addi %scan3A_36, %scan3A_37 : i32
      %scan3A_39 = arith.constant 1 : i32
      scf.for %scan3A_41 = %scan3A_36 to %scan3A_38 step %scan3A_39  : i32 {
        %jit3A = arith.constant 2 : i32
        %div3A = arith.divsi %scan3A_41, %jit3A : i32
        %sign3A = arith.constant 0 : i32
        %sign3A_42 = arith.cmpi sgt, %scan3A_41, %sign3A : i32
        %sign3A_43 = arith.extui %sign3A_42 : i1 to i32
        %sign3A_44 = arith.constant 0 : i32
        %sign3A_45 = arith.cmpi slt, %scan3A_41, %sign3A_44 : i32
        %sign3A_46 = arith.extui %sign3A_45 : i1 to i32
        %sign3A_47 = arith.subi %sign3A_43, %sign3A_46 : i32
        %sign3A_48 = arith.constant 0 : i32
        %sign3A_49 = arith.cmpi sgt, %jit3A, %sign3A_48 : i32
        %sign3A_50 = arith.extui %sign3A_49 : i1 to i32
        %sign3A_51 = arith.constant 0 : i32
        %sign3A_52 = arith.cmpi slt, %jit3A, %sign3A_51 : i32
        %sign3A_53 = arith.extui %sign3A_52 : i1 to i32
        %sign3A_54 = arith.subi %sign3A_50, %sign3A_53 : i32
        %ne3A = arith.cmpi ne, %sign3A_47, %sign3A_54 : i32
        %rem3A = arith.remsi %scan3A_41, %jit3A : i32
        %ne3A_55 = arith.constant 0 : i32
        %ne3A_56 = arith.cmpi ne, %rem3A, %ne3A_55 : i32
        %and3A = arith.andi %ne3A, %ne3A_56 : i1
        %sub3A = arith.constant 1 : i32
        %sub3A_57 = arith.subi %div3A, %sub3A : i32
        %select_n3A = arith.select %and3A, %sub3A_57, %div3A : i32
        %mul3A_58 = arith.constant 16 : i32
        %mul3A_59 = arith.muli %select_n3A, %mul3A_58 : i32
        %jit3A_60 = arith.constant 2 : i32
        %eq3A_61 = arith.constant 0 : i32
        %eq3A_62 = arith.cmpi eq, %jit3A_60, %eq3A_61 : i32
        %jit3A_63 = arith.constant 1 : i32
        %select_n3A_64 = arith.select %eq3A_62, %jit3A_63, %jit3A_60 : i32
        %rem3A_65 = arith.remsi %scan3A_41, %select_n3A_64 : i32
        %ne3A_66 = arith.constant 0 : i32
        %ne3A_67 = arith.cmpi ne, %rem3A_65, %ne3A_66 : i32
        %lt3A_68 = arith.constant 0 : i32
        %lt3A_69 = arith.cmpi slt, %rem3A_65, %lt3A_68 : i32
        %lt3A_70 = arith.constant 0 : i32
        %lt3A_71 = arith.cmpi slt, %select_n3A_64, %lt3A_70 : i32
        %ne3A_72 = arith.xori %lt3A_69, %lt3A_71 : i1
        %and3A_73 = arith.andi %ne3A_72, %ne3A_67 : i1
        %add3A_74 = arith.addi %rem3A_65, %select_n3A_64 : i32
        %select_n3A_75 = arith.select %and3A_73, %add3A_74, %rem3A_65 : i32
        %mul3A_76 = arith.constant 16 : i32
        %mul3A_77 = arith.muli %select_n3A_75, %mul3A_76 : i32
        %add3A_78 = vector.broadcast %mul3A_59 : i32 to vector<16xi32>
        %add3A_79 = arith.addi %add3A_78, %iota3A : vector<16xi32>
        %and3A_80 = arith.constant 63 : i32
        %and3A_81 = vector.broadcast %and3A_80 : i32 to vector<16xi32>
        %and3A_82 = arith.andi %add3A_79, %and3A_81 : vector<16xi32>
        %add3A_83 = vector.broadcast %mul3A_59 : i32 to vector<16xi32>
        %add3A_84 = arith.addi %add3A_83, %iota3A : vector<16xi32>
        %shift_right_logical3A = arith.constant 6 : i32
        %shift_right_logical3A_85 = vector.broadcast %shift_right_logical3A : i32 to vector<16xi32>
        %shift_right_logical3A_86 = arith.shrui %add3A_84, %shift_right_logical3A_85 : vector<16xi32>
        %add3A_87 = arith.constant 0 : i32
        %add3A_88 = vector.broadcast %add3A_87 : i32 to vector<16xi32>
        %add3A_89 = arith.addi %iota3A, %add3A_88 : vector<16xi32>
        %and3A_90 = arith.constant 15 : i32
        %and3A_91 = vector.broadcast %and3A_90 : i32 to vector<16xi32>
        %and3A_92 = arith.andi %add3A_89, %and3A_91 : vector<16xi32>
        %add3A_93 = vector.broadcast %mul3A_77 : i32 to vector<16xi32>
        %add3A_94 = arith.addi %add3A_93, %and3A_92 : vector<16xi32>
        %mul3A_95 = arith.constant 2 : i32
        %mul3A_96 = vector.broadcast %mul3A_95 : i32 to vector<16xi32>
        %mul3A_97 = arith.muli %add3A_94, %mul3A_96 : vector<16xi32>
        %add3A_98 = arith.addi %mul3A_97, %shift_right_logical3A_86 : vector<16xi32>
        %gather3A = tpu.vector_load_idx %arg7[%and3A_82, %add3A_98] : memref<64x64xf32, #tpu.memory_space<vmem>>[vector<16xi32>, vector<16xi32>], vector<16xf32>,
        %add3A_99 = vector.broadcast %mul3A_59 : i32 to vector<16xi32>
        %add3A_100 = arith.addi %add3A_99, %iota3A : vector<16xi32>
        tpu.vector_store_idx %arg8[%add3A_94, %add3A_100], %gather3A : memref<32x128xf32, #tpu.memory_space<vmem>>[vector<16xi32>, vector<16xi32>], vector<16xf32>,
        %add3A_101 = arith.constant 1 : i32
        %add3A_102 = vector.broadcast %add3A_101 : i32 to vector<16xi32>
        %add3A_103 = arith.addi %iota3A, %add3A_102 : vector<16xi32>
        %and3A_104 = arith.constant 15 : i32
        %and3A_105 = vector.broadcast %and3A_104 : i32 to vector<16xi32>
        %and3A_106 = arith.andi %add3A_103, %and3A_105 : vector<16xi32>
        %add3A_107 = vector.broadcast %mul3A_77 : i32 to vector<16xi32>
        %add3A_108 = arith.addi %add3A_107, %and3A_106 : vector<16xi32>
        %mul3A_109 = arith.constant 2 : i32
        %mul3A_110 = vector.broadcast %mul3A_109 : i32 to vector<16xi32>
        %mul3A_111 = arith.muli %add3A_108, %mul3A_110 : vector<16xi32>
        %add3A_112 = arith.addi %mul3A_111, %shift_right_logical3A_86 : vector<16xi32>
        %gather3A_113 = tpu.vector_load_idx %arg7[%and3A_82, %add3A_112] : memref<64x64xf32, #tpu.memory_space<vmem>>[vector<16xi32>, vector<16xi32>], vector<16xf32>,
        %add3A_114 = vector.broadcast %mul3A_59 : i32 to vector<16xi32>
        %add3A_115 = arith.addi %add3A_114, %iota3A : vector<16xi32>
        tpu.vector_store_idx %arg8[%add3A_108, %add3A_115], %gather3A_113 : memref<32x128xf32, #tpu.memory_space<vmem>>[vector<16xi32>, vector<16xi32>], vector<16xf32>,
        %add3A_116 = arith.constant 2 : i32
        %add3A_117 = vector.broadcast %add3A_116 : i32 to vector<16xi32>
        %add3A_118 = arith.addi %iota3A, %add3A_117 : vector<16xi32>
        %and3A_119 = arith.constant 15 : i32
        %and3A_120 = vector.broadcast %and3A_119 : i32 to vector<16xi32>
        %and3A_121 = arith.andi %add3A_118, %and3A_120 : vector<16xi32>
        %add3A_122 = vector.broadcast %mul3A_77 : i32 to vector<16xi32>
        %add3A_123 = arith.addi %add3A_122, %and3A_121 : vector<16xi32>
        %mul3A_124 = arith.constant 2 : i32
        %mul3A_125 = vector.broadcast %mul3A_124 : i32 to vector<16xi32>
        %mul3A_126 = arith.muli %add3A_123, %mul3A_125 : vector<16xi32>
        %add3A_127 = arith.addi %mul3A_126, %shift_right_logical3A_86 : vector<16xi32>
        %gather3A_128 = tpu.vector_load_idx %arg7[%and3A_82, %add3A_127] : memref<64x64xf32, #tpu.memory_space<vmem>>[vector<16xi32>, vector<16xi32>], vector<16xf32>,
        %add3A_129 = vector.broadcast %mul3A_59 : i32 to vector<16xi32>
        %add3A_130 = arith.addi %add3A_129, %iota3A : vector<16xi32>
        tpu.vector_store_idx %arg8[%add3A_123, %add3A_130], %gather3A_128 : memref<32x128xf32, #tpu.memory_space<vmem>>[vector<16xi32>, vector<16xi32>], vector<16xf32>,
        %add3A_131 = arith.constant 3 : i32
        %add3A_132 = vector.broadcast %add3A_131 : i32 to vector<16xi32>
        %add3A_133 = arith.addi %iota3A, %add3A_132 : vector<16xi32>
        %and3A_134 = arith.constant 15 : i32
        %and3A_135 = vector.broadcast %and3A_134 : i32 to vector<16xi32>
        %and3A_136 = arith.andi %add3A_133, %and3A_135 : vector<16xi32>
        %add3A_137 = vector.broadcast %mul3A_77 : i32 to vector<16xi32>
        %add3A_138 = arith.addi %add3A_137, %and3A_136 : vector<16xi32>
        %mul3A_139 = arith.constant 2 : i32
        %mul3A_140 = vector.broadcast %mul3A_139 : i32 to vector<16xi32>
        %mul3A_141 = arith.muli %add3A_138, %mul3A_140 : vector<16xi32>
        %add3A_142 = arith.addi %mul3A_141, %shift_right_logical3A_86 : vector<16xi32>
        %gather3A_143 = tpu.vector_load_idx %arg7[%and3A_82, %add3A_142] : memref<64x64xf32, #tpu.memory_space<vmem>>[vector<16xi32>, vector<16xi32>], vector<16xf32>,
        %add3A_144 = vector.broadcast %mul3A_59 : i32 to vector<16xi32>
        %add3A_145 = arith.addi %add3A_144, %iota3A : vector<16xi32>
        tpu.vector_store_idx %arg8[%add3A_138, %add3A_145], %gather3A_143 : memref<32x128xf32, #tpu.memory_space<vmem>>[vector<16xi32>, vector<16xi32>], vector<16xf32>,
        %add3A_146 = arith.constant 4 : i32
        %add3A_147 = vector.broadcast %add3A_146 : i32 to vector<16xi32>
        %add3A_148 = arith.addi %iota3A, %add3A_147 : vector<16xi32>
        %and3A_149 = arith.constant 15 : i32
        %and3A_150 = vector.broadcast %and3A_149 : i32 to vector<16xi32>
        %and3A_151 = arith.andi %add3A_148, %and3A_150 : vector<16xi32>
        %add3A_152 = vector.broadcast %mul3A_77 : i32 to vector<16xi32>
        %add3A_153 = arith.addi %add3A_152, %and3A_151 : vector<16xi32>
        %mul3A_154 = arith.constant 2 : i32
        %mul3A_155 = vector.broadcast %mul3A_154 : i32 to vector<16xi32>
        %mul3A_156 = arith.muli %add3A_153, %mul3A_155 : vector<16xi32>
        %add3A_157 = arith.addi %mul3A_156, %shift_right_logical3A_86 : vector<16xi32>
        %gather3A_158 = tpu.vector_load_idx %arg7[%and3A_82, %add3A_157] : memref<64x64xf32, #tpu.memory_space<vmem>>[vector<16xi32>, vector<16xi32>], vector<16xf32>,
        %add3A_159 = vector.broadcast %mul3A_59 : i32 to vector<16xi32>
        %add3A_160 = arith.addi %add3A_159, %iota3A : vector<16xi32>
        tpu.vector_store_idx %arg8[%add3A_153, %add3A_160], %gather3A_158 : memref<32x128xf32, #tpu.memory_space<vmem>>[vector<16xi32>, vector<16xi32>], vector<16xf32>,
        %add3A_161 = arith.constant 5 : i32
        %add3A_162 = vector.broadcast %add3A_161 : i32 to vector<16xi32>
        %add3A_163 = arith.addi %iota3A, %add3A_162 : vector<16xi32>
        %and3A_164 = arith.constant 15 : i32
        %and3A_165 = vector.broadcast %and3A_164 : i32 to vector<16xi32>
        %and3A_166 = arith.andi %add3A_163, %and3A_165 : vector<16xi32>
        %add3A_167 = vector.broadcast %mul3A_77 : i32 to vector<16xi32>
        %add3A_168 = arith.addi %add3A_167, %and3A_166 : vector<16xi32>
        %mul3A_169 = arith.constant 2 : i32
        %mul3A_170 = vector.broadcast %mul3A_169 : i32 to vector<16xi32>
        %mul3A_171 = arith.muli %add3A_168, %mul3A_170 : vector<16xi32>
        %add3A_172 = arith.addi %mul3A_171, %shift_right_logical3A_86 : vector<16xi32>
        %gather3A_173 = tpu.vector_load_idx %arg7[%and3A_82, %add3A_172] : memref<64x64xf32, #tpu.memory_space<vmem>>[vector<16xi32>, vector<16xi32>], vector<16xf32>,
        %add3A_174 = vector.broadcast %mul3A_59 : i32 to vector<16xi32>
        %add3A_175 = arith.addi %add3A_174, %iota3A : vector<16xi32>
        tpu.vector_store_idx %arg8[%add3A_168, %add3A_175], %gather3A_173 : memref<32x128xf32, #tpu.memory_space<vmem>>[vector<16xi32>, vector<16xi32>], vector<16xf32>,
        %add3A_176 = arith.constant 6 : i32
        %add3A_177 = vector.broadcast %add3A_176 : i32 to vector<16xi32>
        %add3A_178 = arith.addi %iota3A, %add3A_177 : vector<16xi32>
        %and3A_179 = arith.constant 15 : i32
        %and3A_180 = vector.broadcast %and3A_179 : i32 to vector<16xi32>
        %and3A_181 = arith.andi %add3A_178, %and3A_180 : vector<16xi32>
        %add3A_182 = vector.broadcast %mul3A_77 : i32 to vector<16xi32>
        %add3A_183 = arith.addi %add3A_182, %and3A_181 : vector<16xi32>
        %mul3A_184 = arith.constant 2 : i32
        %mul3A_185 = vector.broadcast %mul3A_184 : i32 to vector<16xi32>
        %mul3A_186 = arith.muli %add3A_183, %mul3A_185 : vector<16xi32>
        %add3A_187 = arith.addi %mul3A_186, %shift_right_logical3A_86 : vector<16xi32>
        %gather3A_188 = tpu.vector_load_idx %arg7[%and3A_82, %add3A_187] : memref<64x64xf32, #tpu.memory_space<vmem>>[vector<16xi32>, vector<16xi32>], vector<16xf32>,
        %add3A_189 = vector.broadcast %mul3A_59 : i32 to vector<16xi32>
        %add3A_190 = arith.addi %add3A_189, %iota3A : vector<16xi32>
        tpu.vector_store_idx %arg8[%add3A_183, %add3A_190], %gather3A_188 : memref<32x128xf32, #tpu.memory_space<vmem>>[vector<16xi32>, vector<16xi32>], vector<16xf32>,
        %add3A_191 = arith.constant 7 : i32
        %add3A_192 = vector.broadcast %add3A_191 : i32 to vector<16xi32>
        %add3A_193 = arith.addi %iota3A, %add3A_192 : vector<16xi32>
        %and3A_194 = arith.constant 15 : i32
        %and3A_195 = vector.broadcast %and3A_194 : i32 to vector<16xi32>
        %and3A_196 = arith.andi %add3A_193, %and3A_195 : vector<16xi32>
        %add3A_197 = vector.broadcast %mul3A_77 : i32 to vector<16xi32>
        %add3A_198 = arith.addi %add3A_197, %and3A_196 : vector<16xi32>
        %mul3A_199 = arith.constant 2 : i32
        %mul3A_200 = vector.broadcast %mul3A_199 : i32 to vector<16xi32>
        %mul3A_201 = arith.muli %add3A_198, %mul3A_200 : vector<16xi32>
        %add3A_202 = arith.addi %mul3A_201, %shift_right_logical3A_86 : vector<16xi32>
        %gather3A_203 = tpu.vector_load_idx %arg7[%and3A_82, %add3A_202] : memref<64x64xf32, #tpu.memory_space<vmem>>[vector<16xi32>, vector<16xi32>], vector<16xf32>,
        %add3A_204 = vector.broadcast %mul3A_59 : i32 to vector<16xi32>
        %add3A_205 = arith.addi %add3A_204, %iota3A : vector<16xi32>
        tpu.vector_store_idx %arg8[%add3A_198, %add3A_205], %gather3A_203 : memref<32x128xf32, #tpu.memory_space<vmem>>[vector<16xi32>, vector<16xi32>], vector<16xf32>,
        %add3A_206 = arith.constant 8 : i32
        %add3A_207 = vector.broadcast %add3A_206 : i32 to vector<16xi32>
        %add3A_208 = arith.addi %iota3A, %add3A_207 : vector<16xi32>
        %and3A_209 = arith.constant 15 : i32
        %and3A_210 = vector.broadcast %and3A_209 : i32 to vector<16xi32>
        %and3A_211 = arith.andi %add3A_208, %and3A_210 : vector<16xi32>
        %add3A_212 = vector.broadcast %mul3A_77 : i32 to vector<16xi32>
        %add3A_213 = arith.addi %add3A_212, %and3A_211 : vector<16xi32>
        %mul3A_214 = arith.constant 2 : i32
        %mul3A_215 = vector.broadcast %mul3A_214 : i32 to vector<16xi32>
        %mul3A_216 = arith.muli %add3A_213, %mul3A_215 : vector<16xi32>
        %add3A_217 = arith.addi %mul3A_216, %shift_right_logical3A_86 : vector<16xi32>
        %gather3A_218 = tpu.vector_load_idx %arg7[%and3A_82, %add3A_217] : memref<64x64xf32, #tpu.memory_space<vmem>>[vector<16xi32>, vector<16xi32>], vector<16xf32>,
        %add3A_219 = vector.broadcast %mul3A_59 : i32 to vector<16xi32>
        %add3A_220 = arith.addi %add3A_219, %iota3A : vector<16xi32>
        tpu.vector_store_idx %arg8[%add3A_213, %add3A_220], %gather3A_218 : memref<32x128xf32, #tpu.memory_space<vmem>>[vector<16xi32>, vector<16xi32>], vector<16xf32>,
        %add3A_221 = arith.constant 9 : i32
        %add3A_222 = vector.broadcast %add3A_221 : i32 to vector<16xi32>
        %add3A_223 = arith.addi %iota3A, %add3A_222 : vector<16xi32>
        %and3A_224 = arith.constant 15 : i32
        %and3A_225 = vector.broadcast %and3A_224 : i32 to vector<16xi32>
        %and3A_226 = arith.andi %add3A_223, %and3A_225 : vector<16xi32>
        %add3A_227 = vector.broadcast %mul3A_77 : i32 to vector<16xi32>
        %add3A_228 = arith.addi %add3A_227, %and3A_226 : vector<16xi32>
        %mul3A_229 = arith.constant 2 : i32
        %mul3A_230 = vector.broadcast %mul3A_229 : i32 to vector<16xi32>
        %mul3A_231 = arith.muli %add3A_228, %mul3A_230 : vector<16xi32>
        %add3A_232 = arith.addi %mul3A_231, %shift_right_logical3A_86 : vector<16xi32>
        %gather3A_233 = tpu.vector_load_idx %arg7[%and3A_82, %add3A_232] : memref<64x64xf32, #tpu.memory_space<vmem>>[vector<16xi32>, vector<16xi32>], vector<16xf32>,
        %add3A_234 = vector.broadcast %mul3A_59 : i32 to vector<16xi32>
        %add3A_235 = arith.addi %add3A_234, %iota3A : vector<16xi32>
        tpu.vector_store_idx %arg8[%add3A_228, %add3A_235], %gather3A_233 : memref<32x128xf32, #tpu.memory_space<vmem>>[vector<16xi32>, vector<16xi32>], vector<16xf32>,
        %add3A_236 = arith.constant 10 : i32
        %add3A_237 = vector.broadcast %add3A_236 : i32 to vector<16xi32>
        %add3A_238 = arith.addi %iota3A, %add3A_237 : vector<16xi32>
        %and3A_239 = arith.constant 15 : i32
        %and3A_240 = vector.broadcast %and3A_239 : i32 to vector<16xi32>
        %and3A_241 = arith.andi %add3A_238, %and3A_240 : vector<16xi32>
        %add3A_242 = vector.broadcast %mul3A_77 : i32 to vector<16xi32>
        %add3A_243 = arith.addi %add3A_242, %and3A_241 : vector<16xi32>
        %mul3A_244 = arith.constant 2 : i32
        %mul3A_245 = vector.broadcast %mul3A_244 : i32 to vector<16xi32>
        %mul3A_246 = arith.muli %add3A_243, %mul3A_245 : vector<16xi32>
        %add3A_247 = arith.addi %mul3A_246, %shift_right_logical3A_86 : vector<16xi32>
        %gather3A_248 = tpu.vector_load_idx %arg7[%and3A_82, %add3A_247] : memref<64x64xf32, #tpu.memory_space<vmem>>[vector<16xi32>, vector<16xi32>], vector<16xf32>,
        %add3A_249 = vector.broadcast %mul3A_59 : i32 to vector<16xi32>
        %add3A_250 = arith.addi %add3A_249, %iota3A : vector<16xi32>
        tpu.vector_store_idx %arg8[%add3A_243, %add3A_250], %gather3A_248 : memref<32x128xf32, #tpu.memory_space<vmem>>[vector<16xi32>, vector<16xi32>], vector<16xf32>,
        %add3A_251 = arith.constant 11 : i32
        %add3A_252 = vector.broadcast %add3A_251 : i32 to vector<16xi32>
        %add3A_253 = arith.addi %iota3A, %add3A_252 : vector<16xi32>
        %and3A_254 = arith.constant 15 : i32
        %and3A_255 = vector.broadcast %and3A_254 : i32 to vector<16xi32>
        %and3A_256 = arith.andi %add3A_253, %and3A_255 : vector<16xi32>
        %add3A_257 = vector.broadcast %mul3A_77 : i32 to vector<16xi32>
        %add3A_258 = arith.addi %add3A_257, %and3A_256 : vector<16xi32>
        %mul3A_259 = arith.constant 2 : i32
        %mul3A_260 = vector.broadcast %mul3A_259 : i32 to vector<16xi32>
        %mul3A_261 = arith.muli %add3A_258, %mul3A_260 : vector<16xi32>
        %add3A_262 = arith.addi %mul3A_261, %shift_right_logical3A_86 : vector<16xi32>
        %gather3A_263 = tpu.vector_load_idx %arg7[%and3A_82, %add3A_262] : memref<64x64xf32, #tpu.memory_space<vmem>>[vector<16xi32>, vector<16xi32>], vector<16xf32>,
        %add3A_264 = vector.broadcast %mul3A_59 : i32 to vector<16xi32>
        %add3A_265 = arith.addi %add3A_264, %iota3A : vector<16xi32>
        tpu.vector_store_idx %arg8[%add3A_258, %add3A_265], %gather3A_263 : memref<32x128xf32, #tpu.memory_space<vmem>>[vector<16xi32>, vector<16xi32>], vector<16xf32>,
        %add3A_266 = arith.constant 12 : i32
        %add3A_267 = vector.broadcast %add3A_266 : i32 to vector<16xi32>
        %add3A_268 = arith.addi %iota3A, %add3A_267 : vector<16xi32>
        %and3A_269 = arith.constant 15 : i32
        %and3A_270 = vector.broadcast %and3A_269 : i32 to vector<16xi32>
        %and3A_271 = arith.andi %add3A_268, %and3A_270 : vector<16xi32>
        %add3A_272 = vector.broadcast %mul3A_77 : i32 to vector<16xi32>
        %add3A_273 = arith.addi %add3A_272, %and3A_271 : vector<16xi32>
        %mul3A_274 = arith.constant 2 : i32
        %mul3A_275 = vector.broadcast %mul3A_274 : i32 to vector<16xi32>
        %mul3A_276 = arith.muli %add3A_273, %mul3A_275 : vector<16xi32>
        %add3A_277 = arith.addi %mul3A_276, %shift_right_logical3A_86 : vector<16xi32>
        %gather3A_278 = tpu.vector_load_idx %arg7[%and3A_82, %add3A_277] : memref<64x64xf32, #tpu.memory_space<vmem>>[vector<16xi32>, vector<16xi32>], vector<16xf32>,
        %add3A_279 = vector.broadcast %mul3A_59 : i32 to vector<16xi32>
        %add3A_280 = arith.addi %add3A_279, %iota3A : vector<16xi32>
        tpu.vector_store_idx %arg8[%add3A_273, %add3A_280], %gather3A_278 : memref<32x128xf32, #tpu.memory_space<vmem>>[vector<16xi32>, vector<16xi32>], vector<16xf32>,
        %add3A_281 = arith.constant 13 : i32
        %add3A_282 = vector.broadcast %add3A_281 : i32 to vector<16xi32>
        %add3A_283 = arith.addi %iota3A, %add3A_282 : vector<16xi32>
        %and3A_284 = arith.constant 15 : i32
        %and3A_285 = vector.broadcast %and3A_284 : i32 to vector<16xi32>
        %and3A_286 = arith.andi %add3A_283, %and3A_285 : vector<16xi32>
        %add3A_287 = vector.broadcast %mul3A_77 : i32 to vector<16xi32>
        %add3A_288 = arith.addi %add3A_287, %and3A_286 : vector<16xi32>
        %mul3A_289 = arith.constant 2 : i32
        %mul3A_290 = vector.broadcast %mul3A_289 : i32 to vector<16xi32>
        %mul3A_291 = arith.muli %add3A_288, %mul3A_290 : vector<16xi32>
        %add3A_292 = arith.addi %mul3A_291, %shift_right_logical3A_86 : vector<16xi32>
        %gather3A_293 = tpu.vector_load_idx %arg7[%and3A_82, %add3A_292] : memref<64x64xf32, #tpu.memory_space<vmem>>[vector<16xi32>, vector<16xi32>], vector<16xf32>,
        %add3A_294 = vector.broadcast %mul3A_59 : i32 to vector<16xi32>
        %add3A_295 = arith.addi %add3A_294, %iota3A : vector<16xi32>
        tpu.vector_store_idx %arg8[%add3A_288, %add3A_295], %gather3A_293 : memref<32x128xf32, #tpu.memory_space<vmem>>[vector<16xi32>, vector<16xi32>], vector<16xf32>,
        %add3A_296 = arith.constant 14 : i32
        %add3A_297 = vector.broadcast %add3A_296 : i32 to vector<16xi32>
        %add3A_298 = arith.addi %iota3A, %add3A_297 : vector<16xi32>
        %and3A_299 = arith.constant 15 : i32
        %and3A_300 = vector.broadcast %and3A_299 : i32 to vector<16xi32>
        %and3A_301 = arith.andi %add3A_298, %and3A_300 : vector<16xi32>
        %add3A_302 = vector.broadcast %mul3A_77 : i32 to vector<16xi32>
        %add3A_303 = arith.addi %add3A_302, %and3A_301 : vector<16xi32>
        %mul3A_304 = arith.constant 2 : i32
        %mul3A_305 = vector.broadcast %mul3A_304 : i32 to vector<16xi32>
        %mul3A_306 = arith.muli %add3A_303, %mul3A_305 : vector<16xi32>
        %add3A_307 = arith.addi %mul3A_306, %shift_right_logical3A_86 : vector<16xi32>
        %gather3A_308 = tpu.vector_load_idx %arg7[%and3A_82, %add3A_307] : memref<64x64xf32, #tpu.memory_space<vmem>>[vector<16xi32>, vector<16xi32>], vector<16xf32>,
        %add3A_309 = vector.broadcast %mul3A_59 : i32 to vector<16xi32>
        %add3A_310 = arith.addi %add3A_309, %iota3A : vector<16xi32>
        tpu.vector_store_idx %arg8[%add3A_303, %add3A_310], %gather3A_308 : memref<32x128xf32, #tpu.memory_space<vmem>>[vector<16xi32>, vector<16xi32>], vector<16xf32>,
        %add3A_311 = arith.constant 15 : i32
        %add3A_312 = vector.broadcast %add3A_311 : i32 to vector<16xi32>
        %add3A_313 = arith.addi %iota3A, %add3A_312 : vector<16xi32>
        %and3A_314 = arith.constant 15 : i32
        %and3A_315 = vector.broadcast %and3A_314 : i32 to vector<16xi32>
        %and3A_316 = arith.andi %add3A_313, %and3A_315 : vector<16xi32>
        %add3A_317 = vector.broadcast %mul3A_77 : i32 to vector<16xi32>
        %add3A_318 = arith.addi %add3A_317, %and3A_316 : vector<16xi32>
        %mul3A_319 = arith.constant 2 : i32
        %mul3A_320 = vector.broadcast %mul3A_319 : i32 to vector<16xi32>
        %mul3A_321 = arith.muli %add3A_318, %mul3A_320 : vector<16xi32>
        %add3A_322 = arith.addi %mul3A_321, %shift_right_logical3A_86 : vector<16xi32>
        %gather3A_323 = tpu.vector_load_idx %arg7[%and3A_82, %add3A_322] : memref<64x64xf32, #tpu.memory_space<vmem>>[vector<16xi32>, vector<16xi32>], vector<16xf32>,
        %add3A_324 = vector.broadcast %mul3A_59 : i32 to vector<16xi32>
        %add3A_325 = arith.addi %add3A_324, %iota3A : vector<16xi32>
        tpu.vector_store_idx %arg8[%add3A_318, %add3A_325], %gather3A_323 : memref<32x128xf32, #tpu.memory_space<vmem>>[vector<16xi32>, vector<16xi32>], vector<16xf32>,
      }
      %scan3A_40 = arith.constant 16 : i32
      "tpu.region"() ({
        %run_scoped3A = tpu.sem_alloc : memref<!tpu.dma_semaphore, #tpu.memory_space<semaphore_mem>>
        %dma_start3A = arith.constant 499968 : i32
        %dma_start3A_41 = arith.constant 0 : i32
        %dma_start3A_42 = tpu.memref_slice %arg4[%dma_start3A, %dma_start3A_41] : memref<500000x128xf32, #tpu.memory_space<hbm>> -> memref<32x128xf32, #tpu.memory_space<hbm>>
        %dma_start3A_43 = arith.constant 499968 : i32
        %dma_start3A_44 = arith.constant 0 : i32
        %dma_start3A_45 = tpu.memref_slice %arg4[%dma_start3A_43, %dma_start3A_44] : memref<500000x128xf32, #tpu.memory_space<hbm>> -> memref<32x128xf32, #tpu.memory_space<hbm>>
        tpu.enqueue_dma source(%arg8 : memref<32x128xf32, #tpu.memory_space<vmem>>) target(%dma_start3A_45 : memref<32x128xf32, #tpu.memory_space<hbm>>) target_semaphore(%run_scoped3A : memref<!tpu.dma_semaphore, #tpu.memory_space<semaphore_mem>>)
        %dma_wait3A = arith.constant 499968 : i32
        %dma_wait3A_46 = arith.constant 0 : i32
        %dma_wait3A_47 = tpu.memref_slice %arg4[%dma_wait3A, %dma_wait3A_46] : memref<500000x128xf32, #tpu.memory_space<hbm>> -> memref<32x128xf32, #tpu.memory_space<hbm>>
        %dma_wait3A_48 = arith.constant 499968 : i32
        %dma_wait3A_49 = arith.constant 0 : i32
        %dma_wait3A_50 = tpu.memref_slice %arg4[%dma_wait3A_48, %dma_wait3A_49] : memref<500000x128xf32, #tpu.memory_space<hbm>> -> memref<32x128xf32, #tpu.memory_space<hbm>>
        tpu.wait_dma2 semaphore(%run_scoped3A : memref<!tpu.dma_semaphore, #tpu.memory_space<semaphore_mem>>) src(%arg8 : memref<32x128xf32, #tpu.memory_space<vmem>>) dst(%dma_wait3A_50 : memref<32x128xf32, #tpu.memory_space<hbm>>)
        tpu.yield
      }) : () -> ()
    } else {
    }
    return
  }
}

</mosaic_0001>

<sc_bundles>
// kernel: _sc_pairs.3.cloned.1.call-start
scs
__scs_entry_jumppad:
0x0: {  	(pc) =	sbr.rel $0x88, $3  }
0x1: {  	(tag) =	ssettag $0x0;
	lr =	simm.s32 $0x1  }
0x2: {  	[smem:$0x3F9F] =	sst lr;
	_ =	strace $0xD0000000  }
0x3: {  	_ = 	snop  }
0x4: {  	_ = 	snop  }
0x5: {  	_ = 	snop  }
0x6: {  	_ = 	snop  }
0x7: {  	_ = 	snop  }
__scs_overlays_trampoline_lowered:
0x8: {  	[smem:$0x3FAE] =	sst s0  }
0x9: {  	[smem:$0x3FAF] =	sst s1  }
0xa: {  	[smem:$0x3FB0] =	sst s2  }
0xb: {  	[smem:$0x3FB1] =	sst s3  }
0xc: {  	[smem:$0x3FB2] =	sst s4  }
0xd: {  	[smem:$0x3FB3] =	sst s5  }
0xe: {  	[smem:$0x3FB4] =	sst s6  }
0xf: {  	[smem:$0x3FB5] =	sst s7  }
0x10: {  	[smem:$0x3FB6] =	sst s8  }
0x11: {  	[smem:$0x3FB7] =	sst s9;
	s0 =	simm.s32 @!p0 $0x0  }
0x12: {  	s1 =	sld [smem:$0x3F9D];
	s0 =	simm.s32 @p0 $0x1  }
0x13: {  	[smem:$0x3FB8] =	sst s0;
	s0 =	simm.s32 @!p1 $0x0  }
0x14: {  	s2 =	sld [smem:$0x3F9C];
	s0 =	simm.s32 @p1 $0x1  }
0x15: {  	[smem:$0x3FB9] =	sst s0;
	s0 =	simm.s32 @!p2 $0x0  }
0x16: {  	s3 =	sld [smem:$0x3FDB];
	s0 =	simm.s32 @p2 $0x1  }
0x17: {  	s4 =	simm.s32 $0x1BF5;
	[smem:$0x3FBB] =	sst s0  }
0x18: {  	s0 =	sld [smem:$0x3F9E];
	_ =	swait.ge [sflag:s4], $0x0  }
0x19: {  	s7 =	sld [smem:$0x3F9F]  }
0x1a: {  	s8 =	sadd.s32 $0xFFFFE003, lr  }
0x1b: {  	s9 =	sadd.s32 $0xFFFFFEF7, lr;
	s5 =	simm.s32 $0xFFFFFFFF;
	p2 =	slt.u32 s8, $0xFFFFF086  }
0x1c: {  	p1 =	slt.u32 s9, $0xF7A;
	s5 =	simm.s32 @!p2 $0x0  }
0x1d: {  	s5 =	simm.s32 @p1 $0x1;
	p0 =	seq.s32 s7, s2  }
0x1e: {  	s7 =	smul.u32 @!p0 $0xF7A, s2;
	p2 =	seq.s32 @!p0 s5, $0x0  }
0x1f: {  	s9 =	smul.u32 $0xF7A, s1;
	s8 =	simm.s32 @!p0 $0x1BF5;
	p2 =	por !p2, p0  }
0x20: {  	[sflag:s8] =	ssyncset.s32 @!p0 $0xFFFFF086;
	s6 =	sadd.s32 @!p0 s3, s7;
	s7 =	simm.s32 @!p0 $0x108  }
0x21: {  	s3 =	sadd.s32 s3, s9;
	s6 =	sadd.s32 @!p0 $0x88, s6;
	s7 =	simm.s32 @p2 $0x1082  }
0x22: {  	[simem:s7], [sflag:s8] =	dma.local @!p0 [hbm:s6], $0xF7A  }
0x23: {  	s9 =	sor.u32 $0xD0000000, s2;
	s6 =	simm.s32 $0x108;
	_ =	swait.ge @!p0 [sflag:s8], $0x0  }
0x24: {  	s3 =	sadd.s32 $0x88, s3;
	s6 =	simm.s32 @!p1 $0x1082;
	[sflag:s4] =	ssyncset.s32 $0xFFFFF086  }
0x25: {  	[simem:s6], [sflag:s4] =	dma.local [hbm:s3], $0xF7A  }
0x26: {  	[smem:$0x3F9F] =	sst s1;
	(tag) =	ssettag s2;
	_ =	strace s9  }
0x27: {  	s1 =	sld [smem:$0x3FAF]  }
0x28: {  	s2 =	sld [smem:$0x3FB0]  }
0x29: {  	s4 =	sld [smem:$0x3FB2]  }
0x2a: {  	p0 =	seq.s32 s5, $0x0;
	s5 =	sld [smem:$0x3FB3]  }
0x2b: {  	s6 =	sld [smem:$0x3FB4]  }
0x2c: {  	s7 =	sld [smem:$0x3FB5]  }
0x2d: {  	s3 =	simm.s32 $0x108;
	s8 =	sld [smem:$0x3FB6]  }
0x2e: {  	s3 =	simm.s32 @!p0 $0x1082;
	s9 =	sld [smem:$0x3FB7]  }
0x2f: {  	lr =	sadd.s32 s0, s3;
	s0 =	sld [smem:$0x3FAE]  }
0x30: {  	s3 =	sld [smem:$0x3FB1]  }
0x31: {  	[smem:$0x3FBA] =	sst s10  }
0x32: {  	s10 =	sld [smem:$0x3FB8];
	_ =	sdelay $0x3  }
0x33: {  	p0 =	seq.s32 s10, $0x1;
	s10 =	sld [smem:$0x3FBA];
	_ =	sdelay $0x3  }
0x34: {  	[smem:$0x3FBA] =	sst s10  }
0x35: {  	s10 =	sld [smem:$0x3FB9];
	_ =	sdelay $0x3  }
0x36: {  	p1 =	seq.s32 s10, $0x1;
	s10 =	sld [smem:$0x3FBA];
	_ =	sdelay $0x3  }
0x37: {  	[smem:$0x3FBA] =	sst s10  }
0x38: {  	s10 =	sld [smem:$0x3FBB]  }
0x39: {  	_ = 	snop;
	(pc) =	sbr.ind lr, $3  }
0x3a: {  	_ = 	snop  }
0x3b: {  	_ = 	snop  }
0x3c: {  	p2 =	seq.s32 s10, $0x1;
	s10 =	sld [smem:$0x3FBA]  }
0x3d: {  	_ =	shalt  }
0x3e: {  	_ =	shalt  }
0x3f: {  	_ =	shalt  }
0x40: {  	_ =	shalt  }
0x41: {  	_ =	shalt  }
0x42: {  	_ =	shalt  }
0x43: {  	_ =	shalt  }
0x44: {  	_ =	shalt  }
0x45: {  	_ =	shalt  }
0x46: {  	_ =	shalt  }
0x47: {  	_ =	shalt  }
0x48: {  	_ =	shalt  }
0x49: {  	_ =	shalt  }
0x4a: {  	_ =	shalt  }
0x4b: {  	_ =	shalt  }
0x4c: {  	_ =	shalt  }
0x4d: {  	_ =	shalt  }
0x4e: {  	_ =	shalt  }
0x4f: {  	_ =	shalt  }
0x50: {  	_ =	shalt  }
0x51: {  	_ =	shalt  }
0x52: {  	_ =	shalt  }
0x53: {  	_ =	shalt  }
0x54: {  	_ =	shalt  }
0x55: {  	_ =	shalt  }
0x56: {  	_ =	shalt  }
0x57: {  	_ =	shalt  }
0x58: {  	_ =	shalt  }
0x59: {  	_ =	shalt  }
0x5a: {  	_ =	shalt  }
0x5b: {  	_ =	shalt  }
0x5c: {  	_ =	shalt  }
0x5d: {  	_ =	shalt  }
0x5e: {  	_ =	shalt  }
0x5f: {  	_ =	shalt  }
0x60: {  	_ =	shalt  }
0x61: {  	_ =	shalt  }
0x62: {  	_ =	shalt  }
0x63: {  	_ =	shalt  }
0x64: {  	_ =	shalt  }
0x65: {  	_ =	shalt  }
0x66: {  	_ =	shalt  }
0x67: {  	_ =	shalt  }
0x68: {  	_ =	shalt  }
0x69: {  	_ =	shalt  }
0x6a: {  	_ =	shalt  }
0x6b: {  	_ =	shalt  }
0x6c: {  	_ =	shalt  }
0x6d: {  	_ =	shalt  }
0x6e: {  	_ =	shalt  }
0x6f: {  	_ =	shalt  }
0x70: {  	_ =	shalt  }
0x71: {  	_ =	shalt  }
0x72: {  	_ =	shalt  }
0x73: {  	_ =	shalt  }
0x74: {  	_ =	shalt  }
0x75: {  	_ =	shalt  }
0x76: {  	_ =	shalt  }
0x77: {  	_ =	shalt  }
0x78: {  	_ =	shalt  }
0x79: {  	_ =	shalt  }
0x7a: {  	_ =	shalt  }
0x7b: {  	_ =	shalt  }
0x7c: {  	_ =	shalt  }
0x7d: {  	_ =	shalt  }
0x7e: {  	_ =	shalt  }
0x7f: {  	_ =	shalt  }
0x80: {  	_ =	shalt  }
0x81: {  	_ =	shalt  }
0x82: {  	_ =	shalt  }
0x83: {  	_ =	shalt  }
0x84: {  	_ =	shalt  }
0x85: {  	_ =	shalt  }
0x86: {  	_ =	shalt  }
0x87: {  	_ =	shalt  }
.Lfunc_end0:
.L_simem_size_0:
called_computation_lowered:
.L_overlay_start_0:
0x88: {  	s2 =	sld [smem:$0x3FD9]  }
0x89: {  	s3 =	sld [smem:$0x3FFE];
	_ =	sdelay $0x1  }
0x8a: {  	s1 =	srdreg.scid  }
0x8b: {  	s0 =	sand.u32 $0x1, s1  }
0x8c: {  	s18 =	sshll.u32 s0, $0xA;
	s2 =	sadd.s32 s3, s2  }
0x8d: {  	s2 =	sadd.s32 s2, s18  }
0x8e: {  	[smem:$0x3FC6] =	sst s2  }
0x8f: {  	_ = 	snop  }
0x90: {  	s2 =	sld [smem:$0x3FC9]  }
0x91: {  	s19 =	sld [smem:$0x3FC8]  }
0x92: {  	s4 =	sld [smem:$0x3FD0];
	(tm) =	ssettm $0x1  }
0x93: {  	s5 =	sld [smem:$0x3FFB];
	_ =	sdelay $0x3  }
0x94: {  	_ =	strace s5  }
0x95: {  	s5 =	sld [smem:$0x3FFC];
	_ =	sdelay $0x3  }
0x96: {  	_ =	strace s5  }
0x97: {  	s5 =	sld [smem:$0x3FFD];
	_ =	sdelay $0x3  }
0x98: {  	_ =	strace s5  }
0x99: {  	_ =	strace $0x8FFFFFFF  }
0x9a: {  	s20 =	sld [smem:$0x3FDB];
	_ =	sdelay $0x1  }
0x9b: {  	s6 =	simm.s32 $_scs_section_size  }
0x9c: {  	s7 =	simm.s32 $_size__tile_overlayer_lowered;
	s8 =	simm.s32 $_tile_overlayer_lowered  }
0x9d: {  	s23 =	simm.s32 $0x1BFF;
	s22 =	sshll.u32 s8, $0x1;
	s5 =	sadd.s32 s6, s20  }
0x9e: {  	s9 =	simm.s32 $0x0;
	s21 =	sshll.u32 s7, $0x1;
	s7 =	sadd.s32 s22, s5  }
0x9f: {  	[timem:s9], [sflag:s23] =	dma.local [hbm:s7], s21  }
0xa0: {  	_ =	swait.ge [sflag:s23], s21  }
0xa1: {  	s6 =	ssub.s32 $0x0, s21;
	[sflag:s23] =	ssyncset.done $0x0  }
0xa2: {  	[sflag:s23] =	ssyncadd.s32 s6;
	_ =	sdelay $0x1  }
0xa3: {  	s24 =	simm.s32 $0x1B8B  }
0xa4: {  	_ =	swait.ge [sflag:s24], $0x1  }
0xa5: {  	[sflag:s24] =	ssyncset.done $0x0  }
0xa6: {  	s25 =	simm.s32 $0x1B8E;
	[sflag:s24] =	ssyncadd.s32 $0xFFFFFFFF  }
0xa7: {  	s26 =	simm.s32 $execute0_lowered;
	[smem:$0x3FD2] =	sst s25  }
0xa8: {  	s6 =	sshll.u32 s26, $0x1;
	_ =	strace $0x80000046;
	[dreg:$0x1] =	wrdreg $0xFFFFFFFF  }
0xa9: {  	s28 =	simm.s32 $_size_execute0_lowered;
	s5 =	sadd.s32 s5, s6;
	[dreg:$0x0] =	wrdreg $0x0  }
0xaa: {  	s6 =	sshll.u32 s28, $0x1;
	[dreg:$0x2] =	wrdreg s5  }
0xab: {  	[dreg:$0x3] =	wrdreg s6  }
0xac: {  	[dreg:$0x4] =	wrdreg $0xC0  }
0xad: {  	_ =	task [dreg:s9], $0x5FFFF  }
0xae: {  	[dreg:$0x1] =	wrdreg $0xFFFFFFFF  }
0xaf: {  	[dreg:$0x0] =	wrdreg $0x60  }
0xb0: {  	[dreg:$0x2] =	wrdreg s2  }
0xb1: {  	[dreg:$0x3] =	wrdreg s19  }
0xb2: {  	[dreg:$0x4] =	wrdreg s4  }
0xb3: {  	[dreg:$0x5] =	wrdreg $0x9  }
0xb4: {  	_ =	task.clear_ibuf [dreg:s9], $0x6FFFF;
	_ =	strace $0x90000046  }
0xb5: {  	s29 =	simm.s32 $0x9;
	_ =	strace $0x80000048  }
0xb6: {  	_ =	swait.ge [sflag:s29], $0x1  }
0xb7: {  	[sflag:s29] =	ssyncadd.s32 $0xFFFFFFFF  }
0xb8: {  	_ =	strace $0x90000048  }
0xb9: {  	_ =	sfence  }
0xba: {  	s30 =	sld [smem:$0x0];
	_ =	sdelay $0x2  }
0xbb: {  	s31 =	sshll.u32 s1, $0xD;
	s1 =	sshrl.u32 s1, $0x2  }
0xbc: {  	s3 =	sand.u32 $0x4000, s31;
	s1 =	sadd.s32 s1, s30  }
0xbd: {  	s0 =	sor.u32 s3, s0;
	s1 =	sshll.u32 s1, $0x11  }
0xbe: {  	s0 =	sor.u32 s1, s0  }
0xbf: {  	s0 =	sadd.s32 $0x8F2B, s0  }
0xc0: {  	[sflag:s0] =	ssyncadd.remote.s32 $0x1  }
0xc1: {  	_ =	sfence.sel $0xFFFF  }
0xc2: {  	[dreg:$0x0] =	wrdreg $0xFFFFFFFF;
	(pc) =	sbr.abs _section_cstart, $3  }
0xc3: {  	[dreg:$0x1] =	wrdreg $0xFFFFFFFF  }
0xc4: {  	_ =	task.clear_ibuf [dreg:s9], $0x2FFFF;
	_ =	strace $0x9FFFFFFF  }
0xc5: {  	(tm) =	ssettm $0x7FFFFFFF  }
tec
execute0_lowered:
.L_overlay_start_1:
0x0: {  	(tag) =	ssettag $0x1  }
0x1: {  	v0 =	vimm.s32 $0xE00;
	vm0 =	vcmask $0x300;
	vm1 =	vcmask $0x704  }
0x2: {  	vm2 =	vcmask $0xB08;
	vm3 =	vcmask $0xF0C;
	vm4 =	vcmask $0x1310  }
0x3: {  	vm5 =	vcmask $0x1714;
	vm6 =	vcmask $0x1B18;
	vm14 =	vcmask $0x1F1C  }
0x4: {  	vm7 =	vcmask $0x2320;
	v2 =	vimm.s32 $0xD00;
	v3 =	vimm.s32 $0xC00  }
0x5: {  	vm8 =	vcmask $0x2724;
	vm9 =	vcmask $0x2B28;
	vm10 =	vcmask $0x2F2C  }
0x6: {  	vm11 =	vcmask $0x3330;
	vm12 =	vcmask $0x3734;
	vm13 =	vcmask $0x3B38  }
0x7: {  	v4 =	vimm.s32 $0xB00;
	v5 =	vimm.s32 $0xA00;
	v6 =	vimm.s32 $0x900  }
0x8: {  	v7 =	vimm.s32 $0x800;
	v8 =	vimm.s32 $0x700;
	v9 =	vimm.s32 $0x600  }
0x9: {  	v10 =	vimm.s32 $0x500;
	v11 =	vimm.s32 $0x400;
	v12 =	vimm.s32 $0x300  }
0xa: {  	v19 =	vimm.s32 $0x100;
	v16 =	vimm.s32 $0x0;
	v22 =	vimm.s32 $0x47064504  }
0xb: {  	v29 =	vimm.s32 $0x41004F0E;
	v55 =	vimm.s32 $0x49084706;
	v56 =	vimm.s32 $0x4E0D4C0B  }
0xc: {  	v57 =	vimm.s32 $0x4201400F;
	v58 =	vimm.s32 $0x46054403;
	v32 =	vimm.s32 $0x4A094807  }
0xd: {  	v33 =	vimm.s32 $0x180;
	v62 =	vimm.s32 $0x280;
	v63 =	vimm.s32 $0x6543210F  }
0xe: {  	v0 =	vsel vm0, $0xF00, v0;
	v2 =	vsel vm0, $0xE00, v2;
	v3 =	vsel vm0, $0xD00, v3  }
0xf: {  	v4 =	vsel vm0, $0xC00, v4;
	v5 =	vsel vm0, $0xB00, v5;
	v6 =	vsel vm0, $0xA00, v6  }
0x10: {  	v7 =	vsel vm0, $0x900, v7;
	v8 =	vsel vm0, $0x800, v8;
	v9 =	vsel vm0, $0x700, v9  }
0x11: {  	v10 =	vsel vm0, $0x600, v10;
	v11 =	vsel vm0, $0x500, v11;
	v12 =	vsel vm0, $0x400, v12  }
0x12: {  	v15 =	vsel vm0, $0x200, v19;
	v17 =	vsel vm0, $0x100, v16;
	v16 =	vsel vm0, $0x80, v16  }
0x13: {  	v28 =	vunpack.c.0.s8.s32 v22;
	v19 =	vsel vm0, $0x180, v19;
	v47 =	vunpack.c.0.s8.s32 v29  }
0x14: {  	v50 =	vunpack.c.0.s8.s32 v55;
	v38 =	vunpack.c.0.s8.s32 v56;
	v32 =	vunpack.c.0.s8.s32 v32  }
0x15: {  	v59 =	vsel vm0, $0x200, v33;
	v0 =	vsel vm1, $0x0, v0;
	v2 =	vsel vm1, $0xF00, v2  }
0x16: {  	v3 =	vsel vm1, $0xE00, v3;
	v4 =	vsel vm1, $0xD00, v4;
	v5 =	vsel vm1, $0xC00, v5  }
0x17: {  	v6 =	vsel vm1, $0xB00, v6;
	v7 =	vsel vm1, $0xA00, v7;
	v8 =	vsel vm1, $0x900, v8  }
0x18: {  	v9 =	vsel vm1, $0x800, v9;
	v10 =	vsel vm1, $0x700, v10;
	v11 =	vsel vm1, $0x600, v11  }
0x19: {  	v12 =	vsel vm1, $0x500, v12;
	v15 =	vsel vm1, $0x300, v15;
	v17 =	vsel vm1, $0x200, v17  }
0x1a: {  	v18 =	vsel vm1, $0x100, v16;
	v19 =	vsel vm1, $0x200, v19;
	v0 =	vsel vm2, $0x100, v0  }
0x1b: {  	v2 =	vsel vm2, $0x0, v2;
	v3 =	vsel vm2, $0xF00, v3;
	v4 =	vsel vm2, $0xE00, v4  }
0x1c: {  	v5 =	vsel vm2, $0xD00, v5;
	v6 =	vsel vm2, $0xC00, v6;
	v7 =	vsel vm2, $0xB00, v7  }
0x1d: {  	v8 =	vsel vm2, $0xA00, v8;
	v9 =	vsel vm2, $0x900, v9;
	v10 =	vsel vm2, $0x800, v10  }
0x1e: {  	v11 =	vsel vm2, $0x700, v11;
	v12 =	vsel vm2, $0x600, v12;
	v15 =	vsel vm2, $0x400, v15  }
0x1f: {  	v17 =	vsel vm2, $0x300, v17;
	v21 =	vsel vm2, $0x180, v18;
	v19 =	vsel vm2, $0x280, v19  }
0x20: {  	v0 =	vsel vm3, $0x200, v0;
	v2 =	vsel vm3, $0x100, v2;
	v3 =	vsel vm3, $0x0, v3  }
0x21: {  	v4 =	vsel vm3, $0xF00, v4;
	v5 =	vsel vm3, $0xE00, v5;
	v6 =	vsel vm3, $0xD00, v6  }
0x22: {  	v7 =	vsel vm3, $0xC00, v7;
	v8 =	vsel vm3, $0xB00, v8;
	v9 =	vsel vm3, $0xA00, v9  }
0x23: {  	v10 =	vsel vm3, $0x900, v10;
	v11 =	vsel vm3, $0x800, v11;
	v12 =	vsel vm3, $0x700, v12  }
0x24: {  	v15 =	vsel vm3, $0x500, v15;
	v17 =	vsel vm3, $0x400, v17;
	v19 =	vsel vm3, $0x300, v19  }
0x25: {  	v0 =	vsel vm4, $0x300, v0;
	v2 =	vsel vm4, $0x200, v2;
	v3 =	vsel vm4, $0x100, v3  }
0x26: {  	v4 =	vsel vm4, $0x0, v4;
	v5 =	vsel vm4, $0xF00, v5;
	v6 =	vsel vm4, $0xE00, v6  }
0x27: {  	v7 =	vsel vm4, $0xD00, v7;
	v8 =	vsel vm4, $0xC00, v8;
	v9 =	vsel vm4, $0xB00, v9  }
0x28: {  	v10 =	vsel vm4, $0xA00, v10;
	v11 =	vsel vm4, $0x900, v11;
	v12 =	vsel vm4, $0x800, v12  }
0x29: {  	v15 =	vsel vm4, $0x600, v15;
	v17 =	vsel vm4, $0x500, v17;
	v19 =	vsel vm4, $0x380, v19  }
0x2a: {  	v1 =	vsel vm5, $0x400, v0;
	v0 =	vlaneseq.u32;
	v2 =	vsel vm5, $0x300, v2  }
0x2b: {  	v3 =	vsel vm5, $0x200, v3;
	v4 =	vsel vm5, $0x100, v4;
	v5 =	vsel vm5, $0x0, v5  }
0x2c: {  	v6 =	vsel vm5, $0xF00, v6;
	v7 =	vsel vm5, $0xE00, v7;
	v8 =	vsel vm5, $0xD00, v8  }
0x2d: {  	v9 =	vsel vm5, $0xC00, v9;
	v10 =	vsel vm5, $0xB00, v10;
	v11 =	vsel vm5, $0xA00, v11  }
0x2e: {  	v12 =	vsel vm5, $0x900, v12;
	v15 =	vsel vm5, $0x700, v15;
	v17 =	vsel vm5, $0x600, v17  }
0x2f: {  	v19 =	vsel vm5, $0x0, v19;
	v1 =	vsel vm6, $0x500, v1;
	v2 =	vsel vm6, $0x400, v2  }
0x30: {  	v3 =	vsel vm6, $0x300, v3;
	v4 =	vsel vm6, $0x200, v4;
	v5 =	vsel vm6, $0x100, v5  }
0x31: {  	v6 =	vsel vm6, $0x0, v6;
	v7 =	vsel vm6, $0xF00, v7;
	v8 =	vsel vm6, $0xE00, v8  }
0x32: {  	v9 =	vsel vm6, $0xD00, v9;
	v10 =	vsel vm6, $0xC00, v10;
	v11 =	vsel vm6, $0xB00, v11  }
0x33: {  	v12 =	vsel vm6, $0xA00, v12;
	v15 =	vsel vm6, $0x800, v15;
	v17 =	vsel vm6, $0x700, v17  }
0x34: {  	v20 =	vand.u32 $0x7, v0;
	v19 =	vsel vm6, $0x80, v19;
	v1 =	vsel vm14, $0x600, v1  }
0x35: {  	v2 =	vsel vm14, $0x500, v2;
	v3 =	vsel vm14, $0x400, v3;
	v4 =	vsel vm14, $0x300, v4  }
0x36: {  	v5 =	vsel vm14, $0x200, v5;
	v6 =	vsel vm14, $0x100, v6;
	v7 =	vsel vm14, $0x0, v7  }
0x37: {  	v8 =	vsel vm14, $0xF00, v8;
	v9 =	vsel vm14, $0xE00, v9;
	v10 =	vsel vm14, $0xD00, v10  }
0x38: {  	v11 =	vsel vm14, $0xC00, v11;
	v12 =	vsel vm14, $0xB00, v12;
	v15 =	vsel vm14, $0x900, v15  }
0x39: {  	v17 =	vsel vm14, $0x800, v17;
	v18 =	vmul.u32 $0x80, v20;
	v20 =	vsel vm3, $0x200, v21  }
0x3a: {  	v21 =	vimm.s32 $0x4B0A4908;
	v19 =	vsel vm7, $0x180, v19;
	v1 =	vsel vm7, $0x700, v1  }
0x3b: {  	v2 =	vsel vm7, $0x600, v2;
	v3 =	vsel vm7, $0x500, v3;
	v4 =	vsel vm7, $0x400, v4  }
0x3c: {  	v5 =	vsel vm7, $0x300, v5;
	v6 =	vsel vm7, $0x200, v6;
	v7 =	vsel vm7, $0x100, v7  }
0x3d: {  	v8 =	vsel vm7, $0x0, v8;
	v9 =	vsel vm7, $0xF00, v9;
	v10 =	vsel vm7, $0xE00, v10  }
0x3e: {  	v11 =	vsel vm7, $0xD00, v11;
	v12 =	vsel vm7, $0xC00, v12;
	v15 =	vsel vm7, $0xA00, v15  }
0x3f: {  	v17 =	vsel vm7, $0x900, v17;
	v20 =	vsel vm4, $0x280, v20;
	v23 =	vunpack.c.0.s8.s32 v21  }
0x40: {  	v21 =	vimm.s32 $0x4F0E4D0C;
	v19 =	vsel vm8, $0x200, v19;
	v1 =	vsel vm8, $0x800, v1  }
0x41: {  	v2 =	vsel vm8, $0x700, v2;
	v3 =	vsel vm8, $0x600, v3;
	v4 =	vsel vm8, $0x500, v4  }
0x42: {  	v5 =	vsel vm8, $0x400, v5;
	v6 =	vsel vm8, $0x300, v6;
	v7 =	vsel vm8, $0x200, v7  }
0x43: {  	v8 =	vsel vm8, $0x100, v8;
	v9 =	vsel vm8, $0x0, v9;
	v10 =	vsel vm8, $0xF00, v10  }
0x44: {  	v11 =	vsel vm8, $0xE00, v11;
	v12 =	vsel vm8, $0xD00, v12;
	v15 =	vsel vm8, $0xB00, v15  }
0x45: {  	v17 =	vsel vm8, $0xA00, v17;
	v20 =	vsel vm5, $0x300, v20;
	v24 =	vunpack.c.0.s8.s32 v21  }
0x46: {  	v21 =	vimm.s32 $0x43024100;
	v19 =	vsel vm9, $0x280, v19;
	v1 =	vsel vm9, $0x900, v1  }
0x47: {  	v2 =	vsel vm9, $0x800, v2;
	v3 =	vsel vm9, $0x700, v3;
	v4 =	vsel vm9, $0x600, v4  }
0x48: {  	v5 =	vsel vm9, $0x500, v5;
	v6 =	vsel vm9, $0x400, v6;
	v7 =	vsel vm9, $0x300, v7  }
0x49: {  	v8 =	vsel vm9, $0x200, v8;
	v9 =	vsel vm9, $0x100, v9;
	v10 =	vsel vm9, $0x0, v10  }
0x4a: {  	v11 =	vsel vm9, $0xF00, v11;
	v12 =	vsel vm9, $0xE00, v12;
	v15 =	vsel vm9, $0xC00, v15  }
0x4b: {  	v17 =	vsel vm9, $0xB00, v17;
	v20 =	vsel vm6, $0x380, v20;
	v10 =	vsel vm10, $0x100, v10  }
0x4c: {  	v27 =	vunpack.c.0.s8.s32 v21;
	v21 =	vimm.s32 $0x80;
	v10 =	vsel vm11, $0x200, v10  }
0x4d: {  	v19 =	vsel vm10, $0x300, v19;
	v13 =	vsel vm10, $0x0, v11;
	v10 =	vsel vm12, $0x300, v10  }
0x4e: {  	v12 =	vsel vm10, $0xF00, v12;
	v11 =	vsel vm13, $0x400, v10;
	v10 =	vsel vm11, $0x100, v13  }
0x4f: {  	v14 =	vsel vm11, $0x0, v12;
	v13 =	vsel vm12, $0x200, v10;
	v10 =	vimm.s32 $0x200  }
0x50: {  	v12 =	vsel vm13, $0x300, v13;
	v13 =	vsel vm12, $0x100, v14;
	v14 =	vsel vm0, $0x300, v10  }
0x51: {  	v1 =	vsel vm10, $0xA00, v1;
	v2 =	vsel vm10, $0x900, v2;
	v14 =	vsel vm1, $0x400, v14  }
0x52: {  	v3 =	vsel vm10, $0x800, v3;
	v4 =	vsel vm10, $0x700, v4;
	v14 =	vsel vm2, $0x500, v14  }
0x53: {  	v5 =	vsel vm10, $0x600, v5;
	v6 =	vsel vm10, $0x500, v6;
	v14 =	vsel vm3, $0x600, v14  }
0x54: {  	v7 =	vsel vm10, $0x400, v7;
	v8 =	vsel vm10, $0x300, v8;
	v14 =	vsel vm4, $0x700, v14  }
0x55: {  	v9 =	vsel vm10, $0x200, v9;
	v21 =	vsel vm0, $0x100, v21;
	v14 =	vsel vm5, $0x800, v14  }
0x56: {  	v15 =	vsel vm10, $0xD00, v15;
	v21 =	vsel vm1, $0x180, v21;
	v14 =	vsel vm6, $0x900, v14  }
0x57: {  	v21 =	vsel vm2, $0x200, v21;
	v14 =	vsel vm14, $0xA00, v14;
	vm14 =	vcmask $0x1F10  }
0x58: {  	v22 =	vsel vm3, $0x280, v21;
	v25 =	vsel vm14, v24, v23;
	v26 =	vsel vm14, v28, v27  }
0x59: {  	v17 =	vsel vm10, $0xC00, v17;
	[tilespmem:$0x1FE80] =	vst v25;
	v21 =	vcombine.low v26, v25;
	v25 =	vsel vm4, $0x300, v22  }
0x5a: {  	v20 =	vsel vm7, $0x80, v20;
	v19 =	vsel vm11, $0x380, v19;
	v25 =	vsel vm5, $0x380, v25  }
0x5b: {  	v1 =	vsel vm11, $0xB00, v1;
	v2 =	vsel vm11, $0xA00, v2;
	v25 =	vsel vm6, $0x0, v25  }
0x5c: {  	v3 =	vsel vm11, $0x900, v3;
	v20 =	vsel vm8, $0x100, v20;
	v25 =	vsel vm7, $0x100, v25  }
0x5d: {  	v19 =	vsel vm12, $0x0, v19;
	v20 =	vsel vm9, $0x180, v20;
	v25 =	vsel vm8, $0x180, v25  }
0x5e: {  	v20 =	vsel vm10, $0x200, v20;
	[tilespmem:$0x1FE90] =	vst v26;
	v26 =	vimm.s32 $0x400F4E0D;
	v25 =	vsel vm9, $0x200, v25  }
0x5f: {  	v43 =	vunpack.c.0.s8.s32 v26;
	v26 =	vimm.s32 $0x44034201;
	v25 =	vsel vm10, $0x280, v25  }
0x60: {  	v44 =	vunpack.c.0.s8.s32 v26;
	v26 =	vimm.s32 $0x48074605;
	v25 =	vsel vm11, $0x300, v25  }
0x61: {  	v45 =	vunpack.c.0.s8.s32 v26;
	v26 =	vsel vm12, $0x380, v25;
	v25 =	vimm.s32 $0x4D0C4B0A  }
0x62: {  	v20 =	vsel vm11, $0x280, v20;
	v48 =	vunpack.c.0.s8.s32 v25;
	v25 =	vimm.s32 $0x45044302  }
0x63: {  	v20 =	vsel vm12, $0x300, v20;
	v10 =	vsel vm0, $0x280, v10;
	v49 =	vunpack.c.0.s8.s32 v25  }
0x64: {  	v10 =	vsel vm1, $0x300, v10;
	v22 =	vsel vm13, $0x380, v20;
	v20 =	vimm.s32 $0x4C0B4A09  }
0x65: {  	v20 =	vunpack.c.0.s8.s32 v20;
	v34 =	vsel vm14, v47, v48;
	v37 =	vsel vm14, v50, v49  }
0x66: {  	[tilespmem:$0x1FEC0] =	vst v34;
	v33 =	vcombine.low v37, v34;
	v34 =	vsel vm13, $0x80, v19;
	v19 =	vsel vm1, $0x280, v59  }
0x67: {  	v30 =	vsel vm14, v43, v20;
	v31 =	vsel vm14, v45, v44;
	v19 =	vsel vm2, $0x300, v19  }
0x68: {  	[tilespmem:$0x1FEA0] =	vst v30;
	v25 =	vcombine.low v31, v30;
	v30 =	vunpack.c.0.s8.s32 v57;
	v19 =	vsel vm3, $0x380, v19  }
0x69: {  	v4 =	vsel vm11, $0x800, v4;
	v10 =	vsel vm2, $0x380, v10;
	v19 =	vsel vm4, $0x0, v19  }
0x6a: {  	[tilespmem:$0x1FEE0] =	vst v38;
	v60 =	vsel vm14, v30, v38;
	v38 =	vsel vm0, $0x300, v62;
	v19 =	vsel vm5, $0x80, v19  }
0x6b: {  	v10 =	vsel vm3, $0x0, v10;
	v38 =	vsel vm1, $0x380, v38;
	v19 =	vsel vm6, $0x100, v19  }
0x6c: {  	v10 =	vsel vm4, $0x80, v10;
	v38 =	vsel vm2, $0x0, v38;
	v19 =	vsel vm7, $0x200, v19  }
0x6d: {  	v10 =	vsel vm5, $0x100, v10;
	v38 =	vsel vm3, $0x80, v38;
	v19 =	vsel vm8, $0x280, v19  }
0x6e: {  	v10 =	vsel vm6, $0x180, v10;
	v38 =	vsel vm4, $0x100, v38;
	v19 =	vsel vm9, $0x300, v19  }
0x6f: {  	v10 =	vsel vm7, $0x280, v10;
	v38 =	vsel vm5, $0x180, v38;
	v19 =	vsel vm10, $0x380, v19  }
0x70: {  	v10 =	vsel vm8, $0x300, v10;
	v38 =	vsel vm6, $0x200, v38;
	v19 =	vsel vm11, $0x0, v19  }
0x71: {  	v10 =	vsel vm9, $0x380, v10;
	v39 =	vsel vm7, $0x300, v38;
	v19 =	vsel vm12, $0x80, v19  }
0x72: {  	v10 =	vsel vm10, $0x0, v10;
	v38 =	vsel vm13, $0x100, v19;
	v19 =	vsel vm8, $0x380, v39  }
0x73: {  	v5 =	vsel vm11, $0x700, v5;
	v10 =	vsel vm11, $0x80, v10;
	v19 =	vsel vm9, $0x0, v19  }
0x74: {  	v6 =	vsel vm11, $0x600, v6;
	v10 =	vsel vm12, $0x100, v10;
	v19 =	vsel vm10, $0x80, v19  }
0x75: {  	v7 =	vsel vm11, $0x500, v7;
	v42 =	vsel vm13, $0x180, v10;
	v10 =	vsel vm11, $0x100, v19  }
0x76: {  	v8 =	vsel vm11, $0x400, v8;
	v9 =	vsel vm11, $0x300, v9;
	v10 =	vsel vm12, $0x180, v10  }
0x77: {  	v15 =	vsel vm11, $0xE00, v15;
	v46 =	vsel vm13, $0x200, v10;
	v10 =	vimm.s32 $0xFEDCBA9  }
0x78: {  	v17 =	vsel vm11, $0xD00, v17;
	v19 =	vimm.s32 $0x87654321;
	v10 =	vunpack.c.l.s4.s8 v10  }
0x79: {  	v1 =	vsel vm12, $0xC00, v1;
	v2 =	vsel vm12, $0xB00, v2;
	v19 =	vunpack.c.l.s4.s8 v19  }
0x7a: {  	v3 =	vsel vm12, $0xA00, v3;
	v43 =	vsel vm14, v44, v43;
	v10 =	vunpack.c.0.s8.s32 v10  }
0x7b: {  	v44 =	vsel vm14, v20, v45;
	v20 =	vimm.s32 $0x10FEDCBA;
	v19 =	vunpack.c.0.s8.s32 v19  }
0x7c: {  	v4 =	vsel vm12, $0x900, v4;
	[tilespmem:$0x1FF20] =	vst v10;
	v10 =	vunpack.c.l.s4.s8 v20;
	v20 =	vimm.s32 $0x98765432  }
0x7d: {  	v5 =	vsel vm12, $0x800, v5;
	v6 =	vsel vm12, $0x700, v6;
	[tilespmem:$0x1FF30] =	vst v19;
	v19 =	vunpack.c.l.s4.s8 v20  }
0x7e: {  	v7 =	vsel vm12, $0x600, v7;
	v8 =	vsel vm12, $0x500, v8;
	v10 =	vunpack.c.0.s8.s32 v10  }
0x7f: {  	v9 =	vsel vm12, $0x400, v9;
	v20 =	vimm.s32 $0x210FEDCB;
	v19 =	vunpack.c.0.s8.s32 v19  }
0x80: {  	v15 =	vsel vm12, $0xF00, v15;
	[tilespmem:$0x1FF40] =	vst v10;
	v10 =	vunpack.c.l.s4.s8 v20;
	v20 =	vimm.s32 $0xA9876543  }
0x81: {  	v17 =	vsel vm12, $0xE00, v17;
	v1 =	vsel vm13, $0xD00, v1;
	[tilespmem:$0x1FF50] =	vst v19;
	v19 =	vunpack.c.l.s4.s8 v20  }
0x82: {  	v2 =	vsel vm13, $0xC00, v2;
	v3 =	vsel vm13, $0xB00, v3;
	v10 =	vunpack.c.0.s8.s32 v10  }
0x83: {  	v4 =	vsel vm13, $0xA00, v4;
	v20 =	vimm.s32 $0x3210FEDC;
	v19 =	vunpack.c.0.s8.s32 v19  }
0x84: {  	v5 =	vsel vm13, $0x900, v5;
	[tilespmem:$0x1FF60] =	vst v10;
	v10 =	vunpack.c.l.s4.s8 v20;
	v20 =	vimm.s32 $0xBA987654  }
0x85: {  	v6 =	vsel vm13, $0x800, v6;
	v7 =	vsel vm13, $0x700, v7;
	[tilespmem:$0x1FF70] =	vst v19;
	v19 =	vunpack.c.l.s4.s8 v20  }
0x86: {  	v8 =	vsel vm13, $0x600, v8;
	v9 =	vsel vm13, $0x500, v9;
	v15 =	vsel vm13, $0x0, v15  }
0x87: {  	[tilespmem:$0x1FF10] =	vst v32;
	v16 =	vsel vm13, $0xF00, v17;
	v14 =	vsel vm7, $0xB00, v14;
	v19 =	vunpack.c.0.s8.s32 v19  }
0x88: {  	v40 =	vsel vm14, v23, v28;
	v23 =	vimm.s32 $0xCBA98765;
	[tilespmem:$0x1FEB0] =	vst v31;
	v10 =	vunpack.c.0.s8.s32 v10  }
0x89: {  	v31 =	vunpack.c.0.s8.s32 v58;
	v20 =	vimm.s32 $0xFEDCBA98;
	[tilespmem:$0x1FF90] =	vst v19;
	v19 =	vimm.s32 $0x43210FED  }
0x8a: {  	s0 =	rddreg [dreg:$0x0];
	v20 =	vunpack.c.l.s4.s8 v20;
	[tilespmem:$0x1FF80] =	vst v10;
	v10 =	vimm.s32 $0x76543210;
	v19 =	vunpack.c.l.s4.s8 v19  }
0x8b: {  	s1 =	rddreg [dreg:$0x1];
	v14 =	vsel vm8, $0xC00, v14;
	v23 =	vunpack.c.l.s4.s8 v23;
	[tilespmem:$0x1FEF0] =	vst v30;
	v10 =	vunpack.c.l.s4.s8 v10  }
0x8c: {  	s2 =	rddreg [dreg:$0x2];
	s5 =	simm.s32 $0x0;
	v14 =	vsel vm9, $0xD00, v14;
	[tilespmem:$0x1FF00] =	vst v31;
	v20 =	vunpack.c.0.s8.s32 v20;
	v19 =	vunpack.c.0.s8.s32 v19  }
0x8d: {  	s3 =	srdreg.scid;
	s10 =	simm.s32 $0x800;
	[smem:$0x7FF] =	sst s5;
	[tilespmem:$0x1FED0] =	vst v37;
	v39 =	vsel vm14, v27, v24;
	v24 =	vimm.s32 $0x543210FE;
	v10 =	vunpack.c.0.s8.s32 v10  }
0x8e: {  	s6 =	sand.u32 $0x1, s3;
	s3 =	rddreg [dreg:$0x3];
	v24 =	vunpack.c.l.s4.s8 v24;
	_ =	strace $0x80000047;
	v20 =	vand.u32 $0xF, v20;
	[tilespmem:$0x1FFA0] =	vst v19;
	v19 =	vunpack.c.0.s8.s32 v23  }
0x8f: {  	s17 =	stileid.u32;
	s13 =	simm.s32 $0x7A1400;
	s14 =	simm.s32 $0x4000;
	v14 =	vsel vm10, $0xE00, v14;
	v27 =	vimm.s32 $0xDCBA9876;
	v57 =	vcombine.low v20, v10  }
0x90: {  	s15 =	simm.s32 $0x8000;
	s16 =	simm.s32 $0xC000;
	s18 =	simm.s32 $0x5;
	v10 =	vimm.s32 $0xEDCBA987;
	v20 =	vunpack.c.l.s4.s8 v27;
	[tilespmem:$0x1FFB0] =	vst v19;
	v19 =	vunpack.c.0.s8.s32 v24  }
0x91: {  	s19 =	simm.s32 $0x12000;
	s20 =	simm.s32 $0x0;
	s4 =	sshll.u32 s17, $0x1;
	v17 =	vmul.u32 $0x100, v0;
	v14 =	vsel vm11, $0xF00, v14;
	v10 =	vunpack.c.l.s4.s8 v10  }
.Ltmp0:
0x92: {  	s9 =	sadd.s32 $0x7A1000, s2;
	p0 =	sne.s32 s17, $0x0;
	v14 =	vsel vm12, $0x0, v14;
	v27 =	vunpack.c.l.s4.s8 v63;
	[tilespmem:$0x1FFC0] =	vst v19;
	v19 =	vunpack.c.0.s8.s32 v20;
	(pc) =	sbr.rel .LBB2_1-.Ltmp0, $4  }
0x93: {  	s17 =	simm.s32 $0x10000;
	s4 =	sor.u32 s6, s4;
	s7 =	ssub.s32 $0x2, s6;
	v13 =	vsel vm13, $0x200, v13;
	v14 =	vsel vm13, $0x100, v14;
	v10 =	vunpack.c.0.s8.s32 v10  }
0x94: {  	s31 =	sshll.u32 s4, $0x8;
	s8 =	sshrl.u32 s7, $0x1;
	s11 =	sor.u32 $0x60, s4;
	v45 =	vcombine.low v44, v43;
	v26 =	vsel vm13, $0x0, v26;
	[tilespmem:$0x1FFD0] =	vst v19;
	v19 =	vunpack.c.0.s8.s32 v27  }
0x95: {  	p1 =	sne.s32 s4, $0x0;
	s6 =	sadd.s32 s0, s31;
	s12 =	ssub.s32 s7, s8;
	v48 =	vsel vm14, v48, v50;
	v61 =	vsel vm14, v32, v31;
	v47 =	vsel vm14, v49, v47;
	[tilespmem:$0x1FFF0] =	vst v10  }
0x96: {  	s8 =	sor.u32 $0x40, s4;
	s7 =	sadd.s32 $0x2000, s6;
	s12 =	smax.u32 s12, $0x1;
	v35 =	vmovc v60;
	v36 =	vmov v61;
	v37 =	vcombine.low v61, v60;
	v41 =	vcombine.low v40, v39;
	[tilespmem:$0x1FFE0] =	vst v19  }
.LBB2_11:
.Ltmp1:
0x97: {  	(pc) =	sbr.rel @!p1 .LBB2_12-.Ltmp1, $4  }
0x98: {  	s21 =	simm.s32 @!p0 $0x3  }
0x99: {  	_ =	swait.ge @!p0 [sflag:s21], $0x4000  }
0x9a: {  	[sflag:s21] =	ssyncset.done @!p0 $0x0  }
0x9b: {  	[sflag:s21] =	ssyncadd.s32 @!p0 $0xFFFFC000  }
.LBB2_15:
0x9c: {  	s20 =	sadd.s32 $0x1, s20  }
0x9d: {  	p2 =	sne.s32 s20, s12  }
.Ltmp2:
0x9e: {  	_ = 	snop;
	(pc) =	sbr.rel @!p2 .LBB2_16-.Ltmp2, $1  }
0x9f: {  	_ =	sdelay $0x3  }
.LBB2_1:
.Ltmp3:
0xa0: {  	(pc) =	sbr.rel .LBB2_2-.Ltmp3, $4  }
0xa1: {  	_ = 	snop  }
0xa2: {  	[tilespmem:s5], [sflag:$0x1] =	stream.strided.gather [hbm4b:s6+s10], $0x4000, s13, s10, $0x38;
	[tilespmem:$0x13000] =	vst v63  }
0xa3: {  	s21 =	simm.s32 $0x0  }
0xa4: {  	[tilespmem:s14], [sflag:$0x2] =	stream.strided.gather [hbm4b:s7+s10], $0x4000, s13, s10, $0x38;
	[tilespmem:$0x13000] =	vst v63  }
.LBB2_10:
0xa5: {  	s22 =	sadd.s32 s11, s22  }
0xa6: {  	p2 =	sgt.u32 s22, $0xF41  }
0xa7: {  	s21 =	sadd.s32 $0x1, s21;
	s22 =	sshll.u32 @!p2 s22, $0x8;
	s23 =	simm.s32 @!p2 $0x800  }
0xa8: {  	s24 =	simm.s32 @!p2 $0x7A1400;
	s25 =	simm.s32 @!p2 $0x4000;
	s22 =	sadd.s32 @!p2 s0, s22  }
0xa9: {  	[tilespmem:s25], [sflag:$0x2] =	stream.strided.gather @!p2 [hbm4b:s22+s23], $0x4000, s24, s23, $0x38;
	[tilespmem:$0x13000] =	vst v63  }
0xaa: {  	p2 =	sne.s32 s21, $0x3E  }
.Ltmp4:
0xab: {  	_ = 	snop;
	(pc) =	sbr.rel @!p2 .LBB2_11-.Ltmp4, $1  }
0xac: {  	_ =	sdelay $0x3  }
.LBB2_2:
0xad: {  	s22 =	sshll.u32 s21, $0x6  }
0xae: {  	s24 =	sor.u32 s4, s22  }
0xaf: {  	p3 =	sgt.u32 s24, $0xF41  }
0xb0: {  	s23 =	simm.s32 @!p3 $0x1  }
0xb1: {  	_ =	swait.ge @!p3 [sflag:s23], $0x4000  }
.Ltmp5:
0xb2: {  	p2 =	seq.s32 s21, $0x0;
	[sflag:s23] =	ssyncset.done @!p3 $0x0;
	(pc) =	sbr.rel @p3 .LBB2_6-.Ltmp5, $4  }
0xb3: {  	[sflag:s23] =	ssyncadd.s32 @!p3 $0xFFFFC000;
	s23 =	simm.s32 @!p2 $0x3  }
0xb4: {  	_ =	swait.ge @!p2 [sflag:s23], $0x4000  }
0xb5: {  	[sflag:s23] =	ssyncset.done @!p2 $0x0  }
0xb6: {  	[sflag:s23] =	ssyncadd.s32 @!p2 $0xFFFFC000;
	s23 =	simm.s32 $0x0  }
0xb7: {  	s25 =	sand.u32 $0xF0, s23  }
0xb8: {  	s26 =	sand.u32 $0x30, s23;
	v10 =	vmov s25  }
0xb9: {  	v19 =	vor.u32 s25, v0;
	v20 =	vmov s26;
	v10 =	vshll.u32 v10, $0x3  }
0xba: {  	v23 =	vand.u32 $0x7F, v19;
	v20 =	vshll.u32 v20, $0x8;
	v10 =	vand.u32 $0x400, v10  }
0xbb: {  	v24 =	vor.u32 v17, v20;
	v23 =	vor.u32 v10, v23  }
0xbc: {  	v10 =	vand.u32 $0x3800, v24;
	v24 =	vor.u32 v18, v23  }
0xbd: {  	v10 =	vor.u32 v10, v24;
	_ =	sdelay $0x1  }
0xbe: {  	v19 =	vshll.u32 v19, $0x6  }
0xbf: {  	v19 =	vand.u32 $0x3F80, v19  }
0xc0: {  	v54 =	vor.u32 s26, v19;
	v19 =	vor.u32 v16, v20  }
0xc1: {  	v27 =	vor.u32 v21, v54;
	v19 =	vand.u32 $0x3800, v19;
	v28 =	vor.u32 v22, v23;
	v10 =	vld.idx.msk [tilespmem:v10+s5+$0x0], $0xffff  }
0xc2: {  	v19 =	vor.u32 v19, v28;
	_ =	sdelay $0x3  }
0xc3: {  	[tilespmem:v27+s15+$0x0] =	vst.idx.msk $0xffff, v10;
	v10 =	vor.u32 v15, v20  }
0xc4: {  	v53 =	vor.u32 v26, v23;
	v27 =	vor.u32 v25, v54;
	v19 =	vld.idx.msk [tilespmem:v19+s5+$0x0], $0xffff;
	v10 =	vand.u32 $0x3800, v10  }
0xc5: {  	v10 =	vor.u32 v10, v53;
	_ =	sdelay $0x3  }
0xc6: {  	[tilespmem:v27+s15+$0x0] =	vst.idx.msk $0xffff, v19;
	v19 =	vor.u32 v14, v20  }
0xc7: {  	v55 =	vor.u32 v34, v23;
	v27 =	vor.u32 v33, v54;
	v10 =	vld.idx.msk [tilespmem:v10+s5+$0x0], $0xffff;
	v19 =	vand.u32 $0x3800, v19  }
0xc8: {  	v19 =	vor.u32 v19, v55;
	_ =	sdelay $0x3  }
0xc9: {  	[tilespmem:v27+s15+$0x0] =	vst.idx.msk $0xffff, v10;
	v10 =	vor.u32 v13, v20  }
0xca: {  	v56 =	vor.u32 v38, v23;
	v27 =	vor.u32 v37, v54;
	v19 =	vld.idx.msk [tilespmem:v19+s5+$0x0], $0xffff;
	v10 =	vand.u32 $0x3800, v10  }
0xcb: {  	v10 =	vor.u32 v10, v56;
	_ =	sdelay $0x1  }
0xcc: {  	v29 =	vimm.s32 $0x300  }
0xcd: {  	v49 =	vsel vm0, $0x380, v29  }
0xce: {  	v49 =	vsel vm1, $0x0, v49;
	[tilespmem:v27+s15+$0x0] =	vst.idx.msk $0xffff, v19;
	v19 =	vor.u32 v12, v20  }
0xcf: {  	v58 =	vor.u32 v42, v23;
	v27 =	vor.u32 v41, v54;
	v10 =	vld.idx.msk [tilespmem:v10+s5+$0x0], $0xffff;
	v19 =	vand.u32 $0x3800, v19  }
0xd0: {  	v49 =	vsel vm2, $0x80, v49;
	v19 =	vor.u32 v19, v58  }
0xd1: {  	v49 =	vsel vm3, $0x100, v49  }
0xd2: {  	v49 =	vsel vm4, $0x180, v49  }
0xd3: {  	v49 =	vsel vm5, $0x200, v49  }
0xd4: {  	v50 =	vor.u32 v11, v20;
	v52 =	vor.u32 v45, v54;
	v49 =	vsel vm6, $0x280, v49;
	[tilespmem:v27+s15+$0x0] =	vst.idx.msk $0xffff, v10  }
0xd5: {  	v59 =	vor.u32 v46, v23;
	v10 =	vand.u32 $0x3800, v50;
	v27 =	vsel vm7, $0x380, v49;
	v19 =	vld.idx.msk [tilespmem:v19+s5+$0x0], $0xffff  }
0xd6: {  	v27 =	vsel vm8, $0x0, v27;
	v50 =	vor.u32 v10, v59  }
0xd7: {  	v60 =	vld [tilespmem:$0x1FEF0];
	v10 =	vsel vm9, $0x80, v27  }
0xd8: {  	v30 =	vld [tilespmem:$0x1FF00];
	v10 =	vsel vm10, $0x100, v10  }
0xd9: {  	v61 =	vld [tilespmem:$0x1FEE0];
	v27 =	vsel vm11, $0x180, v10;
	v10 =	vcombine.low v48, v47  }
0xda: {  	v62 =	vld [tilespmem:$0x1FF10];
	v27 =	vsel vm12, $0x200, v27;
	[tilespmem:v52+s15+$0x0] =	vst.idx.msk $0xffff, v19  }
0xdb: {  	v49 =	vsel vm13, $0x280, v27;
	v51 =	vor.u32 v10, v54;
	v27 =	vld.idx.msk [tilespmem:v50+s5+$0x0], $0xffff  }
0xdc: {  	v19 =	vor.u32 v9, v20  }
0xdd: {  	v19 =	vand.u32 $0x3800, v19;
	v23 =	vor.u32 v49, v23  }
0xde: {  	v19 =	vor.u32 v19, v23  }
0xdf: {  	v60 =	vsel vm14, v30, v60  }
0xe0: {  	v61 =	vsel vm14, v61, v62;
	[tilespmem:v51+s15+$0x0] =	vst.idx.msk $0xffff, v27;
	v27 =	vor.u32 v8, v20  }
0xe1: {  	v63 =	vld [tilespmem:$0x1FE90];
	v50 =	vcombine.low v61, v60;
	v27 =	vand.u32 $0x3800, v27  }
0xe2: {  	v24 =	vor.u32 v27, v24;
	v27 =	vld [tilespmem:$0x1FE80]  }
0xe3: {  	v52 =	vor.u32 v50, v54;
	v19 =	vld.idx.msk [tilespmem:v19+s5+$0x0], $0xffff;
	_ =	sdelay $0x3  }
0xe4: {  	v32 =	vld [tilespmem:$0x1FEA0];
	v51 =	vcombine.low v27, v63  }
0xe5: {  	[tilespmem:v52+s15+$0x0] =	vst.idx.msk $0xffff, v19;
	v19 =	vor.u32 v7, v20;
	v52 =	vld [tilespmem:$0x1FEB0]  }
0xe6: {  	v24 =	vld.idx.msk [tilespmem:v24+s5+$0x0], $0xffff;
	v19 =	vand.u32 $0x3800, v19;
	v27 =	vor.u32 v51, v54  }
0xe7: {  	v19 =	vor.u32 v19, v28;
	_ =	sdelay $0x2  }
0xe8: {  	v62 =	vld [tilespmem:$0x1FEC0];
	v52 =	vcombine.low v32, v52  }
0xe9: {  	v63 =	vld [tilespmem:$0x1FED0];
	[tilespmem:v27+s15+$0x0] =	vst.idx.msk $0xffff, v24;
	v24 =	vor.u32 v6, v20  }
0xea: {  	v27 =	vor.u32 v52, v54;
	v19 =	vld.idx.msk [tilespmem:v19+s5+$0x0], $0xffff;
	v24 =	vand.u32 $0x3800, v24  }
0xeb: {  	v24 =	vor.u32 v24, v53;
	_ =	sdelay $0x2  }
0xec: {  	v53 =	vcombine.low v62, v63  }
0xed: {  	[tilespmem:v27+s15+$0x0] =	vst.idx.msk $0xffff, v19;
	v19 =	vor.u32 v5, v20  }
0xee: {  	v27 =	vor.u32 v53, v54;
	v24 =	vld.idx.msk [tilespmem:v24+s5+$0x0], $0xffff;
	v19 =	vand.u32 $0x3800, v19  }
0xef: {  	v19 =	vor.u32 v19, v55;
	_ =	sdelay $0x2  }
0xf0: {  	v55 =	vcombine.low v35, v36  }
0xf1: {  	[tilespmem:v27+s15+$0x0] =	vst.idx.msk $0xffff, v24;
	v24 =	vor.u32 v4, v20  }
0xf2: {  	v27 =	vor.u32 v55, v54;
	v19 =	vld.idx.msk [tilespmem:v19+s5+$0x0], $0xffff;
	v24 =	vand.u32 $0x3800, v24  }
0xf3: {  	v24 =	vor.u32 v24, v56;
	_ =	sdelay $0x2  }
0xf4: {  	v56 =	vcombine.low v39, v40  }
0xf5: {  	[tilespmem:v27+s15+$0x0] =	vst.idx.msk $0xffff, v19;
	v19 =	vor.u32 v3, v20  }
0xf6: {  	v27 =	vor.u32 v56, v54;
	v24 =	vld.idx.msk [tilespmem:v24+s5+$0x0], $0xffff;
	v19 =	vand.u32 $0x3800, v19  }
0xf7: {  	v19 =	vor.u32 v19, v58;
	_ =	sdelay $0x2  }
0xf8: {  	v58 =	vcombine.low v43, v44  }
0xf9: {  	[tilespmem:v27+s15+$0x0] =	vst.idx.msk $0xffff, v24;
	v24 =	vor.u32 v2, v20  }
0xfa: {  	v27 =	vor.u32 v58, v54;
	v19 =	vld.idx.msk [tilespmem:v19+s5+$0x0], $0xffff;
	v24 =	vand.u32 $0x3800, v24  }
0xfb: {  	v24 =	vor.u32 v24, v59;
	_ =	sdelay $0x2  }
0xfc: {  	v59 =	vcombine.low v47, v48  }
0xfd: {  	v20 =	vor.u32 v1, v20;
	[tilespmem:v27+s15+$0x0] =	vst.idx.msk $0xffff, v19  }
0xfe: {  	v62 =	vor.u32 v59, v54;
	v19 =	vand.u32 $0x3800, v20;
	v20 =	vld.idx.msk [tilespmem:v24+s5+$0x0], $0xffff  }
0xff: {  	s25 =	simm.s32 $0x4;
	v23 =	vor.u32 v19, v23  }
0x100: {  	s28 =	simm.s32 $0x20;
	s29 =	sand.u32 $0xF0, s25;
	s26 =	simm.s32 $0x10  }
.LBB2_4:
0x101: {  	p3 =	sne.s32 s28, $0x3F0;
	s30 =	sand.u32 $0x30, s26;
	v19 =	vmov s29;
	v24 =	vcombine.low v60, v61;
	s26 =	smov.u32 s28  }
0x102: {  	v27 =	vor.u32 s29, v0;
	v28 =	vmov s30;
	v63 =	vshll.u32 v19, $0x3  }
0x103: {  	v29 =	vand.u32 $0x7F, v27;
	v19 =	vshll.u32 v28, $0x8;
	v28 =	vand.u32 $0x400, v63;
	[tilespmem:v62+s15+$0x0] =	vst.idx.msk $0xffff, v20  }
0x104: {  	v20 =	vor.u32 v17, v19;
	v28 =	vor.u32 v28, v29;
	v23 =	vld.idx.msk [tilespmem:v23+s5+$0x0], $0xffff  }
0x105: {  	v24 =	vor.u32 v24, v54;
	v20 =	vand.u32 $0x3800, v20;
	v29 =	vor.u32 v18, v28  }
0x106: {  	v20 =	vor.u32 v20, v29;
	_ =	sdelay $0x2  }
0x107: {  	v27 =	vshll.u32 v27, $0x6  }
0x108: {  	v27 =	vand.u32 $0x3F80, v27;
	[tilespmem:v24+s15+$0x0] =	vst.idx.msk $0xffff, v23  }
0x109: {  	v54 =	vor.u32 s30, v27;
	v23 =	vor.u32 v16, v19;
	v20 =	vld.idx.msk [tilespmem:v20+s5+$0x0], $0xffff  }
0x10a: {  	v27 =	vor.u32 v22, v28;
	v24 =	vor.u32 v21, v54;
	v23 =	vand.u32 $0x3800, v23  }
0x10b: {  	v23 =	vor.u32 v23, v27;
	_ =	sdelay $0x3  }
0x10c: {  	[tilespmem:v24+s15+$0x0] =	vst.idx.msk $0xffff, v20  }
0x10d: {  	v20 =	vld.idx.msk [tilespmem:v23+s5+$0x0], $0xffff;
	v23 =	vor.u32 v15, v19  }
0x10e: {  	v62 =	vor.u32 v26, v28;
	v24 =	vor.u32 v25, v54;
	v23 =	vand.u32 $0x3800, v23  }
0x10f: {  	v23 =	vor.u32 v23, v62;
	_ =	sdelay $0x3  }
0x110: {  	[tilespmem:v24+s15+$0x0] =	vst.idx.msk $0xffff, v20  }
0x111: {  	v20 =	vld.idx.msk [tilespmem:v23+s5+$0x0], $0xffff;
	v23 =	vor.u32 v14, v19  }
0x112: {  	v63 =	vor.u32 v34, v28;
	v24 =	vor.u32 v33, v54;
	v23 =	vand.u32 $0x3800, v23  }
0x113: {  	v23 =	vor.u32 v23, v63;
	_ =	sdelay $0x3  }
0x114: {  	[tilespmem:v24+s15+$0x0] =	vst.idx.msk $0xffff, v20  }
0x115: {  	v20 =	vld.idx.msk [tilespmem:v23+s5+$0x0], $0xffff;
	v23 =	vor.u32 v13, v19  }
0x116: {  	v30 =	vor.u32 v38, v28;
	v24 =	vor.u32 v37, v54;
	v23 =	vand.u32 $0x3800, v23  }
0x117: {  	v23 =	vor.u32 v23, v30;
	_ =	sdelay $0x3  }
0x118: {  	[tilespmem:v24+s15+$0x0] =	vst.idx.msk $0xffff, v20  }
0x119: {  	v20 =	vld.idx.msk [tilespmem:v23+s5+$0x0], $0xffff;
	v23 =	vor.u32 v12, v19  }
0x11a: {  	v31 =	vor.u32 v42, v28;
	v24 =	vor.u32 v41, v54;
	v23 =	vand.u32 $0x3800, v23  }
0x11b: {  	v23 =	vor.u32 v23, v31;
	_ =	sdelay $0x3  }
0x11c: {  	[tilespmem:v24+s15+$0x0] =	vst.idx.msk $0xffff, v20;
	v20 =	vor.u32 v11, v19  }
0x11d: {  	v23 =	vld.idx.msk [tilespmem:v23+s5+$0x0], $0xffff;
	v20 =	vand.u32 $0x3800, v20  }
0x11e: {  	v32 =	vor.u32 v46, v28;
	v24 =	vor.u32 v45, v54  }
0x11f: {  	v20 =	vor.u32 v20, v32;
	_ =	sdelay $0x3  }
0x120: {  	[tilespmem:v24+s15+$0x0] =	vst.idx.msk $0xffff, v23  }
0x121: {  	v23 =	vor.u32 v9, v19;
	v20 =	vld.idx.msk [tilespmem:v20+s5+$0x0], $0xffff  }
0x122: {  	v28 =	vor.u32 v49, v28;
	v24 =	vor.u32 v10, v54;
	v23 =	vand.u32 $0x3800, v23  }
0x123: {  	v23 =	vor.u32 v23, v28;
	_ =	sdelay $0x3  }
0x124: {  	[tilespmem:v24+s15+$0x0] =	vst.idx.msk $0xffff, v20  }
0x125: {  	v20 =	vld.idx.msk [tilespmem:v23+s5+$0x0], $0xffff;
	v23 =	vor.u32 v8, v19  }
0x126: {  	v24 =	vor.u32 v50, v54;
	v23 =	vand.u32 $0x3800, v23  }
0x127: {  	v23 =	vor.u32 v23, v29;
	_ =	sdelay $0x3  }
0x128: {  	[tilespmem:v24+s15+$0x0] =	vst.idx.msk $0xffff, v20  }
0x129: {  	v20 =	vld.idx.msk [tilespmem:v23+s5+$0x0], $0xffff;
	v23 =	vor.u32 v7, v19  }
0x12a: {  	v24 =	vor.u32 v51, v54;
	v23 =	vand.u32 $0x3800, v23  }
0x12b: {  	v23 =	vor.u32 v23, v27;
	_ =	sdelay $0x3  }
0x12c: {  	[tilespmem:v24+s15+$0x0] =	vst.idx.msk $0xffff, v20  }
0x12d: {  	v20 =	vld.idx.msk [tilespmem:v23+s5+$0x0], $0xffff;
	v23 =	vor.u32 v6, v19  }
0x12e: {  	v24 =	vor.u32 v52, v54;
	v23 =	vand.u32 $0x3800, v23  }
0x12f: {  	v23 =	vor.u32 v23, v62;
	_ =	sdelay $0x3  }
0x130: {  	[tilespmem:v24+s15+$0x0] =	vst.idx.msk $0xffff, v20  }
0x131: {  	v20 =	vld.idx.msk [tilespmem:v23+s5+$0x0], $0xffff;
	v23 =	vor.u32 v5, v19  }
0x132: {  	v24 =	vor.u32 v53, v54;
	v23 =	vand.u32 $0x3800, v23  }
0x133: {  	v23 =	vor.u32 v23, v63;
	_ =	sdelay $0x3  }
0x134: {  	[tilespmem:v24+s15+$0x0] =	vst.idx.msk $0xffff, v20  }
0x135: {  	v20 =	vld.idx.msk [tilespmem:v23+s5+$0x0], $0xffff;
	v23 =	vor.u32 v4, v19  }
0x136: {  	v24 =	vor.u32 v55, v54;
	v23 =	vand.u32 $0x3800, v23  }
0x137: {  	v23 =	vor.u32 v23, v30;
	_ =	sdelay $0x3  }
0x138: {  	[tilespmem:v24+s15+$0x0] =	vst.idx.msk $0xffff, v20  }
0x139: {  	v20 =	vld.idx.msk [tilespmem:v23+s5+$0x0], $0xffff;
	v23 =	vor.u32 v3, v19  }
0x13a: {  	v24 =	vor.u32 v56, v54;
	v23 =	vand.u32 $0x3800, v23  }
0x13b: {  	v23 =	vor.u32 v23, v31;
	_ =	sdelay $0x3  }
0x13c: {  	[tilespmem:v24+s15+$0x0] =	vst.idx.msk $0xffff, v20  }
0x13d: {  	v20 =	vld.idx.msk [tilespmem:v23+s5+$0x0], $0xffff;
	v23 =	vor.u32 v2, v19  }
0x13e: {  	v24 =	vor.u32 v58, v54;
	v23 =	vand.u32 $0x3800, v23  }
0x13f: {  	v23 =	vor.u32 v23, v32;
	_ =	sdelay $0x3  }
.Ltmp6:
0x140: {  	[tilespmem:v24+s15+$0x0] =	vst.idx.msk $0xffff, v20;
	(pc) =	sbr.rel @p3 .LBB2_4-.Ltmp6, $4  }
0x141: {  	v19 =	vor.u32 v1, v19;
	v20 =	vld.idx.msk [tilespmem:v23+s5+$0x0], $0xffff  }
0x142: {  	v62 =	vor.u32 v59, v54;
	v19 =	vand.u32 $0x3800, v19  }
0x143: {  	s25 =	sadd.s32 $0x4, s25;
	v23 =	vor.u32 v19, v28  }
0x144: {  	s28 =	sadd.s32 $0x10, s28;
	s29 =	sand.u32 $0xF0, s25  }
0x145: {  	_ = 	snop  }
0x146: {  	s25 =	sand.u32 $0x30, s26;
	v19 =	vmov s29;
	v24 =	vcombine.low v60, v61  }
0x147: {  	v27 =	vor.u32 s29, v0;
	v28 =	vmov s25;
	v19 =	vshll.u32 v19, $0x3  }
0x148: {  	v29 =	vand.u32 $0x7F, v27;
	v28 =	vshll.u32 v28, $0x8;
	v19 =	vand.u32 $0x400, v19  }
0x149: {  	[tilespmem:v62+s15+$0x0] =	vst.idx.msk $0xffff, v20;
	v20 =	vor.u32 v17, v28;
	v19 =	vor.u32 v19, v29  }
0x14a: {  	v23 =	vld.idx.msk [tilespmem:v23+s5+$0x0], $0xffff;
	v30 =	vor.u32 v24, v54;
	v20 =	vand.u32 $0x3800, v20;
	v29 =	vor.u32 v18, v19  }
0x14b: {  	v20 =	vor.u32 v20, v29;
	_ =	sdelay $0x1  }
0x14c: {  	v27 =	vshll.u32 v27, $0x6  }
0x14d: {  	v27 =	vand.u32 $0x3F80, v27  }
0x14e: {  	[tilespmem:v30+s15+$0x0] =	vst.idx.msk $0xffff, v23;
	v23 =	vor.u32 s25, v27;
	v27 =	vor.u32 v16, v28  }
0x14f: {  	v31 =	vor.u32 v22, v19;
	v61 =	vor.u32 v21, v23;
	v27 =	vand.u32 $0x3800, v27;
	v20 =	vld.idx.msk [tilespmem:v20+s5+$0x0], $0xffff  }
0x150: {  	v27 =	vor.u32 v27, v31;
	_ =	sdelay $0x3  }
0x151: {  	[tilespmem:v61+s15+$0x0] =	vst.idx.msk $0xffff, v20;
	v20 =	vor.u32 v15, v28  }
0x152: {  	v32 =	vor.u32 v26, v19;
	v62 =	vor.u32 v25, v23;
	v27 =	vld.idx.msk [tilespmem:v27+s5+$0x0], $0xffff;
	v20 =	vand.u32 $0x3800, v20  }
0x153: {  	v20 =	vor.u32 v20, v32;
	_ =	sdelay $0x3  }
0x154: {  	[tilespmem:v62+s15+$0x0] =	vst.idx.msk $0xffff, v27;
	v27 =	vor.u32 v14, v28  }
0x155: {  	v54 =	vor.u32 v34, v19;
	v63 =	vor.u32 v33, v23;
	v20 =	vld.idx.msk [tilespmem:v20+s5+$0x0], $0xffff;
	v27 =	vand.u32 $0x3800, v27  }
0x156: {  	v27 =	vor.u32 v27, v54;
	_ =	sdelay $0x3  }
0x157: {  	[tilespmem:v63+s15+$0x0] =	vst.idx.msk $0xffff, v20;
	v20 =	vor.u32 v13, v28  }
0x158: {  	v60 =	vor.u32 v38, v19;
	v30 =	vor.u32 v37, v23;
	v27 =	vld.idx.msk [tilespmem:v27+s5+$0x0], $0xffff;
	v20 =	vand.u32 $0x3800, v20  }
0x159: {  	v20 =	vor.u32 v20, v60;
	_ =	sdelay $0x3  }
0x15a: {  	[tilespmem:v30+s15+$0x0] =	vst.idx.msk $0xffff, v27;
	v27 =	vor.u32 v12, v28  }
0x15b: {  	v61 =	vor.u32 v42, v19;
	v30 =	vor.u32 v41, v23;
	v20 =	vld.idx.msk [tilespmem:v20+s5+$0x0], $0xffff;
	v27 =	vand.u32 $0x3800, v27  }
0x15c: {  	v27 =	vor.u32 v27, v61;
	_ =	sdelay $0x3  }
0x15d: {  	[tilespmem:v30+s15+$0x0] =	vst.idx.msk $0xffff, v20;
	v20 =	vor.u32 v11, v28  }
0x15e: {  	v62 =	vor.u32 v46, v19;
	v30 =	vor.u32 v45, v23;
	v27 =	vld.idx.msk [tilespmem:v27+s5+$0x0], $0xffff;
	v20 =	vand.u32 $0x3800, v20  }
0x15f: {  	v20 =	vor.u32 v20, v62;
	_ =	sdelay $0x3  }
0x160: {  	[tilespmem:v30+s15+$0x0] =	vst.idx.msk $0xffff, v27;
	v27 =	vor.u32 v9, v28  }
0x161: {  	v10 =	vor.u32 v10, v23;
	v19 =	vor.u32 v49, v19;
	v20 =	vld.idx.msk [tilespmem:v20+s5+$0x0], $0xffff;
	v27 =	vand.u32 $0x3800, v27  }
0x162: {  	v27 =	vor.u32 v27, v19;
	_ =	sdelay $0x3  }
0x163: {  	[tilespmem:v10+s15+$0x0] =	vst.idx.msk $0xffff, v20;
	v10 =	vor.u32 v8, v28  }
0x164: {  	v20 =	vld.idx.msk [tilespmem:v27+s5+$0x0], $0xffff;
	v27 =	vor.u32 v50, v23;
	v10 =	vand.u32 $0x3800, v10  }
0x165: {  	v10 =	vor.u32 v10, v29;
	_ =	sdelay $0x3  }
0x166: {  	[tilespmem:v27+s15+$0x0] =	vst.idx.msk $0xffff, v20;
	v20 =	vor.u32 v7, v28  }
0x167: {  	v27 =	vor.u32 v51, v23;
	v10 =	vld.idx.msk [tilespmem:v10+s5+$0x0], $0xffff;
	v20 =	vand.u32 $0x3800, v20  }
0x168: {  	v20 =	vor.u32 v20, v31;
	_ =	sdelay $0x3  }
0x169: {  	[tilespmem:v27+s15+$0x0] =	vst.idx.msk $0xffff, v10;
	v10 =	vor.u32 v6, v28  }
0x16a: {  	v27 =	vor.u32 v52, v23;
	v20 =	vld.idx.msk [tilespmem:v20+s5+$0x0], $0xffff;
	v10 =	vand.u32 $0x3800, v10  }
0x16b: {  	v10 =	vor.u32 v10, v32;
	_ =	sdelay $0x3  }
0x16c: {  	[tilespmem:v27+s15+$0x0] =	vst.idx.msk $0xffff, v20;
	v20 =	vor.u32 v5, v28  }
0x16d: {  	v27 =	vor.u32 v53, v23;
	v10 =	vld.idx.msk [tilespmem:v10+s5+$0x0], $0xffff;
	v20 =	vand.u32 $0x3800, v20  }
0x16e: {  	v20 =	vor.u32 v20, v54;
	_ =	sdelay $0x3  }
0x16f: {  	[tilespmem:v27+s15+$0x0] =	vst.idx.msk $0xffff, v10;
	v10 =	vor.u32 v4, v28  }
0x170: {  	v27 =	vor.u32 v55, v23;
	v20 =	vld.idx.msk [tilespmem:v20+s5+$0x0], $0xffff;
	v10 =	vand.u32 $0x3800, v10  }
0x171: {  	v10 =	vor.u32 v10, v60;
	_ =	sdelay $0x3  }
0x172: {  	[tilespmem:v27+s15+$0x0] =	vst.idx.msk $0xffff, v20;
	v20 =	vor.u32 v3, v28  }
0x173: {  	v27 =	vor.u32 v56, v23;
	v10 =	vld.idx.msk [tilespmem:v10+s5+$0x0], $0xffff;
	v20 =	vand.u32 $0x3800, v20  }
0x174: {  	v20 =	vor.u32 v20, v61;
	_ =	sdelay $0x3  }
0x175: {  	[tilespmem:v27+s15+$0x0] =	vst.idx.msk $0xffff, v10;
	v10 =	vor.u32 v2, v28  }
0x176: {  	v27 =	vor.u32 v58, v23;
	v20 =	vld.idx.msk [tilespmem:v20+s5+$0x0], $0xffff;
	v10 =	vand.u32 $0x3800, v10  }
0x177: {  	v10 =	vor.u32 v10, v62;
	_ =	sdelay $0x3  }
0x178: {  	[tilespmem:v27+s15+$0x0] =	vst.idx.msk $0xffff, v20;
	v20 =	vor.u32 v1, v28  }
0x179: {  	v27 =	vor.u32 v59, v23;
	v10 =	vld.idx.msk [tilespmem:v10+s5+$0x0], $0xffff;
	v20 =	vand.u32 $0x3800, v20  }
0x17a: {  	v19 =	vor.u32 v20, v19;
	_ =	sdelay $0x3  }
0x17b: {  	[tilespmem:v27+s15+$0x0] =	vst.idx.msk $0xffff, v10  }
0x17c: {  	v10 =	vld.idx.msk [tilespmem:v19+s5+$0x0], $0xffff;
	v19 =	vor.u32 v24, v23;
	_ =	sdelay $0x3  }
0x17d: {  	s31 =	sshll.u32 s24, $0xB  }
0x17e: {  	s25 =	sadd.s32 s2, s31;
	[tilespmem:v19+s15+$0x0] =	vst.idx.msk $0xffff, v10  }
0x17f: {  	[hbm4b:s25+s5] =	stream.linear.scatter [tilespmem:s15], [sflag:$0x3], $0x4000, $0x38;
	[tilespmem:$0x13000] =	vst v63  }
.LBB2_6:
0x180: {  	s25 =	sadd.s32 s8, s22  }
0x181: {  	p3 =	sgt.u32 s25, $0xF41  }
0x182: {  	s24 =	sor.u32 $0x20, s24;
	s25 =	sshll.u32 @!p3 s25, $0x8;
	s26 =	simm.s32 @!p3 $0x800  }
0x183: {  	s28 =	simm.s32 @!p3 $0x7A1400;
	s29 =	simm.s32 @!p3 $0x0;
	s25 =	sadd.s32 @!p3 s0, s25  }
0x184: {  	[tilespmem:s29], [sflag:$0x1] =	stream.strided.gather @!p3 [hbm4b:s25+s26], $0x4000, s28, s26, $0x38;
	[tilespmem:$0x13000] =	vst v63  }
0x185: {  	p3 =	sgt.u32 s24, $0xF41  }
0x186: {  	s25 =	simm.s32 @!p3 $0x2  }
0x187: {  	_ =	swait.ge @!p3 [sflag:s25], $0x4000  }
.Ltmp7:
0x188: {  	[sflag:s25] =	ssyncset.done @!p3 $0x0;
	(pc) =	sbr.rel @p3 .LBB2_10-.Ltmp7, $4  }
0x189: {  	[sflag:s25] =	ssyncadd.s32 @!p3 $0xFFFFC000;
	s25 =	simm.s32 @!p2 $0x4  }
0x18a: {  	_ =	swait.ge @!p2 [sflag:s25], $0x4000  }
0x18b: {  	[sflag:s25] =	ssyncset.done @!p2 $0x0  }
0x18c: {  	[sflag:s25] =	ssyncadd.s32 @!p2 $0xFFFFC000  }
0x18d: {  	s25 =	sand.u32 $0xF0, s23  }
0x18e: {  	s31 =	sand.u32 $0x30, s23;
	v10 =	vmov s25  }
0x18f: {  	v19 =	vor.u32 s25, v0;
	v20 =	vmov s31;
	v10 =	vshll.u32 v10, $0x3  }
0x190: {  	v23 =	vand.u32 $0x7F, v19;
	v20 =	vshll.u32 v20, $0x8;
	v10 =	vand.u32 $0x400, v10  }
0x191: {  	v24 =	vor.u32 v17, v20;
	v23 =	vor.u32 v10, v23  }
0x192: {  	v10 =	vand.u32 $0x3800, v24;
	v24 =	vor.u32 v18, v23  }
0x193: {  	v10 =	vor.u32 v10, v24;
	_ =	sdelay $0x1  }
0x194: {  	v19 =	vshll.u32 v19, $0x6  }
0x195: {  	v19 =	vand.u32 $0x3F80, v19  }
0x196: {  	v54 =	vor.u32 s31, v19;
	v19 =	vor.u32 v16, v20  }
0x197: {  	v27 =	vor.u32 v21, v54;
	v19 =	vand.u32 $0x3800, v19;
	v28 =	vor.u32 v22, v23;
	v10 =	vld.idx.msk [tilespmem:v10+s14+$0x0], $0xffff  }
0x198: {  	v19 =	vor.u32 v19, v28;
	_ =	sdelay $0x3  }
0x199: {  	[tilespmem:v27+s16+$0x0] =	vst.idx.msk $0xffff, v10;
	v10 =	vor.u32 v15, v20  }
0x19a: {  	v29 =	vor.u32 v26, v23;
	v27 =	vor.u32 v25, v54;
	v19 =	vld.idx.msk [tilespmem:v19+s14+$0x0], $0xffff;
	v10 =	vand.u32 $0x3800, v10  }
0x19b: {  	v10 =	vor.u32 v10, v29;
	_ =	sdelay $0x3  }
0x19c: {  	[tilespmem:v27+s16+$0x0] =	vst.idx.msk $0xffff, v19;
	v19 =	vor.u32 v14, v20  }
0x19d: {  	v30 =	vor.u32 v34, v23;
	v27 =	vor.u32 v33, v54;
	v10 =	vld.idx.msk [tilespmem:v10+s14+$0x0], $0xffff;
	v19 =	vand.u32 $0x3800, v19  }
0x19e: {  	v19 =	vor.u32 v19, v30;
	_ =	sdelay $0x3  }
0x19f: {  	[tilespmem:v27+s16+$0x0] =	vst.idx.msk $0xffff, v10;
	v10 =	vor.u32 v13, v20  }
0x1a0: {  	v31 =	vor.u32 v38, v23;
	v27 =	vor.u32 v37, v54;
	v19 =	vld.idx.msk [tilespmem:v19+s14+$0x0], $0xffff;
	v10 =	vand.u32 $0x3800, v10  }
0x1a1: {  	v10 =	vor.u32 v10, v31;
	_ =	sdelay $0x1  }
0x1a2: {  	v32 =	vimm.s32 $0x300  }
0x1a3: {  	v32 =	vsel vm0, $0x380, v32  }
0x1a4: {  	v32 =	vsel vm1, $0x0, v32;
	[tilespmem:v27+s16+$0x0] =	vst.idx.msk $0xffff, v19;
	v19 =	vor.u32 v12, v20  }
0x1a5: {  	v58 =	vor.u32 v42, v23;
	v27 =	vor.u32 v41, v54;
	v10 =	vld.idx.msk [tilespmem:v10+s14+$0x0], $0xffff;
	v19 =	vand.u32 $0x3800, v19  }
0x1a6: {  	v32 =	vsel vm2, $0x80, v32;
	v19 =	vor.u32 v19, v58  }
0x1a7: {  	v32 =	vsel vm3, $0x100, v32  }
0x1a8: {  	v32 =	vsel vm4, $0x180, v32  }
0x1a9: {  	v32 =	vsel vm5, $0x200, v32  }
0x1aa: {  	v49 =	vor.u32 v11, v20;
	v53 =	vor.u32 v45, v54;
	v32 =	vsel vm6, $0x280, v32;
	[tilespmem:v27+s16+$0x0] =	vst.idx.msk $0xffff, v10  }
0x1ab: {  	v59 =	vor.u32 v46, v23;
	v10 =	vand.u32 $0x3800, v49;
	v27 =	vsel vm7, $0x380, v32;
	v19 =	vld.idx.msk [tilespmem:v19+s14+$0x0], $0xffff  }
0x1ac: {  	v27 =	vsel vm8, $0x0, v27;
	v50 =	vor.u32 v10, v59  }
0x1ad: {  	v55 =	vld [tilespmem:$0x1FEF0];
	v10 =	vsel vm9, $0x80, v27  }
0x1ae: {  	v51 =	vld [tilespmem:$0x1FF00];
	v10 =	vsel vm10, $0x100, v10  }
0x1af: {  	v56 =	vld [tilespmem:$0x1FEE0];
	v27 =	vsel vm11, $0x180, v10;
	v10 =	vcombine.low v48, v47  }
0x1b0: {  	v61 =	vld [tilespmem:$0x1FF10];
	v27 =	vsel vm12, $0x200, v27;
	[tilespmem:v53+s16+$0x0] =	vst.idx.msk $0xffff, v19  }
0x1b1: {  	v49 =	vsel vm13, $0x280, v27;
	v32 =	vor.u32 v10, v54;
	v27 =	vld.idx.msk [tilespmem:v50+s14+$0x0], $0xffff  }
0x1b2: {  	v19 =	vor.u32 v9, v20  }
0x1b3: {  	v19 =	vand.u32 $0x3800, v19;
	v23 =	vor.u32 v49, v23  }
0x1b4: {  	v19 =	vor.u32 v19, v23  }
0x1b5: {  	v60 =	vsel vm14, v51, v55  }
0x1b6: {  	v61 =	vsel vm14, v56, v61;
	[tilespmem:v32+s16+$0x0] =	vst.idx.msk $0xffff, v27;
	v27 =	vor.u32 v8, v20  }
0x1b7: {  	v63 =	vld [tilespmem:$0x1FE90];
	v50 =	vcombine.low v61, v60;
	v27 =	vand.u32 $0x3800, v27  }
0x1b8: {  	v24 =	vor.u32 v27, v24;
	v27 =	vld [tilespmem:$0x1FE80]  }
0x1b9: {  	v62 =	vor.u32 v50, v54;
	v19 =	vld.idx.msk [tilespmem:v19+s14+$0x0], $0xffff;
	_ =	sdelay $0x3  }
0x1ba: {  	v55 =	vld [tilespmem:$0x1FEA0];
	v51 =	vcombine.low v27, v63  }
0x1bb: {  	v56 =	vld [tilespmem:$0x1FEB0];
	[tilespmem:v62+s16+$0x0] =	vst.idx.msk $0xffff, v19;
	v19 =	vor.u32 v7, v20  }
0x1bc: {  	v24 =	vld.idx.msk [tilespmem:v24+s14+$0x0], $0xffff;
	v19 =	vand.u32 $0x3800, v19;
	v27 =	vor.u32 v51, v54  }
0x1bd: {  	v19 =	vor.u32 v19, v28;
	_ =	sdelay $0x2  }
0x1be: {  	v52 =	vcombine.low v55, v56;
	v62 =	vld [tilespmem:$0x1FEC0]  }
0x1bf: {  	v63 =	vld [tilespmem:$0x1FED0];
	[tilespmem:v27+s16+$0x0] =	vst.idx.msk $0xffff, v24;
	v24 =	vor.u32 v6, v20  }
0x1c0: {  	v27 =	vor.u32 v52, v54;
	v19 =	vld.idx.msk [tilespmem:v19+s14+$0x0], $0xffff;
	v24 =	vand.u32 $0x3800, v24  }
0x1c1: {  	v24 =	vor.u32 v24, v29;
	_ =	sdelay $0x2  }
0x1c2: {  	v53 =	vcombine.low v62, v63  }
0x1c3: {  	[tilespmem:v27+s16+$0x0] =	vst.idx.msk $0xffff, v19;
	v19 =	vor.u32 v5, v20  }
0x1c4: {  	v27 =	vor.u32 v53, v54;
	v24 =	vld.idx.msk [tilespmem:v24+s14+$0x0], $0xffff;
	v19 =	vand.u32 $0x3800, v19  }
0x1c5: {  	v19 =	vor.u32 v19, v30;
	_ =	sdelay $0x2  }
0x1c6: {  	v55 =	vcombine.low v35, v36  }
0x1c7: {  	[tilespmem:v27+s16+$0x0] =	vst.idx.msk $0xffff, v24;
	v24 =	vor.u32 v4, v20  }
0x1c8: {  	v27 =	vor.u32 v55, v54;
	v19 =	vld.idx.msk [tilespmem:v19+s14+$0x0], $0xffff;
	v24 =	vand.u32 $0x3800, v24  }
0x1c9: {  	v24 =	vor.u32 v24, v31;
	_ =	sdelay $0x2  }
0x1ca: {  	v56 =	vcombine.low v39, v40  }
0x1cb: {  	[tilespmem:v27+s16+$0x0] =	vst.idx.msk $0xffff, v19;
	v19 =	vor.u32 v3, v20  }
0x1cc: {  	v27 =	vor.u32 v56, v54;
	v24 =	vld.idx.msk [tilespmem:v24+s14+$0x0], $0xffff;
	v19 =	vand.u32 $0x3800, v19  }
0x1cd: {  	v19 =	vor.u32 v19, v58;
	_ =	sdelay $0x2  }
0x1ce: {  	v58 =	vcombine.low v43, v44  }
0x1cf: {  	[tilespmem:v27+s16+$0x0] =	vst.idx.msk $0xffff, v24;
	v24 =	vor.u32 v2, v20  }
0x1d0: {  	v27 =	vor.u32 v58, v54;
	v19 =	vld.idx.msk [tilespmem:v19+s14+$0x0], $0xffff;
	v24 =	vand.u32 $0x3800, v24  }
0x1d1: {  	v24 =	vor.u32 v24, v59;
	_ =	sdelay $0x2  }
0x1d2: {  	v59 =	vcombine.low v47, v48  }
0x1d3: {  	v20 =	vor.u32 v1, v20;
	[tilespmem:v27+s16+$0x0] =	vst.idx.msk $0xffff, v19  }
0x1d4: {  	v62 =	vor.u32 v59, v54;
	v19 =	vand.u32 $0x3800, v20;
	v20 =	vld.idx.msk [tilespmem:v24+s14+$0x0], $0xffff  }
0x1d5: {  	s23 =	simm.s32 $0x4;
	v23 =	vor.u32 v19, v23  }
0x1d6: {  	s26 =	simm.s32 $0x20;
	s25 =	simm.s32 $0x10;
	s28 =	sand.u32 $0xF0, s23  }
.LBB2_8:
0x1d7: {  	p2 =	sne.s32 s26, $0x3F0;
	s29 =	sand.u32 $0x30, s25;
	v19 =	vmov s28;
	v24 =	vcombine.low v60, v61;
	s25 =	smov.u32 s26  }
0x1d8: {  	v27 =	vor.u32 s28, v0;
	v28 =	vmov s29;
	v29 =	vshll.u32 v19, $0x3  }
0x1d9: {  	v30 =	vand.u32 $0x7F, v27;
	v19 =	vshll.u32 v28, $0x8;
	v28 =	vand.u32 $0x400, v29;
	[tilespmem:v62+s16+$0x0] =	vst.idx.msk $0xffff, v20  }
0x1da: {  	v20 =	vor.u32 v17, v19;
	v28 =	vor.u32 v28, v30;
	v23 =	vld.idx.msk [tilespmem:v23+s14+$0x0], $0xffff  }
0x1db: {  	v24 =	vor.u32 v24, v54;
	v20 =	vand.u32 $0x3800, v20;
	v29 =	vor.u32 v18, v28  }
0x1dc: {  	v20 =	vor.u32 v20, v29;
	_ =	sdelay $0x2  }
0x1dd: {  	v27 =	vshll.u32 v27, $0x6  }
0x1de: {  	v27 =	vand.u32 $0x3F80, v27;
	[tilespmem:v24+s16+$0x0] =	vst.idx.msk $0xffff, v23  }
0x1df: {  	v54 =	vor.u32 s29, v27;
	v23 =	vor.u32 v16, v19;
	v20 =	vld.idx.msk [tilespmem:v20+s14+$0x0], $0xffff  }
0x1e0: {  	v27 =	vor.u32 v22, v28;
	v24 =	vor.u32 v21, v54;
	v23 =	vand.u32 $0x3800, v23  }
0x1e1: {  	v23 =	vor.u32 v23, v27;
	_ =	sdelay $0x3  }
0x1e2: {  	[tilespmem:v24+s16+$0x0] =	vst.idx.msk $0xffff, v20  }
0x1e3: {  	v20 =	vld.idx.msk [tilespmem:v23+s14+$0x0], $0xffff;
	v23 =	vor.u32 v15, v19  }
0x1e4: {  	v30 =	vor.u32 v26, v28;
	v24 =	vor.u32 v25, v54;
	v23 =	vand.u32 $0x3800, v23  }
0x1e5: {  	v23 =	vor.u32 v23, v30;
	_ =	sdelay $0x3  }
0x1e6: {  	[tilespmem:v24+s16+$0x0] =	vst.idx.msk $0xffff, v20  }
0x1e7: {  	v20 =	vld.idx.msk [tilespmem:v23+s14+$0x0], $0xffff;
	v23 =	vor.u32 v14, v19  }
0x1e8: {  	v31 =	vor.u32 v34, v28;
	v24 =	vor.u32 v33, v54;
	v23 =	vand.u32 $0x3800, v23  }
0x1e9: {  	v23 =	vor.u32 v23, v31;
	_ =	sdelay $0x3  }
0x1ea: {  	[tilespmem:v24+s16+$0x0] =	vst.idx.msk $0xffff, v20  }
0x1eb: {  	v20 =	vld.idx.msk [tilespmem:v23+s14+$0x0], $0xffff;
	v23 =	vor.u32 v13, v19  }
0x1ec: {  	v32 =	vor.u32 v38, v28;
	v24 =	vor.u32 v37, v54;
	v23 =	vand.u32 $0x3800, v23  }
0x1ed: {  	v23 =	vor.u32 v23, v32;
	_ =	sdelay $0x3  }
0x1ee: {  	[tilespmem:v24+s16+$0x0] =	vst.idx.msk $0xffff, v20  }
0x1ef: {  	v20 =	vld.idx.msk [tilespmem:v23+s14+$0x0], $0xffff;
	v23 =	vor.u32 v12, v19  }
0x1f0: {  	v62 =	vor.u32 v42, v28;
	v24 =	vor.u32 v41, v54;
	v23 =	vand.u32 $0x3800, v23  }
0x1f1: {  	v23 =	vor.u32 v23, v62;
	_ =	sdelay $0x3  }
0x1f2: {  	[tilespmem:v24+s16+$0x0] =	vst.idx.msk $0xffff, v20;
	v20 =	vor.u32 v11, v19  }
0x1f3: {  	v23 =	vld.idx.msk [tilespmem:v23+s14+$0x0], $0xffff;
	v20 =	vand.u32 $0x3800, v20  }
0x1f4: {  	v63 =	vor.u32 v46, v28;
	v24 =	vor.u32 v45, v54  }
0x1f5: {  	v20 =	vor.u32 v20, v63;
	_ =	sdelay $0x3  }
0x1f6: {  	[tilespmem:v24+s16+$0x0] =	vst.idx.msk $0xffff, v23  }
0x1f7: {  	v23 =	vor.u32 v9, v19;
	v20 =	vld.idx.msk [tilespmem:v20+s14+$0x0], $0xffff  }
0x1f8: {  	v28 =	vor.u32 v49, v28;
	v24 =	vor.u32 v10, v54;
	v23 =	vand.u32 $0x3800, v23  }
0x1f9: {  	v23 =	vor.u32 v23, v28;
	_ =	sdelay $0x3  }
0x1fa: {  	[tilespmem:v24+s16+$0x0] =	vst.idx.msk $0xffff, v20  }
0x1fb: {  	v20 =	vld.idx.msk [tilespmem:v23+s14+$0x0], $0xffff;
	v23 =	vor.u32 v8, v19  }
0x1fc: {  	v24 =	vor.u32 v50, v54;
	v23 =	vand.u32 $0x3800, v23  }
0x1fd: {  	v23 =	vor.u32 v23, v29;
	_ =	sdelay $0x3  }
0x1fe: {  	[tilespmem:v24+s16+$0x0] =	vst.idx.msk $0xffff, v20  }
0x1ff: {  	v20 =	vld.idx.msk [tilespmem:v23+s14+$0x0], $0xffff;
	v23 =	vor.u32 v7, v19  }
0x200: {  	v24 =	vor.u32 v51, v54;
	v23 =	vand.u32 $0x3800, v23  }
0x201: {  	v23 =	vor.u32 v23, v27;
	_ =	sdelay $0x3  }
0x202: {  	[tilespmem:v24+s16+$0x0] =	vst.idx.msk $0xffff, v20  }
0x203: {  	v20 =	vld.idx.msk [tilespmem:v23+s14+$0x0], $0xffff;
	v23 =	vor.u32 v6, v19  }
0x204: {  	v24 =	vor.u32 v52, v54;
	v23 =	vand.u32 $0x3800, v23  }
0x205: {  	v23 =	vor.u32 v23, v30;
	_ =	sdelay $0x3  }
0x206: {  	[tilespmem:v24+s16+$0x0] =	vst.idx.msk $0xffff, v20  }
0x207: {  	v20 =	vld.idx.msk [tilespmem:v23+s14+$0x0], $0xffff;
	v23 =	vor.u32 v5, v19  }
0x208: {  	v24 =	vor.u32 v53, v54;
	v23 =	vand.u32 $0x3800, v23  }
0x209: {  	v23 =	vor.u32 v23, v31;
	_ =	sdelay $0x3  }
0x20a: {  	[tilespmem:v24+s16+$0x0] =	vst.idx.msk $0xffff, v20  }
0x20b: {  	v20 =	vld.idx.msk [tilespmem:v23+s14+$0x0], $0xffff;
	v23 =	vor.u32 v4, v19  }
0x20c: {  	v24 =	vor.u32 v55, v54;
	v23 =	vand.u32 $0x3800, v23  }
0x20d: {  	v23 =	vor.u32 v23, v32;
	_ =	sdelay $0x3  }
0x20e: {  	[tilespmem:v24+s16+$0x0] =	vst.idx.msk $0xffff, v20  }
0x20f: {  	v20 =	vld.idx.msk [tilespmem:v23+s14+$0x0], $0xffff;
	v23 =	vor.u32 v3, v19  }
0x210: {  	v24 =	vor.u32 v56, v54;
	v23 =	vand.u32 $0x3800, v23  }
0x211: {  	v23 =	vor.u32 v23, v62;
	_ =	sdelay $0x3  }
0x212: {  	[tilespmem:v24+s16+$0x0] =	vst.idx.msk $0xffff, v20  }
0x213: {  	v20 =	vld.idx.msk [tilespmem:v23+s14+$0x0], $0xffff;
	v23 =	vor.u32 v2, v19  }
0x214: {  	v24 =	vor.u32 v58, v54;
	v23 =	vand.u32 $0x3800, v23  }
0x215: {  	v23 =	vor.u32 v23, v63;
	_ =	sdelay $0x3  }
.Ltmp8:
0x216: {  	[tilespmem:v24+s16+$0x0] =	vst.idx.msk $0xffff, v20;
	(pc) =	sbr.rel @p2 .LBB2_8-.Ltmp8, $4  }
0x217: {  	v19 =	vor.u32 v1, v19;
	v20 =	vld.idx.msk [tilespmem:v23+s14+$0x0], $0xffff  }
0x218: {  	v62 =	vor.u32 v59, v54;
	v19 =	vand.u32 $0x3800, v19  }
0x219: {  	s23 =	sadd.s32 $0x4, s23;
	v23 =	vor.u32 v19, v28  }
0x21a: {  	s26 =	sadd.s32 $0x10, s26;
	s28 =	sand.u32 $0xF0, s23  }
0x21b: {  	_ = 	snop  }
0x21c: {  	s23 =	sand.u32 $0x30, s25;
	v19 =	vmov s28;
	v24 =	vcombine.low v60, v61  }
0x21d: {  	v27 =	vor.u32 s28, v0;
	v28 =	vmov s23;
	v19 =	vshll.u32 v19, $0x3  }
0x21e: {  	v29 =	vand.u32 $0x7F, v27;
	v28 =	vshll.u32 v28, $0x8;
	v19 =	vand.u32 $0x400, v19  }
0x21f: {  	[tilespmem:v62+s16+$0x0] =	vst.idx.msk $0xffff, v20;
	v20 =	vor.u32 v17, v28;
	v19 =	vor.u32 v19, v29  }
0x220: {  	v23 =	vld.idx.msk [tilespmem:v23+s14+$0x0], $0xffff;
	v30 =	vor.u32 v24, v54;
	v20 =	vand.u32 $0x3800, v20;
	v29 =	vor.u32 v18, v19  }
0x221: {  	v20 =	vor.u32 v20, v29;
	_ =	sdelay $0x1  }
0x222: {  	v27 =	vshll.u32 v27, $0x6  }
0x223: {  	v27 =	vand.u32 $0x3F80, v27  }
0x224: {  	[tilespmem:v30+s16+$0x0] =	vst.idx.msk $0xffff, v23;
	v23 =	vor.u32 s23, v27;
	v27 =	vor.u32 v16, v28  }
0x225: {  	v31 =	vor.u32 v22, v19;
	v61 =	vor.u32 v21, v23;
	v27 =	vand.u32 $0x3800, v27;
	v20 =	vld.idx.msk [tilespmem:v20+s14+$0x0], $0xffff  }
0x226: {  	v27 =	vor.u32 v27, v31;
	_ =	sdelay $0x3  }
0x227: {  	[tilespmem:v61+s16+$0x0] =	vst.idx.msk $0xffff, v20;
	v20 =	vor.u32 v15, v28  }
0x228: {  	v32 =	vor.u32 v26, v19;
	v62 =	vor.u32 v25, v23;
	v27 =	vld.idx.msk [tilespmem:v27+s14+$0x0], $0xffff;
	v20 =	vand.u32 $0x3800, v20  }
0x229: {  	v20 =	vor.u32 v20, v32;
	_ =	sdelay $0x3  }
0x22a: {  	[tilespmem:v62+s16+$0x0] =	vst.idx.msk $0xffff, v27;
	v27 =	vor.u32 v14, v28  }
0x22b: {  	v54 =	vor.u32 v34, v19;
	v63 =	vor.u32 v33, v23;
	v20 =	vld.idx.msk [tilespmem:v20+s14+$0x0], $0xffff;
	v27 =	vand.u32 $0x3800, v27  }
0x22c: {  	v27 =	vor.u32 v27, v54;
	_ =	sdelay $0x3  }
0x22d: {  	[tilespmem:v63+s16+$0x0] =	vst.idx.msk $0xffff, v20;
	v20 =	vor.u32 v13, v28  }
0x22e: {  	v60 =	vor.u32 v38, v19;
	v30 =	vor.u32 v37, v23;
	v27 =	vld.idx.msk [tilespmem:v27+s14+$0x0], $0xffff;
	v20 =	vand.u32 $0x3800, v20  }
0x22f: {  	v20 =	vor.u32 v20, v60;
	_ =	sdelay $0x3  }
0x230: {  	[tilespmem:v30+s16+$0x0] =	vst.idx.msk $0xffff, v27;
	v27 =	vor.u32 v12, v28  }
0x231: {  	v61 =	vor.u32 v42, v19;
	v30 =	vor.u32 v41, v23;
	v20 =	vld.idx.msk [tilespmem:v20+s14+$0x0], $0xffff;
	v27 =	vand.u32 $0x3800, v27  }
0x232: {  	v27 =	vor.u32 v27, v61;
	_ =	sdelay $0x3  }
0x233: {  	[tilespmem:v30+s16+$0x0] =	vst.idx.msk $0xffff, v20;
	v20 =	vor.u32 v11, v28  }
0x234: {  	v62 =	vor.u32 v46, v19;
	v30 =	vor.u32 v45, v23;
	v27 =	vld.idx.msk [tilespmem:v27+s14+$0x0], $0xffff;
	v20 =	vand.u32 $0x3800, v20  }
0x235: {  	v20 =	vor.u32 v20, v62;
	_ =	sdelay $0x3  }
0x236: {  	[tilespmem:v30+s16+$0x0] =	vst.idx.msk $0xffff, v27;
	v27 =	vor.u32 v9, v28  }
0x237: {  	v10 =	vor.u32 v10, v23;
	v19 =	vor.u32 v49, v19;
	v20 =	vld.idx.msk [tilespmem:v20+s14+$0x0], $0xffff;
	v27 =	vand.u32 $0x3800, v27  }
0x238: {  	v27 =	vor.u32 v27, v19;
	_ =	sdelay $0x3  }
0x239: {  	[tilespmem:v10+s16+$0x0] =	vst.idx.msk $0xffff, v20;
	v10 =	vor.u32 v8, v28  }
0x23a: {  	v20 =	vld.idx.msk [tilespmem:v27+s14+$0x0], $0xffff;
	v27 =	vor.u32 v50, v23;
	v10 =	vand.u32 $0x3800, v10  }
0x23b: {  	v10 =	vor.u32 v10, v29;
	_ =	sdelay $0x3  }
0x23c: {  	[tilespmem:v27+s16+$0x0] =	vst.idx.msk $0xffff, v20;
	v20 =	vor.u32 v7, v28  }
0x23d: {  	v27 =	vor.u32 v51, v23;
	v10 =	vld.idx.msk [tilespmem:v10+s14+$0x0], $0xffff;
	v20 =	vand.u32 $0x3800, v20  }
0x23e: {  	v20 =	vor.u32 v20, v31;
	_ =	sdelay $0x3  }
0x23f: {  	[tilespmem:v27+s16+$0x0] =	vst.idx.msk $0xffff, v10;
	v10 =	vor.u32 v6, v28  }
0x240: {  	v27 =	vor.u32 v52, v23;
	v20 =	vld.idx.msk [tilespmem:v20+s14+$0x0], $0xffff;
	v10 =	vand.u32 $0x3800, v10  }
0x241: {  	v10 =	vor.u32 v10, v32;
	_ =	sdelay $0x3  }
0x242: {  	[tilespmem:v27+s16+$0x0] =	vst.idx.msk $0xffff, v20;
	v20 =	vor.u32 v5, v28  }
0x243: {  	v27 =	vor.u32 v53, v23;
	v10 =	vld.idx.msk [tilespmem:v10+s14+$0x0], $0xffff;
	v20 =	vand.u32 $0x3800, v20  }
0x244: {  	v20 =	vor.u32 v20, v54;
	_ =	sdelay $0x3  }
0x245: {  	[tilespmem:v27+s16+$0x0] =	vst.idx.msk $0xffff, v10;
	v10 =	vor.u32 v4, v28  }
0x246: {  	v27 =	vor.u32 v55, v23;
	v20 =	vld.idx.msk [tilespmem:v20+s14+$0x0], $0xffff;
	v10 =	vand.u32 $0x3800, v10  }
0x247: {  	v10 =	vor.u32 v10, v60;
	_ =	sdelay $0x3  }
0x248: {  	[tilespmem:v27+s16+$0x0] =	vst.idx.msk $0xffff, v20;
	v20 =	vor.u32 v3, v28  }
0x249: {  	v27 =	vor.u32 v56, v23;
	v10 =	vld.idx.msk [tilespmem:v10+s14+$0x0], $0xffff;
	v20 =	vand.u32 $0x3800, v20  }
0x24a: {  	v20 =	vor.u32 v20, v61;
	_ =	sdelay $0x3  }
0x24b: {  	[tilespmem:v27+s16+$0x0] =	vst.idx.msk $0xffff, v10;
	v10 =	vor.u32 v2, v28  }
0x24c: {  	v27 =	vor.u32 v58, v23;
	v20 =	vld.idx.msk [tilespmem:v20+s14+$0x0], $0xffff;
	v10 =	vand.u32 $0x3800, v10  }
0x24d: {  	v10 =	vor.u32 v10, v62;
	_ =	sdelay $0x3  }
0x24e: {  	[tilespmem:v27+s16+$0x0] =	vst.idx.msk $0xffff, v20;
	v20 =	vor.u32 v1, v28  }
0x24f: {  	v27 =	vor.u32 v59, v23;
	v10 =	vld.idx.msk [tilespmem:v10+s14+$0x0], $0xffff;
	v20 =	vand.u32 $0x3800, v20  }
0x250: {  	v19 =	vor.u32 v20, v19;
	_ =	sdelay $0x3  }
0x251: {  	[tilespmem:v27+s16+$0x0] =	vst.idx.msk $0xffff, v10  }
0x252: {  	v10 =	vld.idx.msk [tilespmem:v19+s14+$0x0], $0xffff;
	v19 =	vor.u32 v24, v23;
	_ =	sdelay $0x1  }
.Ltmp9:
0x253: {  	_ = 	snop;
	(pc) =	sbr.rel .LBB2_10-.Ltmp9, $4  }
0x254: {  	_ = 	snop  }
0x255: {  	s31 =	sshll.u32 s24, $0xB  }
0x256: {  	s23 =	sadd.s32 s2, s31;
	[tilespmem:v19+s16+$0x0] =	vst.idx.msk $0xffff, v10  }
0x257: {  	[hbm4b:s23+s5] =	stream.linear.scatter [tilespmem:s16], [sflag:$0x4], $0x4000, $0x38;
	[tilespmem:$0x13000] =	vst v63  }
.LBB2_12:
0x258: {  	v24 =	vld [tilespmem:$0x1FF20]  }
0x259: {  	s22 =	simm.s32 $0x0;
	v58 =	vld [tilespmem:$0x1FF30]  }
0x25a: {  	s23 =	sand.u32 $0x70, s22;
	s21 =	sand.u32 $0x10, s22  }
0x25b: {  	v10 =	vmov s23;
	v49 =	vor.u32 s23, v0;
	v23 =	vor.u32 s21, v0  }
0x25c: {  	[tilespmem:s17], [sflag:$0x5] =	stream.linear.gather [hbm4b:s1+s22], $0x2000, $0x38;
	v19 =	vshrl.u32 v10, $0x6;
	v10 =	vshll.u32 v23, $0x1;
	v20 =	vshll.u32 v49, $0x7;
	[tilespmem:$0x13000] =	vst v63  }
0x25d: {  	_ =	swait.ge [sflag:s18], $0x2000;
	v10 =	vor.u32 v19, v10;
	v20 =	vand.u32 $0x1F80, v20  }
0x25e: {  	v59 =	vld [tilespmem:$0x1FF40];
	v10 =	vor.u32 v10, v20;
	v24 =	vcombine.low v58, v24  }
0x25f: {  	v32 =	vld [tilespmem:$0x1FF50]  }
0x260: {  	v50 =	vand.u32 $0xF, v24  }
0x261: {  	[sflag:s18] =	ssyncset.done $0x0;
	v24 =	vor.u32 s21, v50  }
0x262: {  	v23 =	vshll.u32 v23, $0x7;
	[sflag:s18] =	ssyncadd.s32 $0xFFFFE000;
	v27 =	vshll.u32 v24, $0x1  }
0x263: {  	v23 =	vor.u32 v49, v23;
	v10 =	vld.idx.msk [tilespmem:v10+s17+$0x0], $0xffff;
	v27 =	vor.u32 v19, v27  }
0x264: {  	v60 =	vld [tilespmem:$0x1FF60];
	v28 =	vcombine.low v32, v59;
	v27 =	vor.u32 v27, v20  }
0x265: {  	v61 =	vld [tilespmem:$0x1FF70]  }
0x266: {  	v51 =	vand.u32 $0xF, v28  }
0x267: {  	v28 =	vor.u32 s21, v51  }
0x268: {  	[tilespmem:v23+s19+$0x0] =	vst.idx.msk $0xffff, v10;
	v10 =	vshll.u32 v24, $0x7;
	v23 =	vshll.u32 v28, $0x1  }
0x269: {  	v24 =	vld.idx.msk [tilespmem:v27+s17+$0x0], $0xffff;
	v10 =	vor.u32 v49, v10;
	v23 =	vor.u32 v19, v23  }
0x26a: {  	v27 =	vcombine.low v61, v60;
	v23 =	vor.u32 v23, v20;
	_ =	sdelay $0x1  }
0x26b: {  	v52 =	vand.u32 $0xF, v27  }
0x26c: {  	v63 =	vld [tilespmem:$0x1FF90];
	v27 =	vor.u32 s21, v52  }
0x26d: {  	[tilespmem:v10+s19+$0x0] =	vst.idx.msk $0xffff, v24;
	v10 =	vshll.u32 v28, $0x7;
	v24 =	vshll.u32 v27, $0x1;
	v28 =	vld [tilespmem:$0x1FF80]  }
0x26e: {  	v23 =	vld.idx.msk [tilespmem:v23+s17+$0x0], $0xffff;
	v10 =	vor.u32 v49, v10;
	v24 =	vor.u32 v19, v24  }
0x26f: {  	v24 =	vor.u32 v24, v20;
	_ =	sdelay $0x2  }
0x270: {  	v62 =	vld [tilespmem:$0x1FFB0];
	v28 =	vcombine.low v63, v28  }
0x271: {  	[tilespmem:v10+s19+$0x0] =	vst.idx.msk $0xffff, v23;
	v10 =	vshll.u32 v27, $0x7;
	v27 =	vld [tilespmem:$0x1FFA0]  }
0x272: {  	v53 =	vand.u32 $0xF, v28;
	v24 =	vld.idx.msk [tilespmem:v24+s17+$0x0], $0xffff;
	v10 =	vor.u32 v49, v10  }
0x273: {  	v28 =	vor.u32 s21, v53  }
0x274: {  	v23 =	vshll.u32 v28, $0x1  }
0x275: {  	v23 =	vor.u32 v19, v23  }
0x276: {  	v31 =	vld [tilespmem:$0x1FFD0];
	v23 =	vor.u32 v23, v20;
	v27 =	vcombine.low v62, v27  }
0x277: {  	[tilespmem:v10+s19+$0x0] =	vst.idx.msk $0xffff, v24;
	v10 =	vshll.u32 v28, $0x7;
	v28 =	vld [tilespmem:$0x1FFC0]  }
0x278: {  	v54 =	vand.u32 $0xF, v27  }
0x279: {  	v27 =	vor.u32 s21, v54  }
0x27a: {  	v24 =	vshll.u32 v27, $0x1  }
0x27b: {  	v10 =	vor.u32 v49, v10;
	v23 =	vld.idx.msk [tilespmem:v23+s17+$0x0], $0xffff;
	v24 =	vor.u32 v19, v24  }
0x27c: {  	v24 =	vor.u32 v24, v20;
	v28 =	vcombine.low v31, v28;
	_ =	sdelay $0x1  }
0x27d: {  	v55 =	vand.u32 $0xF, v28  }
0x27e: {  	v30 =	vld [tilespmem:$0x1FFE0];
	v28 =	vor.u32 s21, v55  }
0x27f: {  	v29 =	vld [tilespmem:$0x1FFF0];
	[tilespmem:v10+s19+$0x0] =	vst.idx.msk $0xffff, v23;
	v10 =	vshll.u32 v27, $0x7;
	v23 =	vshll.u32 v28, $0x1  }
0x280: {  	v24 =	vld.idx.msk [tilespmem:v24+s17+$0x0], $0xffff;
	v10 =	vor.u32 v49, v10;
	v23 =	vor.u32 v19, v23  }
0x281: {  	v23 =	vor.u32 v23, v20;
	_ =	sdelay $0x2  }
0x282: {  	v27 =	vcombine.low v29, v30  }
0x283: {  	[tilespmem:v10+s19+$0x0] =	vst.idx.msk $0xffff, v24;
	v10 =	vshll.u32 v28, $0x7  }
0x284: {  	v56 =	vand.u32 $0xF, v27;
	v23 =	vld.idx.msk [tilespmem:v23+s17+$0x0], $0xffff;
	v10 =	vor.u32 v49, v10  }
0x285: {  	v27 =	vor.u32 s21, v56  }
0x286: {  	v24 =	vshll.u32 v27, $0x1  }
0x287: {  	v24 =	vor.u32 v19, v24  }
0x288: {  	v24 =	vor.u32 v24, v20  }
0x289: {  	[tilespmem:v10+s19+$0x0] =	vst.idx.msk $0xffff, v23;
	v10 =	vshll.u32 v27, $0x7;
	v27 =	vld [tilespmem:$0x1FF20];
	_ =	sdelay $0x1  }
0x28a: {  	v28 =	vor.u32 s21, v57  }
0x28b: {  	v23 =	vshll.u32 v28, $0x1  }
0x28c: {  	v24 =	vld.idx.msk [tilespmem:v24+s17+$0x0], $0xffff;
	v10 =	vor.u32 v49, v10;
	v23 =	vor.u32 v19, v23  }
0x28d: {  	v23 =	vor.u32 v23, v20;
	v27 =	vcombine.low v27, v58;
	_ =	sdelay $0x1  }
0x28e: {  	v58 =	vand.u32 $0xF, v27  }
0x28f: {  	v27 =	vor.u32 s21, v58  }
0x290: {  	[tilespmem:v10+s19+$0x0] =	vst.idx.msk $0xffff, v24;
	v10 =	vshll.u32 v28, $0x7;
	v24 =	vshll.u32 v27, $0x1  }
0x291: {  	v23 =	vld.idx.msk [tilespmem:v23+s17+$0x0], $0xffff;
	v10 =	vor.u32 v49, v10;
	v24 =	vor.u32 v19, v24  }
0x292: {  	v28 =	vcombine.low v59, v32;
	v24 =	vor.u32 v24, v20;
	_ =	sdelay $0x1  }
0x293: {  	v59 =	vand.u32 $0xF, v28  }
0x294: {  	v28 =	vor.u32 s21, v59  }
0x295: {  	[tilespmem:v10+s19+$0x0] =	vst.idx.msk $0xffff, v23;
	v10 =	vshll.u32 v27, $0x7;
	v23 =	vshll.u32 v28, $0x1  }
0x296: {  	v10 =	vor.u32 v49, v10;
	v23 =	vor.u32 v19, v23;
	v24 =	vld.idx.msk [tilespmem:v24+s17+$0x0], $0xffff  }
0x297: {  	v27 =	vcombine.low v60, v61;
	v23 =	vor.u32 v23, v20;
	_ =	sdelay $0x1  }
0x298: {  	v60 =	vand.u32 $0xF, v27  }
0x299: {  	v27 =	vor.u32 s21, v60  }
0x29a: {  	[tilespmem:v10+s19+$0x0] =	vst.idx.msk $0xffff, v24;
	v10 =	vshll.u32 v28, $0x7;
	v24 =	vshll.u32 v27, $0x1;
	v28 =	vld [tilespmem:$0x1FF80]  }
0x29b: {  	v23 =	vld.idx.msk [tilespmem:v23+s17+$0x0], $0xffff;
	v10 =	vor.u32 v49, v10;
	v24 =	vor.u32 v19, v24  }
0x29c: {  	v24 =	vor.u32 v24, v20;
	_ =	sdelay $0x2  }
0x29d: {  	v28 =	vcombine.low v28, v63  }
0x29e: {  	[tilespmem:v10+s19+$0x0] =	vst.idx.msk $0xffff, v23;
	v10 =	vshll.u32 v27, $0x7;
	v27 =	vld [tilespmem:$0x1FFA0]  }
0x29f: {  	v61 =	vand.u32 $0xF, v28;
	v24 =	vld.idx.msk [tilespmem:v24+s17+$0x0], $0xffff;
	v10 =	vor.u32 v49, v10  }
0x2a0: {  	v28 =	vor.u32 s21, v61  }
0x2a1: {  	v23 =	vshll.u32 v28, $0x1  }
0x2a2: {  	v23 =	vor.u32 v19, v23  }
0x2a3: {  	v23 =	vor.u32 v23, v20;
	v27 =	vcombine.low v27, v62  }
0x2a4: {  	[tilespmem:v10+s19+$0x0] =	vst.idx.msk $0xffff, v24;
	v10 =	vshll.u32 v28, $0x7;
	v28 =	vld [tilespmem:$0x1FFC0]  }
0x2a5: {  	v62 =	vand.u32 $0xF, v27  }
0x2a6: {  	v27 =	vor.u32 s21, v62  }
0x2a7: {  	v24 =	vshll.u32 v27, $0x1  }
0x2a8: {  	v10 =	vor.u32 v49, v10;
	v23 =	vld.idx.msk [tilespmem:v23+s17+$0x0], $0xffff;
	v24 =	vor.u32 v19, v24  }
0x2a9: {  	v24 =	vor.u32 v24, v20;
	v28 =	vcombine.low v28, v31;
	_ =	sdelay $0x1  }
0x2aa: {  	v63 =	vand.u32 $0xF, v28  }
0x2ab: {  	v28 =	vor.u32 s21, v63  }
0x2ac: {  	[tilespmem:v10+s19+$0x0] =	vst.idx.msk $0xffff, v23;
	v10 =	vshll.u32 v27, $0x7;
	v23 =	vshll.u32 v28, $0x1  }
0x2ad: {  	v24 =	vld.idx.msk [tilespmem:v24+s17+$0x0], $0xffff;
	v27 =	vor.u32 v49, v10;
	v10 =	vor.u32 v19, v23  }
0x2ae: {  	v23 =	vcombine.low v30, v29;
	v29 =	vor.u32 v10, v20;
	_ =	sdelay $0x1  }
0x2af: {  	v10 =	vand.u32 $0xF, v23  }
0x2b0: {  	v23 =	vor.u32 s21, v10  }
0x2b1: {  	v30 =	vshll.u32 v23, $0x1;
	[tilespmem:v27+s19+$0x0] =	vst.idx.msk $0xffff, v24;
	v27 =	vshll.u32 v28, $0x7  }
0x2b2: {  	v19 =	vor.u32 v19, v30;
	v24 =	vld.idx.msk [tilespmem:v29+s17+$0x0], $0xffff;
	v28 =	vor.u32 v49, v27  }
0x2b3: {  	v27 =	vor.u32 v19, v20  }
0x2b4: {  	s22 =	simm.s32 $0x8  }
0x2b5: {  	s31 =	simm.s32 $0x10;
	s24 =	sand.u32 $0x70, s22  }
0x2b6: {  	s23 =	simm.s32 $0x20;
	s21 =	sand.u32 $0x10, s31;
	v20 =	vmov s24  }
.LBB2_13:
0x2b7: {  	p2 =	sne.s32 s23, $0xF0;
	v29 =	vor.u32 s24, v0;
	v19 =	vshrl.u32 v20, $0x6;
	v30 =	vor.u32 s21, v0;
	[tilespmem:v28+s19+$0x0] =	vst.idx.msk $0xffff, v24  }
0x2b8: {  	v23 =	vshll.u32 v23, $0x7;
	v20 =	vshll.u32 v30, $0x1;
	v24 =	vshll.u32 v29, $0x7;
	v27 =	vld.idx.msk [tilespmem:v27+s17+$0x0], $0xffff  }
0x2b9: {  	v23 =	vor.u32 v49, v23;
	v49 =	vmovc v29;
	v28 =	vor.u32 v19, v20;
	v20 =	vand.u32 $0x1F80, v24  }
0x2ba: {  	v24 =	vor.u32 v28, v20;
	_ =	sdelay $0x3  }
0x2bb: {  	v28 =	vor.u32 s21, v50;
	[tilespmem:v23+s19+$0x0] =	vst.idx.msk $0xffff, v27  }
0x2bc: {  	v27 =	vshll.u32 v28, $0x1;
	v23 =	vld.idx.msk [tilespmem:v24+s17+$0x0], $0xffff;
	v24 =	vshll.u32 v30, $0x7  }
0x2bd: {  	v27 =	vor.u32 v19, v27;
	v24 =	vor.u32 v49, v24  }
0x2be: {  	v27 =	vor.u32 v27, v20;
	_ =	sdelay $0x3  }
0x2bf: {  	[tilespmem:v24+s19+$0x0] =	vst.idx.msk $0xffff, v23;
	v23 =	vor.u32 s21, v51  }
0x2c0: {  	v24 =	vld.idx.msk [tilespmem:v27+s17+$0x0], $0xffff;
	v27 =	vshll.u32 v28, $0x7;
	v28 =	vshll.u32 v23, $0x1  }
0x2c1: {  	v27 =	vor.u32 v49, v27;
	v28 =	vor.u32 v19, v28  }
0x2c2: {  	v28 =	vor.u32 v28, v20;
	_ =	sdelay $0x3  }
0x2c3: {  	[tilespmem:v27+s19+$0x0] =	vst.idx.msk $0xffff, v24;
	v24 =	vor.u32 s21, v52  }
0x2c4: {  	v23 =	vshll.u32 v23, $0x7;
	v27 =	vld.idx.msk [tilespmem:v28+s17+$0x0], $0xffff;
	v28 =	vshll.u32 v24, $0x1  }
0x2c5: {  	v23 =	vor.u32 v49, v23;
	v28 =	vor.u32 v19, v28  }
0x2c6: {  	v28 =	vor.u32 v28, v20;
	_ =	sdelay $0x3  }
0x2c7: {  	[tilespmem:v23+s19+$0x0] =	vst.idx.msk $0xffff, v27;
	v23 =	vor.u32 s21, v53  }
0x2c8: {  	v24 =	vshll.u32 v24, $0x7;
	v27 =	vld.idx.msk [tilespmem:v28+s17+$0x0], $0xffff;
	v28 =	vshll.u32 v23, $0x1  }
0x2c9: {  	v24 =	vor.u32 v49, v24;
	v28 =	vor.u32 v19, v28  }
0x2ca: {  	v28 =	vor.u32 v28, v20;
	_ =	sdelay $0x3  }
0x2cb: {  	[tilespmem:v24+s19+$0x0] =	vst.idx.msk $0xffff, v27;
	v24 =	vor.u32 s21, v54  }
0x2cc: {  	v23 =	vshll.u32 v23, $0x7;
	v27 =	vld.idx.msk [tilespmem:v28+s17+$0x0], $0xffff;
	v28 =	vshll.u32 v24, $0x1  }
0x2cd: {  	v23 =	vor.u32 v49, v23;
	v28 =	vor.u32 v19, v28  }
0x2ce: {  	v28 =	vor.u32 v28, v20;
	_ =	sdelay $0x3  }
0x2cf: {  	[tilespmem:v23+s19+$0x0] =	vst.idx.msk $0xffff, v27;
	v23 =	vor.u32 s21, v55  }
0x2d0: {  	v24 =	vshll.u32 v24, $0x7;
	v27 =	vld.idx.msk [tilespmem:v28+s17+$0x0], $0xffff;
	v28 =	vshll.u32 v23, $0x1  }
0x2d1: {  	v24 =	vor.u32 v49, v24;
	v28 =	vor.u32 v19, v28  }
0x2d2: {  	v28 =	vor.u32 v28, v20;
	_ =	sdelay $0x3  }
0x2d3: {  	[tilespmem:v24+s19+$0x0] =	vst.idx.msk $0xffff, v27;
	v24 =	vor.u32 s21, v56  }
0x2d4: {  	v23 =	vshll.u32 v23, $0x7;
	v27 =	vld.idx.msk [tilespmem:v28+s17+$0x0], $0xffff;
	v28 =	vshll.u32 v24, $0x1  }
0x2d5: {  	v23 =	vor.u32 v49, v23;
	v28 =	vor.u32 v19, v28  }
0x2d6: {  	v28 =	vor.u32 v28, v20;
	_ =	sdelay $0x3  }
0x2d7: {  	[tilespmem:v23+s19+$0x0] =	vst.idx.msk $0xffff, v27;
	v23 =	vor.u32 s21, v57  }
0x2d8: {  	v24 =	vshll.u32 v24, $0x7;
	v27 =	vld.idx.msk [tilespmem:v28+s17+$0x0], $0xffff;
	v28 =	vshll.u32 v23, $0x1  }
0x2d9: {  	v24 =	vor.u32 v49, v24;
	v28 =	vor.u32 v19, v28  }
0x2da: {  	v28 =	vor.u32 v28, v20;
	_ =	sdelay $0x3  }
0x2db: {  	[tilespmem:v24+s19+$0x0] =	vst.idx.msk $0xffff, v27;
	v24 =	vor.u32 s21, v58  }
0x2dc: {  	v23 =	vshll.u32 v23, $0x7;
	v27 =	vld.idx.msk [tilespmem:v28+s17+$0x0], $0xffff;
	v28 =	vshll.u32 v24, $0x1  }
0x2dd: {  	v23 =	vor.u32 v49, v23;
	v28 =	vor.u32 v19, v28  }
0x2de: {  	v28 =	vor.u32 v28, v20;
	_ =	sdelay $0x3  }
0x2df: {  	[tilespmem:v23+s19+$0x0] =	vst.idx.msk $0xffff, v27;
	v23 =	vor.u32 s21, v59  }
0x2e0: {  	v24 =	vshll.u32 v24, $0x7;
	v27 =	vld.idx.msk [tilespmem:v28+s17+$0x0], $0xffff;
	v28 =	vshll.u32 v23, $0x1  }
0x2e1: {  	v24 =	vor.u32 v49, v24;
	v28 =	vor.u32 v19, v28  }
0x2e2: {  	v28 =	vor.u32 v28, v20;
	_ =	sdelay $0x3  }
0x2e3: {  	[tilespmem:v24+s19+$0x0] =	vst.idx.msk $0xffff, v27;
	v24 =	vor.u32 s21, v60  }
0x2e4: {  	v23 =	vshll.u32 v23, $0x7;
	v27 =	vld.idx.msk [tilespmem:v28+s17+$0x0], $0xffff;
	v28 =	vshll.u32 v24, $0x1  }
0x2e5: {  	v23 =	vor.u32 v49, v23;
	v28 =	vor.u32 v19, v28  }
0x2e6: {  	v28 =	vor.u32 v28, v20;
	_ =	sdelay $0x3  }
0x2e7: {  	[tilespmem:v23+s19+$0x0] =	vst.idx.msk $0xffff, v27;
	v23 =	vor.u32 s21, v61  }
0x2e8: {  	v24 =	vshll.u32 v24, $0x7;
	v27 =	vld.idx.msk [tilespmem:v28+s17+$0x0], $0xffff;
	v28 =	vshll.u32 v23, $0x1  }
0x2e9: {  	v24 =	vor.u32 v49, v24;
	v28 =	vor.u32 v19, v28  }
0x2ea: {  	v28 =	vor.u32 v28, v20;
	_ =	sdelay $0x3  }
0x2eb: {  	[tilespmem:v24+s19+$0x0] =	vst.idx.msk $0xffff, v27;
	v24 =	vor.u32 s21, v62  }
0x2ec: {  	v23 =	vshll.u32 v23, $0x7;
	v27 =	vld.idx.msk [tilespmem:v28+s17+$0x0], $0xffff;
	v28 =	vshll.u32 v24, $0x1  }
0x2ed: {  	v23 =	vor.u32 v49, v23;
	v28 =	vor.u32 v19, v28  }
0x2ee: {  	v28 =	vor.u32 v28, v20;
	_ =	sdelay $0x3  }
0x2ef: {  	[tilespmem:v23+s19+$0x0] =	vst.idx.msk $0xffff, v27;
	v27 =	vor.u32 s21, v63  }
0x2f0: {  	v24 =	vshll.u32 v24, $0x7;
	v23 =	vld.idx.msk [tilespmem:v28+s17+$0x0], $0xffff;
	v28 =	vshll.u32 v27, $0x1  }
0x2f1: {  	v24 =	vor.u32 v49, v24;
	v28 =	vor.u32 v19, v28  }
0x2f2: {  	v28 =	vor.u32 v28, v20;
	_ =	sdelay $0x3  }
0x2f3: {  	[tilespmem:v24+s19+$0x0] =	vst.idx.msk $0xffff, v23;
	v23 =	vor.u32 s21, v10  }
0x2f4: {  	v27 =	vshll.u32 v27, $0x7;
	v24 =	vld.idx.msk [tilespmem:v28+s17+$0x0], $0xffff;
	v29 =	vshll.u32 v23, $0x1  }
.Ltmp10:
0x2f5: {  	v28 =	vor.u32 v49, v27;
	v19 =	vor.u32 v19, v29;
	(pc) =	sbr.rel @p2 .LBB2_13-.Ltmp10, $4  }
0x2f6: {  	v27 =	vor.u32 v19, v20  }
0x2f7: {  	s22 =	sadd.s32 $0x8, s22  }
0x2f8: {  	s24 =	sand.u32 $0x70, s22  }
0x2f9: {  	s21 =	sand.u32 $0x10, s23;
	s23 =	sadd.s32 $0x10, s23;
	v20 =	vmov s24  }
0x2fa: {  	_ =	sdelay $0x2  }
0x2fb: {  	v19 =	vor.u32 s24, v0;
	v20 =	vshrl.u32 v20, $0x6;
	v29 =	vor.u32 s21, v0  }
0x2fc: {  	[tilespmem:v28+s19+$0x0] =	vst.idx.msk $0xffff, v24;
	v23 =	vshll.u32 v23, $0x7;
	v24 =	vshll.u32 v29, $0x1;
	v32 =	vshll.u32 v19, $0x7  }
0x2fd: {  	v27 =	vld.idx.msk [tilespmem:v27+s17+$0x0], $0xffff;
	v23 =	vor.u32 v49, v23;
	v24 =	vor.u32 v20, v24;
	v28 =	vand.u32 $0x1F80, v32  }
0x2fe: {  	v24 =	vor.u32 v24, v28;
	_ =	sdelay $0x2  }
0x2ff: {  	v30 =	vor.u32 s21, v50  }
0x300: {  	[tilespmem:v23+s19+$0x0] =	vst.idx.msk $0xffff, v27;
	v23 =	vshll.u32 v29, $0x7;
	v27 =	vshll.u32 v30, $0x1  }
0x301: {  	v23 =	vor.u32 v19, v23;
	v27 =	vor.u32 v20, v27;
	v24 =	vld.idx.msk [tilespmem:v24+s17+$0x0], $0xffff  }
0x302: {  	v27 =	vor.u32 v27, v28;
	_ =	sdelay $0x2  }
0x303: {  	v50 =	vor.u32 s21, v51  }
0x304: {  	[tilespmem:v23+s19+$0x0] =	vst.idx.msk $0xffff, v24;
	v23 =	vshll.u32 v30, $0x7;
	v24 =	vshll.u32 v50, $0x1  }
0x305: {  	v27 =	vld.idx.msk [tilespmem:v27+s17+$0x0], $0xffff;
	v23 =	vor.u32 v19, v23;
	v24 =	vor.u32 v20, v24  }
0x306: {  	v24 =	vor.u32 v24, v28;
	_ =	sdelay $0x2  }
0x307: {  	v51 =	vor.u32 s21, v52  }
0x308: {  	[tilespmem:v23+s19+$0x0] =	vst.idx.msk $0xffff, v27;
	v23 =	vshll.u32 v50, $0x7;
	v27 =	vshll.u32 v51, $0x1  }
0x309: {  	v24 =	vld.idx.msk [tilespmem:v24+s17+$0x0], $0xffff;
	v23 =	vor.u32 v19, v23;
	v27 =	vor.u32 v20, v27  }
0x30a: {  	v27 =	vor.u32 v27, v28;
	_ =	sdelay $0x2  }
0x30b: {  	v52 =	vor.u32 s21, v53  }
0x30c: {  	[tilespmem:v23+s19+$0x0] =	vst.idx.msk $0xffff, v24;
	v23 =	vshll.u32 v51, $0x7;
	v24 =	vshll.u32 v52, $0x1  }
0x30d: {  	v27 =	vld.idx.msk [tilespmem:v27+s17+$0x0], $0xffff;
	v23 =	vor.u32 v19, v23;
	v24 =	vor.u32 v20, v24  }
0x30e: {  	v24 =	vor.u32 v24, v28;
	_ =	sdelay $0x2  }
0x30f: {  	v53 =	vor.u32 s21, v54  }
0x310: {  	[tilespmem:v23+s19+$0x0] =	vst.idx.msk $0xffff, v27;
	v23 =	vshll.u32 v52, $0x7;
	v27 =	vshll.u32 v53, $0x1  }
0x311: {  	v24 =	vld.idx.msk [tilespmem:v24+s17+$0x0], $0xffff;
	v23 =	vor.u32 v19, v23;
	v27 =	vor.u32 v20, v27  }
0x312: {  	v27 =	vor.u32 v27, v28;
	_ =	sdelay $0x2  }
0x313: {  	v54 =	vor.u32 s21, v55  }
0x314: {  	[tilespmem:v23+s19+$0x0] =	vst.idx.msk $0xffff, v24;
	v23 =	vshll.u32 v53, $0x7;
	v24 =	vshll.u32 v54, $0x1  }
0x315: {  	v27 =	vld.idx.msk [tilespmem:v27+s17+$0x0], $0xffff;
	v23 =	vor.u32 v19, v23;
	v24 =	vor.u32 v20, v24  }
0x316: {  	v24 =	vor.u32 v24, v28;
	_ =	sdelay $0x2  }
0x317: {  	v55 =	vor.u32 s21, v56  }
0x318: {  	[tilespmem:v23+s19+$0x0] =	vst.idx.msk $0xffff, v27;
	v23 =	vshll.u32 v54, $0x7;
	v27 =	vshll.u32 v55, $0x1  }
0x319: {  	v24 =	vld.idx.msk [tilespmem:v24+s17+$0x0], $0xffff;
	v23 =	vor.u32 v19, v23;
	v27 =	vor.u32 v20, v27  }
0x31a: {  	v27 =	vor.u32 v27, v28;
	_ =	sdelay $0x2  }
0x31b: {  	v56 =	vor.u32 s21, v57  }
0x31c: {  	[tilespmem:v23+s19+$0x0] =	vst.idx.msk $0xffff, v24;
	v23 =	vshll.u32 v55, $0x7;
	v24 =	vshll.u32 v56, $0x1  }
0x31d: {  	v27 =	vld.idx.msk [tilespmem:v27+s17+$0x0], $0xffff;
	v23 =	vor.u32 v19, v23;
	v24 =	vor.u32 v20, v24  }
0x31e: {  	v24 =	vor.u32 v24, v28;
	_ =	sdelay $0x2  }
0x31f: {  	v58 =	vor.u32 s21, v58  }
0x320: {  	[tilespmem:v23+s19+$0x0] =	vst.idx.msk $0xffff, v27;
	v23 =	vshll.u32 v56, $0x7;
	v27 =	vshll.u32 v58, $0x1  }
0x321: {  	v24 =	vld.idx.msk [tilespmem:v24+s17+$0x0], $0xffff;
	v23 =	vor.u32 v19, v23;
	v27 =	vor.u32 v20, v27  }
0x322: {  	v27 =	vor.u32 v27, v28;
	_ =	sdelay $0x2  }
0x323: {  	v59 =	vor.u32 s21, v59  }
0x324: {  	[tilespmem:v23+s19+$0x0] =	vst.idx.msk $0xffff, v24;
	v23 =	vshll.u32 v58, $0x7;
	v24 =	vshll.u32 v59, $0x1  }
0x325: {  	v27 =	vld.idx.msk [tilespmem:v27+s17+$0x0], $0xffff;
	v23 =	vor.u32 v19, v23;
	v24 =	vor.u32 v20, v24  }
0x326: {  	v24 =	vor.u32 v24, v28;
	_ =	sdelay $0x2  }
0x327: {  	v60 =	vor.u32 s21, v60  }
0x328: {  	[tilespmem:v23+s19+$0x0] =	vst.idx.msk $0xffff, v27;
	v23 =	vshll.u32 v59, $0x7;
	v27 =	vshll.u32 v60, $0x1  }
0x329: {  	v24 =	vld.idx.msk [tilespmem:v24+s17+$0x0], $0xffff;
	v23 =	vor.u32 v19, v23;
	v27 =	vor.u32 v20, v27  }
0x32a: {  	v27 =	vor.u32 v27, v28;
	_ =	sdelay $0x2  }
0x32b: {  	v61 =	vor.u32 s21, v61  }
0x32c: {  	[tilespmem:v23+s19+$0x0] =	vst.idx.msk $0xffff, v24;
	v23 =	vshll.u32 v60, $0x7;
	v24 =	vshll.u32 v61, $0x1  }
0x32d: {  	v27 =	vld.idx.msk [tilespmem:v27+s17+$0x0], $0xffff;
	v23 =	vor.u32 v19, v23;
	v24 =	vor.u32 v20, v24  }
0x32e: {  	v24 =	vor.u32 v24, v28;
	_ =	sdelay $0x2  }
0x32f: {  	v62 =	vor.u32 s21, v62  }
0x330: {  	[tilespmem:v23+s19+$0x0] =	vst.idx.msk $0xffff, v27;
	v23 =	vshll.u32 v61, $0x7;
	v27 =	vshll.u32 v62, $0x1  }
0x331: {  	v24 =	vld.idx.msk [tilespmem:v24+s17+$0x0], $0xffff;
	v23 =	vor.u32 v19, v23;
	v27 =	vor.u32 v20, v27  }
0x332: {  	v27 =	vor.u32 v27, v28;
	_ =	sdelay $0x2  }
0x333: {  	v63 =	vor.u32 s21, v63  }
0x334: {  	[tilespmem:v23+s19+$0x0] =	vst.idx.msk $0xffff, v24;
	v23 =	vshll.u32 v62, $0x7;
	v24 =	vshll.u32 v63, $0x1  }
0x335: {  	v27 =	vld.idx.msk [tilespmem:v27+s17+$0x0], $0xffff;
	v23 =	vor.u32 v19, v23;
	v24 =	vor.u32 v20, v24  }
0x336: {  	v24 =	vor.u32 v24, v28;
	_ =	sdelay $0x2  }
0x337: {  	v10 =	vor.u32 s21, v10  }
0x338: {  	[tilespmem:v23+s19+$0x0] =	vst.idx.msk $0xffff, v27;
	v23 =	vshll.u32 v63, $0x7;
	v27 =	vshll.u32 v10, $0x1  }
0x339: {  	v24 =	vld.idx.msk [tilespmem:v24+s17+$0x0], $0xffff;
	v23 =	vor.u32 v19, v23;
	v20 =	vor.u32 v20, v27  }
0x33a: {  	v20 =	vor.u32 v20, v28;
	_ =	sdelay $0x3  }
0x33b: {  	v10 =	vshll.u32 v10, $0x7;
	[tilespmem:v23+s19+$0x0] =	vst.idx.msk $0xffff, v24  }
0x33c: {  	v10 =	vor.u32 v19, v10;
	v20 =	vld.idx.msk [tilespmem:v20+s17+$0x0], $0xffff;
	_ =	sdelay $0x4  }
.Ltmp11:
0x33d: {  	[tilespmem:v10+s19+$0x0] =	vst.idx.msk $0xffff, v20;
	(pc) =	sbr.rel .LBB2_15-.Ltmp11, $4  }
0x33e: {  	[hbm4b:s9+s5] =	stream.linear.scatter [tilespmem:s19], [sflag:$0x5], $0x1000, $0x38;
	[tilespmem:$0x13000] =	vst v63  }
0x33f: {  	_ =	swait.ge [sflag:s18], $0x1000  }
0x340: {  	[sflag:s18] =	ssyncset.done $0x0  }
0x341: {  	[sflag:s18] =	ssyncadd.s32 $0xFFFFF000  }
.LBB2_16:
0x342: {  	_ =	sfence.sel $0x180000  }
0x343: {  	[bflag:$0x0] =	sbarrier.arrive $0xFFFF  }
0x344: {  	_ =	strace $0x90000047  }
0x345: {  	s0 =	sadd.s32 @!p0 $0x100000, s3;
	[bflag:$0x2] =	sbarrier.arrive $0xFFFF  }
0x346: {  	[sflag:s0] =	ssyncadd.tile.s32 @!p0 $0x1;
	_ =	shalt  }
.Lfunc_end2:
_tile_overlayer_lowered:
.L_overlay_start_2:
0x347: {  	(tag) =	ssettag $0x2  }
0x348: {  	s0 =	rddreg [dreg:$0x0];
	s2 =	stileid.u32  }
0x349: {  	s1 =	rddreg [dreg:$0x1];
	p0 =	sne.s32 s2, $0x0  }
0x34a: {  	s3 =	rddreg [dreg:$0x2];
	[bflag:$0x3] =	sbarrier.arrive $0xFFFF;
	s2 =	simm.s32 @!p0 $0x1C05  }
0x34b: {  	[timem:s3], [sflag:s2] =	dma.local @!p0 [hbm:s0], s1  }
0x34c: {  	s0 =	simm.s32 @!p0 $0x5  }
0x34d: {  	_ =	swait.ge @!p0 [sflag:s0], s1  }
0x34e: {  	s1 =	ssub.s32 @!p0 $0x0, s1;
	[sflag:s0] =	ssyncset.done @!p0 $0x0  }
0x34f: {  	[sflag:s0] =	ssyncadd.s32 @!p0 s1  }
0x350: {  	[bflag:$0x3] =	sbarrier.arrive $0xFFFF  }
0x351: {  	_ =	shalt  }

</sc_bundles>
